<compile_context>
chip_gen: v7x
topology: tpu7x:2x2x1
jax: 0.10.2.dev20260603
libtpu: 0.0.44.dev20260713+nightly
codegen_flags: <defaults>
</compile_context>

<pallas_src>
import functools
import jax
import jax.numpy as jnp
from jax import lax
from jax.experimental import pallas as pl
from jax.experimental.pallas import tpu as pltpu
from jax.experimental.pallas import tpu_sc as plsc

NC = 2
NS = 16
L = 16
NW = NC * NS
B = 16384
D = 64
V = 1000000
BPW = B // NW
CHUNK = 128
HALFW = BPW // 2
NPASS = 2
RC = 8192
TGRID = (V + RC - 1) // RC
VPAD = TGRID * RC

_mesh = plsc.VectorSubcoreMesh(core_axis_name="c", subcore_axis_name="s")


def _tr_body(u_ref, out_ref):
    tu = jnp.swapaxes(u_ref[...], 0, 1)
    out_ref[...] = jnp.concatenate(
        [tu, jnp.zeros((RC, D), jnp.float32)], axis=1)


_tc_user = pl.pallas_call(
    _tr_body,
    grid=(TGRID,),
    in_specs=[
        pl.BlockSpec((D, RC), lambda i: (0, i)),
    ],
    out_specs=pl.BlockSpec((RC, 2 * D), lambda i: (i, 0)),
    out_shape=jax.ShapeDtypeStruct((VPAD, 2 * D), jnp.float32),
    compiler_params=pltpu.CompilerParams(
        dimension_semantics=("parallel",)),
)


@functools.partial(
    pl.kernel,
    out_type=jax.ShapeDtypeStruct((B,), jnp.float32),
    mesh=_mesh,
    compiler_params=pltpu.CompilerParams(needs_layout_passes=False),
    scratch_types=[
        pltpu.VMEM((BPW // CHUNK, CHUNK), jnp.int32),
        pltpu.VMEM((BPW // CHUNK, CHUNK), jnp.int32),
        pltpu.VMEM((HALFW, 2 * D), jnp.float32),
        pltpu.VMEM((HALFW, 2 * D), jnp.float32),
        pltpu.VMEM((BPW,), jnp.float32),
        pltpu.SemaphoreType.DMA,
    ],
)
def _mf_rating(user_hbm, item_hbm, utbl_hbm, itbl_hbm, out_hbm,
               uidx, iidx, urows, irows, out_v, gsem):
    wid = lax.axis_index("s") * NC + lax.axis_index("c")
    base = wid * BPW
    nchunk = BPW // CHUNK

    for c in range(nchunk):
        pltpu.sync_copy(user_hbm.at[pl.ds(base + c * CHUNK, CHUNK)],
                        uidx.at[c])
        pltpu.sync_copy(item_hbm.at[pl.ds(base + c * CHUNK, CHUNK)],
                        iidx.at[c])

    row_iota = lax.iota(jnp.int32, L)

    def do_pass(p):
        copies = []
        for cc in range(HALFW // CHUNK):
            c = p * (HALFW // CHUNK) + cc
            copies.append(pltpu.async_copy(
                utbl_hbm.at[uidx.at[c]],
                urows.at[pl.ds(cc * CHUNK, CHUNK)], gsem))
            copies.append(pltpu.async_copy(
                itbl_hbm.at[iidx.at[c]],
                irows.at[pl.ds(cc * CHUNK, CHUNK)], gsem))
        for cp in copies:
            cp.wait()

        def group(g, carry):
            idx_row = g * L + row_iota
            acc = jnp.zeros((L,), jnp.float32)
            for d in range(D):
                dvec = jnp.full((L,), d, jnp.int32)
                u = plsc.load_gather(urows, [idx_row, dvec])
                i = plsc.load_gather(irows, [idx_row, dvec])
                acc = acc + u * i
            out_v[pl.ds(p * HALFW + g * L, L)] = acc
            return carry

        lax.fori_loop(0, HALFW // L, group, 0)

    for p in range(NPASS):
        do_pass(p)

    pltpu.sync_copy(out_v, out_hbm.at[pl.ds(base, BPW)])


def kernel(user, item, user_emb, item_emb):
    utbl = _tc_user(user_emb.T)
    ipad = jnp.pad(item_emb, ((0, 0), (0, D)))
    return _mf_rating(user, item, utbl, ipad)

# --- scband reference (transcript-rebuilt; emitter-appended) ---
"""Pipeline reference for scband-trad-model-21457656610916 (READ-ONLY COPY).

The authoritative reference and input builder live on the scoring server;
editing this copy changes nothing except your own understanding.
"""

import jax, jax.numpy as jnp
import numpy as np

NUSER = 1000000
NITEM = 1000000
EMSIZE = 64
BATCH = 16384

def setup_inputs(seed: int = 0) -> dict:
    key = jax.random.key(seed)
    k1, k2, k3, k4 = jax.random.split(key, 4)
    user = jax.random.randint(k1, (BATCH,), 0, NUSER, dtype=jnp.int64 if jax.config.jax_enable_x64 else jnp.int32).astype(jnp.int32)
    item = jax.random.randint(k2, (BATCH,), 0, NITEM, dtype=jnp.int64 if jax.config.jax_enable_x64 else jnp.int32).astype(jnp.int32)
    initrange = 0.1
    user_emb = jax.random.uniform(k3, (NUSER, EMSIZE), dtype=jnp.float32, minval=-initrange, maxval=initrange)
    item_emb = jax.random.uniform(k4, (NITEM, EMSIZE), dtype=jnp.float32, minval=-initrange, maxval=initrange)
    return {"user": user, "item": item, "user_emb": user_emb, "item_emb": item_emb}

def reference(user, item, user_emb, item_emb):
    # TradModel.forward with model_name='mf'
    u_src = jnp.take(user_emb, user, axis=0)  # [B, emsize] embedding lookup
    i_src = jnp.take(item_emb, item, axis=0)  # [B, emsize]
    # MF.forward: elementwise product + sum over feature dim
    rating = jnp.sum(u_src * i_src, axis=1)   # [B]
    return rating

if __name__ == "__main__":
    import jax
    _d = setup_inputs()
    print(jax.jit(kernel)(*tuple(_d.values())))

</pallas_src>

<mosaic_0001>
#map = affine_map<(d0, d1) -> (0)>
#map1 = affine_map<(d0, d1) -> (0, 0)>
module attributes {stable_mosaic.version = 14 : i64} {
  func.func @_mf_rating(%arg0: i32, %arg1: i32, %arg2: memref<16384xi32, #tpu.memory_space<hbm>>, %arg3: memref<16384xi32, #tpu.memory_space<hbm>>, %arg4: memref<1007616x128xf32, #tpu.memory_space<hbm>>, %arg5: memref<1000000x128xf32, #tpu.memory_space<hbm>>, %arg6: memref<16384xf32, #tpu.memory_space<hbm>>, %arg7: memref<4x128xi32, #tpu.memory_space<vmem>>, %arg8: memref<4x128xi32, #tpu.memory_space<vmem>>, %arg9: memref<256x128xf32, #tpu.memory_space<vmem>>, %arg10: memref<256x128xf32, #tpu.memory_space<vmem>>, %arg11: memref<512xf32, #tpu.memory_space<vmem>>, %arg12: memref<!tpu.dma_semaphore, #tpu.memory_space<semaphore_mem>>) attributes {dimension_semantics = [#tpu.dimension_semantics<core_parallel>, #tpu.dimension_semantics<subcore_parallel>], iteration_bounds = array<i64: 2, 16>, scalar_prefetch = 0 : i64, scratch_operands = 6 : i64, tpu.core_type = #tpu.core_type<sc_vector_subcore>, window_params = [{transform_indices = #map}, {transform_indices = #map}, {transform_indices = #map1}, {transform_indices = #map1}, {transform_indices = #map}]} {
    %mul3A = arith.constant 2 : i32
    %mul3A_0 = arith.muli %arg1, %mul3A : i32
    %add3A = arith.addi %mul3A_0, %arg0 : i32
    %mul3A_1 = arith.constant 512 : i32
    %mul3A_2 = arith.muli %add3A, %mul3A_1 : i32
    %add3A_3 = arith.constant 0 : i32
    %add3A_4 = arith.addi %mul3A_2, %add3A_3 : i32
    %run_scoped3A = arith.constant 0 : i32
    "tpu.region"() ({
      %run_scoped3A_195 = tpu.sem_alloc : memref<!tpu.dma_semaphore, #tpu.memory_space<semaphore_mem>>
      %dma_start3A_196 = arith.constant 0 : i32
      %dma_start3A_197 = tpu.memref_slice %arg7[%run_scoped3A, %dma_start3A_196] : memref<4x128xi32, #tpu.memory_space<vmem>> -> memref<1x128xi32, #tpu.memory_space<vmem>>
      %dma_start3A_198 = tpu.memref_squeeze %dma_start3A_197 : memref<1x128xi32, #tpu.memory_space<vmem>> -> memref<128xi32, #tpu.memory_space<vmem>>
      %dma_start3A_199 = tpu.memref_slice %arg2[%add3A_4] : memref<16384xi32, #tpu.memory_space<hbm>> -> memref<128xi32, #tpu.memory_space<hbm>>
      %dma_start3A_200 = arith.constant 0 : i32
      %dma_start3A_201 = tpu.memref_slice %arg7[%run_scoped3A, %dma_start3A_200] : memref<4x128xi32, #tpu.memory_space<vmem>> -> memref<1x128xi32, #tpu.memory_space<vmem>>
      %dma_start3A_202 = tpu.memref_squeeze %dma_start3A_201 : memref<1x128xi32, #tpu.memory_space<vmem>> -> memref<128xi32, #tpu.memory_space<vmem>>
      %dma_start3A_203 = tpu.memref_slice %arg2[%add3A_4] : memref<16384xi32, #tpu.memory_space<hbm>> -> memref<128xi32, #tpu.memory_space<hbm>>
      tpu.enqueue_dma source(%dma_start3A_203 : memref<128xi32, #tpu.memory_space<hbm>>) target(%dma_start3A_202 : memref<128xi32, #tpu.memory_space<vmem>>) target_semaphore(%run_scoped3A_195 : memref<!tpu.dma_semaphore, #tpu.memory_space<semaphore_mem>>)
      %dma_wait3A_204 = arith.constant 0 : i32
      %dma_wait3A_205 = tpu.memref_slice %arg7[%run_scoped3A, %dma_wait3A_204] : memref<4x128xi32, #tpu.memory_space<vmem>> -> memref<1x128xi32, #tpu.memory_space<vmem>>
      %dma_wait3A_206 = tpu.memref_squeeze %dma_wait3A_205 : memref<1x128xi32, #tpu.memory_space<vmem>> -> memref<128xi32, #tpu.memory_space<vmem>>
      %dma_wait3A_207 = tpu.memref_slice %arg2[%add3A_4] : memref<16384xi32, #tpu.memory_space<hbm>> -> memref<128xi32, #tpu.memory_space<hbm>>
      %dma_wait3A_208 = arith.constant 0 : i32
      %dma_wait3A_209 = tpu.memref_slice %arg7[%run_scoped3A, %dma_wait3A_208] : memref<4x128xi32, #tpu.memory_space<vmem>> -> memref<1x128xi32, #tpu.memory_space<vmem>>
      %dma_wait3A_210 = tpu.memref_squeeze %dma_wait3A_209 : memref<1x128xi32, #tpu.memory_space<vmem>> -> memref<128xi32, #tpu.memory_space<vmem>>
      %dma_wait3A_211 = tpu.memref_slice %arg2[%add3A_4] : memref<16384xi32, #tpu.memory_space<hbm>> -> memref<128xi32, #tpu.memory_space<hbm>>
      tpu.wait_dma2 semaphore(%run_scoped3A_195 : memref<!tpu.dma_semaphore, #tpu.memory_space<semaphore_mem>>) src(%dma_wait3A_211 : memref<128xi32, #tpu.memory_space<hbm>>) dst(%dma_wait3A_210 : memref<128xi32, #tpu.memory_space<vmem>>)
      tpu.yield
    }) : () -> ()
    %add3A_5 = arith.constant 0 : i32
    %add3A_6 = arith.addi %mul3A_2, %add3A_5 : i32
    %run_scoped3A_7 = arith.constant 0 : i32
    "tpu.region"() ({
      %run_scoped3A_195 = tpu.sem_alloc : memref<!tpu.dma_semaphore, #tpu.memory_space<semaphore_mem>>
      %dma_start3A_196 = arith.constant 0 : i32
      %dma_start3A_197 = tpu.memref_slice %arg8[%run_scoped3A_7, %dma_start3A_196] : memref<4x128xi32, #tpu.memory_space<vmem>> -> memref<1x128xi32, #tpu.memory_space<vmem>>
      %dma_start3A_198 = tpu.memref_squeeze %dma_start3A_197 : memref<1x128xi32, #tpu.memory_space<vmem>> -> memref<128xi32, #tpu.memory_space<vmem>>
      %dma_start3A_199 = tpu.memref_slice %arg3[%add3A_6] : memref<16384xi32, #tpu.memory_space<hbm>> -> memref<128xi32, #tpu.memory_space<hbm>>
      %dma_start3A_200 = arith.constant 0 : i32
      %dma_start3A_201 = tpu.memref_slice %arg8[%run_scoped3A_7, %dma_start3A_200] : memref<4x128xi32, #tpu.memory_space<vmem>> -> memref<1x128xi32, #tpu.memory_space<vmem>>
      %dma_start3A_202 = tpu.memref_squeeze %dma_start3A_201 : memref<1x128xi32, #tpu.memory_space<vmem>> -> memref<128xi32, #tpu.memory_space<vmem>>
      %dma_start3A_203 = tpu.memref_slice %arg3[%add3A_6] : memref<16384xi32, #tpu.memory_space<hbm>> -> memref<128xi32, #tpu.memory_space<hbm>>
      tpu.enqueue_dma source(%dma_start3A_203 : memref<128xi32, #tpu.memory_space<hbm>>) target(%dma_start3A_202 : memref<128xi32, #tpu.memory_space<vmem>>) target_semaphore(%run_scoped3A_195 : memref<!tpu.dma_semaphore, #tpu.memory_space<semaphore_mem>>)
      %dma_wait3A_204 = arith.constant 0 : i32
      %dma_wait3A_205 = tpu.memref_slice %arg8[%run_scoped3A_7, %dma_wait3A_204] : memref<4x128xi32, #tpu.memory_space<vmem>> -> memref<1x128xi32, #tpu.memory_space<vmem>>
      %dma_wait3A_206 = tpu.memref_squeeze %dma_wait3A_205 : memref<1x128xi32, #tpu.memory_space<vmem>> -> memref<128xi32, #tpu.memory_space<vmem>>
      %dma_wait3A_207 = tpu.memref_slice %arg3[%add3A_6] : memref<16384xi32, #tpu.memory_space<hbm>> -> memref<128xi32, #tpu.memory_space<hbm>>
      %dma_wait3A_208 = arith.constant 0 : i32
      %dma_wait3A_209 = tpu.memref_slice %arg8[%run_scoped3A_7, %dma_wait3A_208] : memref<4x128xi32, #tpu.memory_space<vmem>> -> memref<1x128xi32, #tpu.memory_space<vmem>>
      %dma_wait3A_210 = tpu.memref_squeeze %dma_wait3A_209 : memref<1x128xi32, #tpu.memory_space<vmem>> -> memref<128xi32, #tpu.memory_space<vmem>>
      %dma_wait3A_211 = tpu.memref_slice %arg3[%add3A_6] : memref<16384xi32, #tpu.memory_space<hbm>> -> memref<128xi32, #tpu.memory_space<hbm>>
      tpu.wait_dma2 semaphore(%run_scoped3A_195 : memref<!tpu.dma_semaphore, #tpu.memory_space<semaphore_mem>>) src(%dma_wait3A_211 : memref<128xi32, #tpu.memory_space<hbm>>) dst(%dma_wait3A_210 : memref<128xi32, #tpu.memory_space<vmem>>)
      tpu.yield
    }) : () -> ()
    %add3A_8 = arith.constant 128 : i32
    %add3A_9 = arith.addi %mul3A_2, %add3A_8 : i32
    %run_scoped3A_10 = arith.constant 1 : i32
    "tpu.region"() ({
      %run_scoped3A_195 = tpu.sem_alloc : memref<!tpu.dma_semaphore, #tpu.memory_space<semaphore_mem>>
      %dma_start3A_196 = arith.constant 0 : i32
      %dma_start3A_197 = tpu.memref_slice %arg7[%run_scoped3A_10, %dma_start3A_196] : memref<4x128xi32, #tpu.memory_space<vmem>> -> memref<1x128xi32, #tpu.memory_space<vmem>>
      %dma_start3A_198 = tpu.memref_squeeze %dma_start3A_197 : memref<1x128xi32, #tpu.memory_space<vmem>> -> memref<128xi32, #tpu.memory_space<vmem>>
      %dma_start3A_199 = tpu.memref_slice %arg2[%add3A_9] : memref<16384xi32, #tpu.memory_space<hbm>> -> memref<128xi32, #tpu.memory_space<hbm>>
      %dma_start3A_200 = arith.constant 0 : i32
      %dma_start3A_201 = tpu.memref_slice %arg7[%run_scoped3A_10, %dma_start3A_200] : memref<4x128xi32, #tpu.memory_space<vmem>> -> memref<1x128xi32, #tpu.memory_space<vmem>>
      %dma_start3A_202 = tpu.memref_squeeze %dma_start3A_201 : memref<1x128xi32, #tpu.memory_space<vmem>> -> memref<128xi32, #tpu.memory_space<vmem>>
      %dma_start3A_203 = tpu.memref_slice %arg2[%add3A_9] : memref<16384xi32, #tpu.memory_space<hbm>> -> memref<128xi32, #tpu.memory_space<hbm>>
      tpu.enqueue_dma source(%dma_start3A_203 : memref<128xi32, #tpu.memory_space<hbm>>) target(%dma_start3A_202 : memref<128xi32, #tpu.memory_space<vmem>>) target_semaphore(%run_scoped3A_195 : memref<!tpu.dma_semaphore, #tpu.memory_space<semaphore_mem>>)
      %dma_wait3A_204 = arith.constant 0 : i32
      %dma_wait3A_205 = tpu.memref_slice %arg7[%run_scoped3A_10, %dma_wait3A_204] : memref<4x128xi32, #tpu.memory_space<vmem>> -> memref<1x128xi32, #tpu.memory_space<vmem>>
      %dma_wait3A_206 = tpu.memref_squeeze %dma_wait3A_205 : memref<1x128xi32, #tpu.memory_space<vmem>> -> memref<128xi32, #tpu.memory_space<vmem>>
      %dma_wait3A_207 = tpu.memref_slice %arg2[%add3A_9] : memref<16384xi32, #tpu.memory_space<hbm>> -> memref<128xi32, #tpu.memory_space<hbm>>
      %dma_wait3A_208 = arith.constant 0 : i32
      %dma_wait3A_209 = tpu.memref_slice %arg7[%run_scoped3A_10, %dma_wait3A_208] : memref<4x128xi32, #tpu.memory_space<vmem>> -> memref<1x128xi32, #tpu.memory_space<vmem>>
      %dma_wait3A_210 = tpu.memref_squeeze %dma_wait3A_209 : memref<1x128xi32, #tpu.memory_space<vmem>> -> memref<128xi32, #tpu.memory_space<vmem>>
      %dma_wait3A_211 = tpu.memref_slice %arg2[%add3A_9] : memref<16384xi32, #tpu.memory_space<hbm>> -> memref<128xi32, #tpu.memory_space<hbm>>
      tpu.wait_dma2 semaphore(%run_scoped3A_195 : memref<!tpu.dma_semaphore, #tpu.memory_space<semaphore_mem>>) src(%dma_wait3A_211 : memref<128xi32, #tpu.memory_space<hbm>>) dst(%dma_wait3A_210 : memref<128xi32, #tpu.memory_space<vmem>>)
      tpu.yield
    }) : () -> ()
    %add3A_11 = arith.constant 128 : i32
    %add3A_12 = arith.addi %mul3A_2, %add3A_11 : i32
    %run_scoped3A_13 = arith.constant 1 : i32
    "tpu.region"() ({
      %run_scoped3A_195 = tpu.sem_alloc : memref<!tpu.dma_semaphore, #tpu.memory_space<semaphore_mem>>
      %dma_start3A_196 = arith.constant 0 : i32
      %dma_start3A_197 = tpu.memref_slice %arg8[%run_scoped3A_13, %dma_start3A_196] : memref<4x128xi32, #tpu.memory_space<vmem>> -> memref<1x128xi32, #tpu.memory_space<vmem>>
      %dma_start3A_198 = tpu.memref_squeeze %dma_start3A_197 : memref<1x128xi32, #tpu.memory_space<vmem>> -> memref<128xi32, #tpu.memory_space<vmem>>
      %dma_start3A_199 = tpu.memref_slice %arg3[%add3A_12] : memref<16384xi32, #tpu.memory_space<hbm>> -> memref<128xi32, #tpu.memory_space<hbm>>
      %dma_start3A_200 = arith.constant 0 : i32
      %dma_start3A_201 = tpu.memref_slice %arg8[%run_scoped3A_13, %dma_start3A_200] : memref<4x128xi32, #tpu.memory_space<vmem>> -> memref<1x128xi32, #tpu.memory_space<vmem>>
      %dma_start3A_202 = tpu.memref_squeeze %dma_start3A_201 : memref<1x128xi32, #tpu.memory_space<vmem>> -> memref<128xi32, #tpu.memory_space<vmem>>
      %dma_start3A_203 = tpu.memref_slice %arg3[%add3A_12] : memref<16384xi32, #tpu.memory_space<hbm>> -> memref<128xi32, #tpu.memory_space<hbm>>
      tpu.enqueue_dma source(%dma_start3A_203 : memref<128xi32, #tpu.memory_space<hbm>>) target(%dma_start3A_202 : memref<128xi32, #tpu.memory_space<vmem>>) target_semaphore(%run_scoped3A_195 : memref<!tpu.dma_semaphore, #tpu.memory_space<semaphore_mem>>)
      %dma_wait3A_204 = arith.constant 0 : i32
      %dma_wait3A_205 = tpu.memref_slice %arg8[%run_scoped3A_13, %dma_wait3A_204] : memref<4x128xi32, #tpu.memory_space<vmem>> -> memref<1x128xi32, #tpu.memory_space<vmem>>
      %dma_wait3A_206 = tpu.memref_squeeze %dma_wait3A_205 : memref<1x128xi32, #tpu.memory_space<vmem>> -> memref<128xi32, #tpu.memory_space<vmem>>
      %dma_wait3A_207 = tpu.memref_slice %arg3[%add3A_12] : memref<16384xi32, #tpu.memory_space<hbm>> -> memref<128xi32, #tpu.memory_space<hbm>>
      %dma_wait3A_208 = arith.constant 0 : i32
      %dma_wait3A_209 = tpu.memref_slice %arg8[%run_scoped3A_13, %dma_wait3A_208] : memref<4x128xi32, #tpu.memory_space<vmem>> -> memref<1x128xi32, #tpu.memory_space<vmem>>
      %dma_wait3A_210 = tpu.memref_squeeze %dma_wait3A_209 : memref<1x128xi32, #tpu.memory_space<vmem>> -> memref<128xi32, #tpu.memory_space<vmem>>
      %dma_wait3A_211 = tpu.memref_slice %arg3[%add3A_12] : memref<16384xi32, #tpu.memory_space<hbm>> -> memref<128xi32, #tpu.memory_space<hbm>>
      tpu.wait_dma2 semaphore(%run_scoped3A_195 : memref<!tpu.dma_semaphore, #tpu.memory_space<semaphore_mem>>) src(%dma_wait3A_211 : memref<128xi32, #tpu.memory_space<hbm>>) dst(%dma_wait3A_210 : memref<128xi32, #tpu.memory_space<vmem>>)
      tpu.yield
    }) : () -> ()
    %add3A_14 = arith.constant 256 : i32
    %add3A_15 = arith.addi %mul3A_2, %add3A_14 : i32
    %run_scoped3A_16 = arith.constant 2 : i32
    "tpu.region"() ({
      %run_scoped3A_195 = tpu.sem_alloc : memref<!tpu.dma_semaphore, #tpu.memory_space<semaphore_mem>>
      %dma_start3A_196 = arith.constant 0 : i32
      %dma_start3A_197 = tpu.memref_slice %arg7[%run_scoped3A_16, %dma_start3A_196] : memref<4x128xi32, #tpu.memory_space<vmem>> -> memref<1x128xi32, #tpu.memory_space<vmem>>
      %dma_start3A_198 = tpu.memref_squeeze %dma_start3A_197 : memref<1x128xi32, #tpu.memory_space<vmem>> -> memref<128xi32, #tpu.memory_space<vmem>>
      %dma_start3A_199 = tpu.memref_slice %arg2[%add3A_15] : memref<16384xi32, #tpu.memory_space<hbm>> -> memref<128xi32, #tpu.memory_space<hbm>>
      %dma_start3A_200 = arith.constant 0 : i32
      %dma_start3A_201 = tpu.memref_slice %arg7[%run_scoped3A_16, %dma_start3A_200] : memref<4x128xi32, #tpu.memory_space<vmem>> -> memref<1x128xi32, #tpu.memory_space<vmem>>
      %dma_start3A_202 = tpu.memref_squeeze %dma_start3A_201 : memref<1x128xi32, #tpu.memory_space<vmem>> -> memref<128xi32, #tpu.memory_space<vmem>>
      %dma_start3A_203 = tpu.memref_slice %arg2[%add3A_15] : memref<16384xi32, #tpu.memory_space<hbm>> -> memref<128xi32, #tpu.memory_space<hbm>>
      tpu.enqueue_dma source(%dma_start3A_203 : memref<128xi32, #tpu.memory_space<hbm>>) target(%dma_start3A_202 : memref<128xi32, #tpu.memory_space<vmem>>) target_semaphore(%run_scoped3A_195 : memref<!tpu.dma_semaphore, #tpu.memory_space<semaphore_mem>>)
      %dma_wait3A_204 = arith.constant 0 : i32
      %dma_wait3A_205 = tpu.memref_slice %arg7[%run_scoped3A_16, %dma_wait3A_204] : memref<4x128xi32, #tpu.memory_space<vmem>> -> memref<1x128xi32, #tpu.memory_space<vmem>>
      %dma_wait3A_206 = tpu.memref_squeeze %dma_wait3A_205 : memref<1x128xi32, #tpu.memory_space<vmem>> -> memref<128xi32, #tpu.memory_space<vmem>>
      %dma_wait3A_207 = tpu.memref_slice %arg2[%add3A_15] : memref<16384xi32, #tpu.memory_space<hbm>> -> memref<128xi32, #tpu.memory_space<hbm>>
      %dma_wait3A_208 = arith.constant 0 : i32
      %dma_wait3A_209 = tpu.memref_slice %arg7[%run_scoped3A_16, %dma_wait3A_208] : memref<4x128xi32, #tpu.memory_space<vmem>> -> memref<1x128xi32, #tpu.memory_space<vmem>>
      %dma_wait3A_210 = tpu.memref_squeeze %dma_wait3A_209 : memref<1x128xi32, #tpu.memory_space<vmem>> -> memref<128xi32, #tpu.memory_space<vmem>>
      %dma_wait3A_211 = tpu.memref_slice %arg2[%add3A_15] : memref<16384xi32, #tpu.memory_space<hbm>> -> memref<128xi32, #tpu.memory_space<hbm>>
      tpu.wait_dma2 semaphore(%run_scoped3A_195 : memref<!tpu.dma_semaphore, #tpu.memory_space<semaphore_mem>>) src(%dma_wait3A_211 : memref<128xi32, #tpu.memory_space<hbm>>) dst(%dma_wait3A_210 : memref<128xi32, #tpu.memory_space<vmem>>)
      tpu.yield
    }) : () -> ()
    %add3A_17 = arith.constant 256 : i32
    %add3A_18 = arith.addi %mul3A_2, %add3A_17 : i32
    %run_scoped3A_19 = arith.constant 2 : i32
    "tpu.region"() ({
      %run_scoped3A_195 = tpu.sem_alloc : memref<!tpu.dma_semaphore, #tpu.memory_space<semaphore_mem>>
      %dma_start3A_196 = arith.constant 0 : i32
      %dma_start3A_197 = tpu.memref_slice %arg8[%run_scoped3A_19, %dma_start3A_196] : memref<4x128xi32, #tpu.memory_space<vmem>> -> memref<1x128xi32, #tpu.memory_space<vmem>>
      %dma_start3A_198 = tpu.memref_squeeze %dma_start3A_197 : memref<1x128xi32, #tpu.memory_space<vmem>> -> memref<128xi32, #tpu.memory_space<vmem>>
      %dma_start3A_199 = tpu.memref_slice %arg3[%add3A_18] : memref<16384xi32, #tpu.memory_space<hbm>> -> memref<128xi32, #tpu.memory_space<hbm>>
      %dma_start3A_200 = arith.constant 0 : i32
      %dma_start3A_201 = tpu.memref_slice %arg8[%run_scoped3A_19, %dma_start3A_200] : memref<4x128xi32, #tpu.memory_space<vmem>> -> memref<1x128xi32, #tpu.memory_space<vmem>>
      %dma_start3A_202 = tpu.memref_squeeze %dma_start3A_201 : memref<1x128xi32, #tpu.memory_space<vmem>> -> memref<128xi32, #tpu.memory_space<vmem>>
      %dma_start3A_203 = tpu.memref_slice %arg3[%add3A_18] : memref<16384xi32, #tpu.memory_space<hbm>> -> memref<128xi32, #tpu.memory_space<hbm>>
      tpu.enqueue_dma source(%dma_start3A_203 : memref<128xi32, #tpu.memory_space<hbm>>) target(%dma_start3A_202 : memref<128xi32, #tpu.memory_space<vmem>>) target_semaphore(%run_scoped3A_195 : memref<!tpu.dma_semaphore, #tpu.memory_space<semaphore_mem>>)
      %dma_wait3A_204 = arith.constant 0 : i32
      %dma_wait3A_205 = tpu.memref_slice %arg8[%run_scoped3A_19, %dma_wait3A_204] : memref<4x128xi32, #tpu.memory_space<vmem>> -> memref<1x128xi32, #tpu.memory_space<vmem>>
      %dma_wait3A_206 = tpu.memref_squeeze %dma_wait3A_205 : memref<1x128xi32, #tpu.memory_space<vmem>> -> memref<128xi32, #tpu.memory_space<vmem>>
      %dma_wait3A_207 = tpu.memref_slice %arg3[%add3A_18] : memref<16384xi32, #tpu.memory_space<hbm>> -> memref<128xi32, #tpu.memory_space<hbm>>
      %dma_wait3A_208 = arith.constant 0 : i32
      %dma_wait3A_209 = tpu.memref_slice %arg8[%run_scoped3A_19, %dma_wait3A_208] : memref<4x128xi32, #tpu.memory_space<vmem>> -> memref<1x128xi32, #tpu.memory_space<vmem>>
      %dma_wait3A_210 = tpu.memref_squeeze %dma_wait3A_209 : memref<1x128xi32, #tpu.memory_space<vmem>> -> memref<128xi32, #tpu.memory_space<vmem>>
      %dma_wait3A_211 = tpu.memref_slice %arg3[%add3A_18] : memref<16384xi32, #tpu.memory_space<hbm>> -> memref<128xi32, #tpu.memory_space<hbm>>
      tpu.wait_dma2 semaphore(%run_scoped3A_195 : memref<!tpu.dma_semaphore, #tpu.memory_space<semaphore_mem>>) src(%dma_wait3A_211 : memref<128xi32, #tpu.memory_space<hbm>>) dst(%dma_wait3A_210 : memref<128xi32, #tpu.memory_space<vmem>>)
      tpu.yield
    }) : () -> ()
    %add3A_20 = arith.constant 384 : i32
    %add3A_21 = arith.addi %mul3A_2, %add3A_20 : i32
    %run_scoped3A_22 = arith.constant 3 : i32
    "tpu.region"() ({
      %run_scoped3A_195 = tpu.sem_alloc : memref<!tpu.dma_semaphore, #tpu.memory_space<semaphore_mem>>
      %dma_start3A_196 = arith.constant 0 : i32
      %dma_start3A_197 = tpu.memref_slice %arg7[%run_scoped3A_22, %dma_start3A_196] : memref<4x128xi32, #tpu.memory_space<vmem>> -> memref<1x128xi32, #tpu.memory_space<vmem>>
      %dma_start3A_198 = tpu.memref_squeeze %dma_start3A_197 : memref<1x128xi32, #tpu.memory_space<vmem>> -> memref<128xi32, #tpu.memory_space<vmem>>
      %dma_start3A_199 = tpu.memref_slice %arg2[%add3A_21] : memref<16384xi32, #tpu.memory_space<hbm>> -> memref<128xi32, #tpu.memory_space<hbm>>
      %dma_start3A_200 = arith.constant 0 : i32
      %dma_start3A_201 = tpu.memref_slice %arg7[%run_scoped3A_22, %dma_start3A_200] : memref<4x128xi32, #tpu.memory_space<vmem>> -> memref<1x128xi32, #tpu.memory_space<vmem>>
      %dma_start3A_202 = tpu.memref_squeeze %dma_start3A_201 : memref<1x128xi32, #tpu.memory_space<vmem>> -> memref<128xi32, #tpu.memory_space<vmem>>
      %dma_start3A_203 = tpu.memref_slice %arg2[%add3A_21] : memref<16384xi32, #tpu.memory_space<hbm>> -> memref<128xi32, #tpu.memory_space<hbm>>
      tpu.enqueue_dma source(%dma_start3A_203 : memref<128xi32, #tpu.memory_space<hbm>>) target(%dma_start3A_202 : memref<128xi32, #tpu.memory_space<vmem>>) target_semaphore(%run_scoped3A_195 : memref<!tpu.dma_semaphore, #tpu.memory_space<semaphore_mem>>)
      %dma_wait3A_204 = arith.constant 0 : i32
      %dma_wait3A_205 = tpu.memref_slice %arg7[%run_scoped3A_22, %dma_wait3A_204] : memref<4x128xi32, #tpu.memory_space<vmem>> -> memref<1x128xi32, #tpu.memory_space<vmem>>
      %dma_wait3A_206 = tpu.memref_squeeze %dma_wait3A_205 : memref<1x128xi32, #tpu.memory_space<vmem>> -> memref<128xi32, #tpu.memory_space<vmem>>
      %dma_wait3A_207 = tpu.memref_slice %arg2[%add3A_21] : memref<16384xi32, #tpu.memory_space<hbm>> -> memref<128xi32, #tpu.memory_space<hbm>>
      %dma_wait3A_208 = arith.constant 0 : i32
      %dma_wait3A_209 = tpu.memref_slice %arg7[%run_scoped3A_22, %dma_wait3A_208] : memref<4x128xi32, #tpu.memory_space<vmem>> -> memref<1x128xi32, #tpu.memory_space<vmem>>
      %dma_wait3A_210 = tpu.memref_squeeze %dma_wait3A_209 : memref<1x128xi32, #tpu.memory_space<vmem>> -> memref<128xi32, #tpu.memory_space<vmem>>
      %dma_wait3A_211 = tpu.memref_slice %arg2[%add3A_21] : memref<16384xi32, #tpu.memory_space<hbm>> -> memref<128xi32, #tpu.memory_space<hbm>>
      tpu.wait_dma2 semaphore(%run_scoped3A_195 : memref<!tpu.dma_semaphore, #tpu.memory_space<semaphore_mem>>) src(%dma_wait3A_211 : memref<128xi32, #tpu.memory_space<hbm>>) dst(%dma_wait3A_210 : memref<128xi32, #tpu.memory_space<vmem>>)
      tpu.yield
    }) : () -> ()
    %add3A_23 = arith.constant 384 : i32
    %add3A_24 = arith.addi %mul3A_2, %add3A_23 : i32
    %run_scoped3A_25 = arith.constant 3 : i32
    "tpu.region"() ({
      %run_scoped3A_195 = tpu.sem_alloc : memref<!tpu.dma_semaphore, #tpu.memory_space<semaphore_mem>>
      %dma_start3A_196 = arith.constant 0 : i32
      %dma_start3A_197 = tpu.memref_slice %arg8[%run_scoped3A_25, %dma_start3A_196] : memref<4x128xi32, #tpu.memory_space<vmem>> -> memref<1x128xi32, #tpu.memory_space<vmem>>
      %dma_start3A_198 = tpu.memref_squeeze %dma_start3A_197 : memref<1x128xi32, #tpu.memory_space<vmem>> -> memref<128xi32, #tpu.memory_space<vmem>>
      %dma_start3A_199 = tpu.memref_slice %arg3[%add3A_24] : memref<16384xi32, #tpu.memory_space<hbm>> -> memref<128xi32, #tpu.memory_space<hbm>>
      %dma_start3A_200 = arith.constant 0 : i32
      %dma_start3A_201 = tpu.memref_slice %arg8[%run_scoped3A_25, %dma_start3A_200] : memref<4x128xi32, #tpu.memory_space<vmem>> -> memref<1x128xi32, #tpu.memory_space<vmem>>
      %dma_start3A_202 = tpu.memref_squeeze %dma_start3A_201 : memref<1x128xi32, #tpu.memory_space<vmem>> -> memref<128xi32, #tpu.memory_space<vmem>>
      %dma_start3A_203 = tpu.memref_slice %arg3[%add3A_24] : memref<16384xi32, #tpu.memory_space<hbm>> -> memref<128xi32, #tpu.memory_space<hbm>>
      tpu.enqueue_dma source(%dma_start3A_203 : memref<128xi32, #tpu.memory_space<hbm>>) target(%dma_start3A_202 : memref<128xi32, #tpu.memory_space<vmem>>) target_semaphore(%run_scoped3A_195 : memref<!tpu.dma_semaphore, #tpu.memory_space<semaphore_mem>>)
      %dma_wait3A_204 = arith.constant 0 : i32
      %dma_wait3A_205 = tpu.memref_slice %arg8[%run_scoped3A_25, %dma_wait3A_204] : memref<4x128xi32, #tpu.memory_space<vmem>> -> memref<1x128xi32, #tpu.memory_space<vmem>>
      %dma_wait3A_206 = tpu.memref_squeeze %dma_wait3A_205 : memref<1x128xi32, #tpu.memory_space<vmem>> -> memref<128xi32, #tpu.memory_space<vmem>>
      %dma_wait3A_207 = tpu.memref_slice %arg3[%add3A_24] : memref<16384xi32, #tpu.memory_space<hbm>> -> memref<128xi32, #tpu.memory_space<hbm>>
      %dma_wait3A_208 = arith.constant 0 : i32
      %dma_wait3A_209 = tpu.memref_slice %arg8[%run_scoped3A_25, %dma_wait3A_208] : memref<4x128xi32, #tpu.memory_space<vmem>> -> memref<1x128xi32, #tpu.memory_space<vmem>>
      %dma_wait3A_210 = tpu.memref_squeeze %dma_wait3A_209 : memref<1x128xi32, #tpu.memory_space<vmem>> -> memref<128xi32, #tpu.memory_space<vmem>>
      %dma_wait3A_211 = tpu.memref_slice %arg3[%add3A_24] : memref<16384xi32, #tpu.memory_space<hbm>> -> memref<128xi32, #tpu.memory_space<hbm>>
      tpu.wait_dma2 semaphore(%run_scoped3A_195 : memref<!tpu.dma_semaphore, #tpu.memory_space<semaphore_mem>>) src(%dma_wait3A_211 : memref<128xi32, #tpu.memory_space<hbm>>) dst(%dma_wait3A_210 : memref<128xi32, #tpu.memory_space<vmem>>)
      tpu.yield
    }) : () -> ()
    %iota3A = tpu.iota {dimensions = array<i32: 0>} : vector<16xi32>
    %dma_start3A = arith.constant 0 : i32
    %dma_start3A_26 = arith.constant 0 : i32
    %dma_start3A_27 = arith.constant 0 : i32
    %dma_start3A_28 = tpu.memref_slice %arg9[%dma_start3A_26, %dma_start3A_27] : memref<256x128xf32, #tpu.memory_space<vmem>> -> memref<128x128xf32, #tpu.memory_space<vmem>>
    %dma_start3A_29 = arith.constant 0 : i32
    %dma_start3A_30 = tpu.memref_slice %arg7[%dma_start3A, %dma_start3A_29] : memref<4x128xi32, #tpu.memory_space<vmem>> -> memref<1x128xi32, #tpu.memory_space<vmem>>
    %dma_start3A_31 = tpu.memref_squeeze %dma_start3A_30 : memref<1x128xi32, #tpu.memory_space<vmem>> -> memref<128xi32, #tpu.memory_space<vmem>>
    %dma_start3A_32 = arith.constant 0 : i32
    %dma_start3A_33 = arith.constant 0 : i32
    %dma_start3A_34 = tpu.memref_slice %arg4[%dma_start3A_32, %dma_start3A_33] : memref<1007616x128xf32, #tpu.memory_space<hbm>> -> memref<1007616x128xf32, #tpu.memory_space<hbm>>
    tpu.enqueue_indirect_dma source(%dma_start3A_34 : memref<1007616x128xf32, #tpu.memory_space<hbm>>) target(%dma_start3A_28 : memref<128x128xf32, #tpu.memory_space<vmem>>) offsets(%dma_start3A_31 : memref<128xi32, #tpu.memory_space<vmem>>) semaphore(%arg12 : memref<!tpu.dma_semaphore, #tpu.memory_space<semaphore_mem>>)
    %dma_start3A_35 = arith.constant 0 : i32
    %dma_start3A_36 = arith.constant 0 : i32
    %dma_start3A_37 = arith.constant 0 : i32
    %dma_start3A_38 = tpu.memref_slice %arg10[%dma_start3A_36, %dma_start3A_37] : memref<256x128xf32, #tpu.memory_space<vmem>> -> memref<128x128xf32, #tpu.memory_space<vmem>>
    %dma_start3A_39 = arith.constant 0 : i32
    %dma_start3A_40 = tpu.memref_slice %arg8[%dma_start3A_35, %dma_start3A_39] : memref<4x128xi32, #tpu.memory_space<vmem>> -> memref<1x128xi32, #tpu.memory_space<vmem>>
    %dma_start3A_41 = tpu.memref_squeeze %dma_start3A_40 : memref<1x128xi32, #tpu.memory_space<vmem>> -> memref<128xi32, #tpu.memory_space<vmem>>
    %dma_start3A_42 = arith.constant 0 : i32
    %dma_start3A_43 = arith.constant 0 : i32
    %dma_start3A_44 = tpu.memref_slice %arg5[%dma_start3A_42, %dma_start3A_43] : memref<1000000x128xf32, #tpu.memory_space<hbm>> -> memref<1000000x128xf32, #tpu.memory_space<hbm>>
    tpu.enqueue_indirect_dma source(%dma_start3A_44 : memref<1000000x128xf32, #tpu.memory_space<hbm>>) target(%dma_start3A_38 : memref<128x128xf32, #tpu.memory_space<vmem>>) offsets(%dma_start3A_41 : memref<128xi32, #tpu.memory_space<vmem>>) semaphore(%arg12 : memref<!tpu.dma_semaphore, #tpu.memory_space<semaphore_mem>>)
    %dma_start3A_45 = arith.constant 1 : i32
    %dma_start3A_46 = arith.constant 128 : i32
    %dma_start3A_47 = arith.constant 0 : i32
    %dma_start3A_48 = tpu.memref_slice %arg9[%dma_start3A_46, %dma_start3A_47] : memref<256x128xf32, #tpu.memory_space<vmem>> -> memref<128x128xf32, #tpu.memory_space<vmem>>
    %dma_start3A_49 = arith.constant 0 : i32
    %dma_start3A_50 = tpu.memref_slice %arg7[%dma_start3A_45, %dma_start3A_49] : memref<4x128xi32, #tpu.memory_space<vmem>> -> memref<1x128xi32, #tpu.memory_space<vmem>>
    %dma_start3A_51 = tpu.memref_squeeze %dma_start3A_50 : memref<1x128xi32, #tpu.memory_space<vmem>> -> memref<128xi32, #tpu.memory_space<vmem>>
    %dma_start3A_52 = arith.constant 0 : i32
    %dma_start3A_53 = arith.constant 0 : i32
    %dma_start3A_54 = tpu.memref_slice %arg4[%dma_start3A_52, %dma_start3A_53] : memref<1007616x128xf32, #tpu.memory_space<hbm>> -> memref<1007616x128xf32, #tpu.memory_space<hbm>>
    tpu.enqueue_indirect_dma source(%dma_start3A_54 : memref<1007616x128xf32, #tpu.memory_space<hbm>>) target(%dma_start3A_48 : memref<128x128xf32, #tpu.memory_space<vmem>>) offsets(%dma_start3A_51 : memref<128xi32, #tpu.memory_space<vmem>>) semaphore(%arg12 : memref<!tpu.dma_semaphore, #tpu.memory_space<semaphore_mem>>)
    %dma_start3A_55 = arith.constant 1 : i32
    %dma_start3A_56 = arith.constant 128 : i32
    %dma_start3A_57 = arith.constant 0 : i32
    %dma_start3A_58 = tpu.memref_slice %arg10[%dma_start3A_56, %dma_start3A_57] : memref<256x128xf32, #tpu.memory_space<vmem>> -> memref<128x128xf32, #tpu.memory_space<vmem>>
    %dma_start3A_59 = arith.constant 0 : i32
    %dma_start3A_60 = tpu.memref_slice %arg8[%dma_start3A_55, %dma_start3A_59] : memref<4x128xi32, #tpu.memory_space<vmem>> -> memref<1x128xi32, #tpu.memory_space<vmem>>
    %dma_start3A_61 = tpu.memref_squeeze %dma_start3A_60 : memref<1x128xi32, #tpu.memory_space<vmem>> -> memref<128xi32, #tpu.memory_space<vmem>>
    %dma_start3A_62 = arith.constant 0 : i32
    %dma_start3A_63 = arith.constant 0 : i32
    %dma_start3A_64 = tpu.memref_slice %arg5[%dma_start3A_62, %dma_start3A_63] : memref<1000000x128xf32, #tpu.memory_space<hbm>> -> memref<1000000x128xf32, #tpu.memory_space<hbm>>
    tpu.enqueue_indirect_dma source(%dma_start3A_64 : memref<1000000x128xf32, #tpu.memory_space<hbm>>) target(%dma_start3A_58 : memref<128x128xf32, #tpu.memory_space<vmem>>) offsets(%dma_start3A_61 : memref<128xi32, #tpu.memory_space<vmem>>) semaphore(%arg12 : memref<!tpu.dma_semaphore, #tpu.memory_space<semaphore_mem>>)
    %dma_wait3A = arith.constant 0 : i32
    %dma_wait3A_65 = arith.constant 0 : i32
    %dma_wait3A_66 = arith.constant 0 : i32
    %dma_wait3A_67 = tpu.memref_slice %arg9[%dma_wait3A_65, %dma_wait3A_66] : memref<256x128xf32, #tpu.memory_space<vmem>> -> memref<128x128xf32, #tpu.memory_space<vmem>>
    %dma_wait3A_68 = arith.constant 0 : i32
    %dma_wait3A_69 = tpu.memref_slice %arg7[%dma_wait3A, %dma_wait3A_68] : memref<4x128xi32, #tpu.memory_space<vmem>> -> memref<1x128xi32, #tpu.memory_space<vmem>>
    %dma_wait3A_70 = tpu.memref_squeeze %dma_wait3A_69 : memref<1x128xi32, #tpu.memory_space<vmem>> -> memref<128xi32, #tpu.memory_space<vmem>>
    %dma_wait3A_71 = arith.constant 0 : i32
    %dma_wait3A_72 = arith.constant 0 : i32
    %dma_wait3A_73 = tpu.memref_slice %arg4[%dma_wait3A_71, %dma_wait3A_72] : memref<1007616x128xf32, #tpu.memory_space<hbm>> -> memref<1007616x128xf32, #tpu.memory_space<hbm>>
    tpu.wait_indirect_dma semaphore(%arg12 : memref<!tpu.dma_semaphore, #tpu.memory_space<semaphore_mem>>) src(%dma_wait3A_73 : memref<1007616x128xf32, #tpu.memory_space<hbm>>) dst(%dma_wait3A_67 : memref<128x128xf32, #tpu.memory_space<vmem>>)
    %dma_wait3A_74 = arith.constant 0 : i32
    %dma_wait3A_75 = arith.constant 0 : i32
    %dma_wait3A_76 = arith.constant 0 : i32
    %dma_wait3A_77 = tpu.memref_slice %arg10[%dma_wait3A_75, %dma_wait3A_76] : memref<256x128xf32, #tpu.memory_space<vmem>> -> memref<128x128xf32, #tpu.memory_space<vmem>>
    %dma_wait3A_78 = arith.constant 0 : i32
    %dma_wait3A_79 = tpu.memref_slice %arg8[%dma_wait3A_74, %dma_wait3A_78] : memref<4x128xi32, #tpu.memory_space<vmem>> -> memref<1x128xi32, #tpu.memory_space<vmem>>
    %dma_wait3A_80 = tpu.memref_squeeze %dma_wait3A_79 : memref<1x128xi32, #tpu.memory_space<vmem>> -> memref<128xi32, #tpu.memory_space<vmem>>
    %dma_wait3A_81 = arith.constant 0 : i32
    %dma_wait3A_82 = arith.constant 0 : i32
    %dma_wait3A_83 = tpu.memref_slice %arg5[%dma_wait3A_81, %dma_wait3A_82] : memref<1000000x128xf32, #tpu.memory_space<hbm>> -> memref<1000000x128xf32, #tpu.memory_space<hbm>>
    tpu.wait_indirect_dma semaphore(%arg12 : memref<!tpu.dma_semaphore, #tpu.memory_space<semaphore_mem>>) src(%dma_wait3A_83 : memref<1000000x128xf32, #tpu.memory_space<hbm>>) dst(%dma_wait3A_77 : memref<128x128xf32, #tpu.memory_space<vmem>>)
    %dma_wait3A_84 = arith.constant 1 : i32
    %dma_wait3A_85 = arith.constant 128 : i32
    %dma_wait3A_86 = arith.constant 0 : i32
    %dma_wait3A_87 = tpu.memref_slice %arg9[%dma_wait3A_85, %dma_wait3A_86] : memref<256x128xf32, #tpu.memory_space<vmem>> -> memref<128x128xf32, #tpu.memory_space<vmem>>
    %dma_wait3A_88 = arith.constant 0 : i32
    %dma_wait3A_89 = tpu.memref_slice %arg7[%dma_wait3A_84, %dma_wait3A_88] : memref<4x128xi32, #tpu.memory_space<vmem>> -> memref<1x128xi32, #tpu.memory_space<vmem>>
    %dma_wait3A_90 = tpu.memref_squeeze %dma_wait3A_89 : memref<1x128xi32, #tpu.memory_space<vmem>> -> memref<128xi32, #tpu.memory_space<vmem>>
    %dma_wait3A_91 = arith.constant 0 : i32
    %dma_wait3A_92 = arith.constant 0 : i32
    %dma_wait3A_93 = tpu.memref_slice %arg4[%dma_wait3A_91, %dma_wait3A_92] : memref<1007616x128xf32, #tpu.memory_space<hbm>> -> memref<1007616x128xf32, #tpu.memory_space<hbm>>
    tpu.wait_indirect_dma semaphore(%arg12 : memref<!tpu.dma_semaphore, #tpu.memory_space<semaphore_mem>>) src(%dma_wait3A_93 : memref<1007616x128xf32, #tpu.memory_space<hbm>>) dst(%dma_wait3A_87 : memref<128x128xf32, #tpu.memory_space<vmem>>)
    %dma_wait3A_94 = arith.constant 1 : i32
    %dma_wait3A_95 = arith.constant 128 : i32
    %dma_wait3A_96 = arith.constant 0 : i32
    %dma_wait3A_97 = tpu.memref_slice %arg10[%dma_wait3A_95, %dma_wait3A_96] : memref<256x128xf32, #tpu.memory_space<vmem>> -> memref<128x128xf32, #tpu.memory_space<vmem>>
    %dma_wait3A_98 = arith.constant 0 : i32
    %dma_wait3A_99 = tpu.memref_slice %arg8[%dma_wait3A_94, %dma_wait3A_98] : memref<4x128xi32, #tpu.memory_space<vmem>> -> memref<1x128xi32, #tpu.memory_space<vmem>>
    %dma_wait3A_100 = tpu.memref_squeeze %dma_wait3A_99 : memref<1x128xi32, #tpu.memory_space<vmem>> -> memref<128xi32, #tpu.memory_space<vmem>>
    %dma_wait3A_101 = arith.constant 0 : i32
    %dma_wait3A_102 = arith.constant 0 : i32
    %dma_wait3A_103 = tpu.memref_slice %arg5[%dma_wait3A_101, %dma_wait3A_102] : memref<1000000x128xf32, #tpu.memory_space<hbm>> -> memref<1000000x128xf32, #tpu.memory_space<hbm>>
    tpu.wait_indirect_dma semaphore(%arg12 : memref<!tpu.dma_semaphore, #tpu.memory_space<semaphore_mem>>) src(%dma_wait3A_103 : memref<1000000x128xf32, #tpu.memory_space<hbm>>) dst(%dma_wait3A_97 : memref<128x128xf32, #tpu.memory_space<vmem>>)
    %scan3A = arith.constant 0 : i32
    %scan3A_104 = arith.constant 0 : i32
    %scan3A_105 = arith.constant 16 : i32
    %scan3A_106 = arith.addi %scan3A_104, %scan3A_105 : i32
    %scan3A_107 = arith.constant 1 : i32
    scf.for %scan3A_195 = %scan3A_104 to %scan3A_106 step %scan3A_107  : i32 {
      %mul3A_196 = arith.constant 16 : i32
      %mul3A_197 = arith.muli %scan3A_195, %mul3A_196 : i32
      %add3A_198 = vector.broadcast %mul3A_197 : i32 to vector<16xi32>
      %add3A_199 = arith.addi %add3A_198, %iota3A : vector<16xi32>
      %broadcast_in_dim3A = arith.constant 0.000000e+00 : f32
      %broadcast_in_dim3A_200 = vector.broadcast %broadcast_in_dim3A : f32 to vector<16xf32>
      %broadcast_in_dim3A_201 = arith.constant 0 : i32
      %broadcast_in_dim3A_202 = vector.broadcast %broadcast_in_dim3A_201 : i32 to vector<16xi32>
      %gather3A = tpu.vector_load_idx %arg9[%add3A_199, %broadcast_in_dim3A_202] : memref<256x128xf32, #tpu.memory_space<vmem>>[vector<16xi32>, vector<16xi32>], vector<16xf32>,
      %gather3A_203 = tpu.vector_load_idx %arg10[%add3A_199, %broadcast_in_dim3A_202] : memref<256x128xf32, #tpu.memory_space<vmem>>[vector<16xi32>, vector<16xi32>], vector<16xf32>,
      %mul3A_204 = arith.mulf %gather3A, %gather3A_203 : vector<16xf32>
      %add3A_205 = arith.addf %broadcast_in_dim3A_200, %mul3A_204 : vector<16xf32>
      %broadcast_in_dim3A_206 = arith.constant 1 : i32
      %broadcast_in_dim3A_207 = vector.broadcast %broadcast_in_dim3A_206 : i32 to vector<16xi32>
      %gather3A_208 = tpu.vector_load_idx %arg9[%add3A_199, %broadcast_in_dim3A_207] : memref<256x128xf32, #tpu.memory_space<vmem>>[vector<16xi32>, vector<16xi32>], vector<16xf32>,
      %gather3A_209 = tpu.vector_load_idx %arg10[%add3A_199, %broadcast_in_dim3A_207] : memref<256x128xf32, #tpu.memory_space<vmem>>[vector<16xi32>, vector<16xi32>], vector<16xf32>,
      %mul3A_210 = arith.mulf %gather3A_208, %gather3A_209 : vector<16xf32>
      %add3A_211 = arith.addf %add3A_205, %mul3A_210 : vector<16xf32>
      %broadcast_in_dim3A_212 = arith.constant 2 : i32
      %broadcast_in_dim3A_213 = vector.broadcast %broadcast_in_dim3A_212 : i32 to vector<16xi32>
      %gather3A_214 = tpu.vector_load_idx %arg9[%add3A_199, %broadcast_in_dim3A_213] : memref<256x128xf32, #tpu.memory_space<vmem>>[vector<16xi32>, vector<16xi32>], vector<16xf32>,
      %gather3A_215 = tpu.vector_load_idx %arg10[%add3A_199, %broadcast_in_dim3A_213] : memref<256x128xf32, #tpu.memory_space<vmem>>[vector<16xi32>, vector<16xi32>], vector<16xf32>,
      %mul3A_216 = arith.mulf %gather3A_214, %gather3A_215 : vector<16xf32>
      %add3A_217 = arith.addf %add3A_211, %mul3A_216 : vector<16xf32>
      %broadcast_in_dim3A_218 = arith.constant 3 : i32
      %broadcast_in_dim3A_219 = vector.broadcast %broadcast_in_dim3A_218 : i32 to vector<16xi32>
      %gather3A_220 = tpu.vector_load_idx %arg9[%add3A_199, %broadcast_in_dim3A_219] : memref<256x128xf32, #tpu.memory_space<vmem>>[vector<16xi32>, vector<16xi32>], vector<16xf32>,
      %gather3A_221 = tpu.vector_load_idx %arg10[%add3A_199, %broadcast_in_dim3A_219] : memref<256x128xf32, #tpu.memory_space<vmem>>[vector<16xi32>, vector<16xi32>], vector<16xf32>,
      %mul3A_222 = arith.mulf %gather3A_220, %gather3A_221 : vector<16xf32>
      %add3A_223 = arith.addf %add3A_217, %mul3A_222 : vector<16xf32>
      %broadcast_in_dim3A_224 = arith.constant 4 : i32
      %broadcast_in_dim3A_225 = vector.broadcast %broadcast_in_dim3A_224 : i32 to vector<16xi32>
      %gather3A_226 = tpu.vector_load_idx %arg9[%add3A_199, %broadcast_in_dim3A_225] : memref<256x128xf32, #tpu.memory_space<vmem>>[vector<16xi32>, vector<16xi32>], vector<16xf32>,
      %gather3A_227 = tpu.vector_load_idx %arg10[%add3A_199, %broadcast_in_dim3A_225] : memref<256x128xf32, #tpu.memory_space<vmem>>[vector<16xi32>, vector<16xi32>], vector<16xf32>,
      %mul3A_228 = arith.mulf %gather3A_226, %gather3A_227 : vector<16xf32>
      %add3A_229 = arith.addf %add3A_223, %mul3A_228 : vector<16xf32>
      %broadcast_in_dim3A_230 = arith.constant 5 : i32
      %broadcast_in_dim3A_231 = vector.broadcast %broadcast_in_dim3A_230 : i32 to vector<16xi32>
      %gather3A_232 = tpu.vector_load_idx %arg9[%add3A_199, %broadcast_in_dim3A_231] : memref<256x128xf32, #tpu.memory_space<vmem>>[vector<16xi32>, vector<16xi32>], vector<16xf32>,
      %gather3A_233 = tpu.vector_load_idx %arg10[%add3A_199, %broadcast_in_dim3A_231] : memref<256x128xf32, #tpu.memory_space<vmem>>[vector<16xi32>, vector<16xi32>], vector<16xf32>,
      %mul3A_234 = arith.mulf %gather3A_232, %gather3A_233 : vector<16xf32>
      %add3A_235 = arith.addf %add3A_229, %mul3A_234 : vector<16xf32>
      %broadcast_in_dim3A_236 = arith.constant 6 : i32
      %broadcast_in_dim3A_237 = vector.broadcast %broadcast_in_dim3A_236 : i32 to vector<16xi32>
      %gather3A_238 = tpu.vector_load_idx %arg9[%add3A_199, %broadcast_in_dim3A_237] : memref<256x128xf32, #tpu.memory_space<vmem>>[vector<16xi32>, vector<16xi32>], vector<16xf32>,
      %gather3A_239 = tpu.vector_load_idx %arg10[%add3A_199, %broadcast_in_dim3A_237] : memref<256x128xf32, #tpu.memory_space<vmem>>[vector<16xi32>, vector<16xi32>], vector<16xf32>,
      %mul3A_240 = arith.mulf %gather3A_238, %gather3A_239 : vector<16xf32>
      %add3A_241 = arith.addf %add3A_235, %mul3A_240 : vector<16xf32>
      %broadcast_in_dim3A_242 = arith.constant 7 : i32
      %broadcast_in_dim3A_243 = vector.broadcast %broadcast_in_dim3A_242 : i32 to vector<16xi32>
      %gather3A_244 = tpu.vector_load_idx %arg9[%add3A_199, %broadcast_in_dim3A_243] : memref<256x128xf32, #tpu.memory_space<vmem>>[vector<16xi32>, vector<16xi32>], vector<16xf32>,
      %gather3A_245 = tpu.vector_load_idx %arg10[%add3A_199, %broadcast_in_dim3A_243] : memref<256x128xf32, #tpu.memory_space<vmem>>[vector<16xi32>, vector<16xi32>], vector<16xf32>,
      %mul3A_246 = arith.mulf %gather3A_244, %gather3A_245 : vector<16xf32>
      %add3A_247 = arith.addf %add3A_241, %mul3A_246 : vector<16xf32>
      %broadcast_in_dim3A_248 = arith.constant 8 : i32
      %broadcast_in_dim3A_249 = vector.broadcast %broadcast_in_dim3A_248 : i32 to vector<16xi32>
      %gather3A_250 = tpu.vector_load_idx %arg9[%add3A_199, %broadcast_in_dim3A_249] : memref<256x128xf32, #tpu.memory_space<vmem>>[vector<16xi32>, vector<16xi32>], vector<16xf32>,
      %gather3A_251 = tpu.vector_load_idx %arg10[%add3A_199, %broadcast_in_dim3A_249] : memref<256x128xf32, #tpu.memory_space<vmem>>[vector<16xi32>, vector<16xi32>], vector<16xf32>,
      %mul3A_252 = arith.mulf %gather3A_250, %gather3A_251 : vector<16xf32>
      %add3A_253 = arith.addf %add3A_247, %mul3A_252 : vector<16xf32>
      %broadcast_in_dim3A_254 = arith.constant 9 : i32
      %broadcast_in_dim3A_255 = vector.broadcast %broadcast_in_dim3A_254 : i32 to vector<16xi32>
      %gather3A_256 = tpu.vector_load_idx %arg9[%add3A_199, %broadcast_in_dim3A_255] : memref<256x128xf32, #tpu.memory_space<vmem>>[vector<16xi32>, vector<16xi32>], vector<16xf32>,
      %gather3A_257 = tpu.vector_load_idx %arg10[%add3A_199, %broadcast_in_dim3A_255] : memref<256x128xf32, #tpu.memory_space<vmem>>[vector<16xi32>, vector<16xi32>], vector<16xf32>,
      %mul3A_258 = arith.mulf %gather3A_256, %gather3A_257 : vector<16xf32>
      %add3A_259 = arith.addf %add3A_253, %mul3A_258 : vector<16xf32>
      %broadcast_in_dim3A_260 = arith.constant 10 : i32
      %broadcast_in_dim3A_261 = vector.broadcast %broadcast_in_dim3A_260 : i32 to vector<16xi32>
      %gather3A_262 = tpu.vector_load_idx %arg9[%add3A_199, %broadcast_in_dim3A_261] : memref<256x128xf32, #tpu.memory_space<vmem>>[vector<16xi32>, vector<16xi32>], vector<16xf32>,
      %gather3A_263 = tpu.vector_load_idx %arg10[%add3A_199, %broadcast_in_dim3A_261] : memref<256x128xf32, #tpu.memory_space<vmem>>[vector<16xi32>, vector<16xi32>], vector<16xf32>,
      %mul3A_264 = arith.mulf %gather3A_262, %gather3A_263 : vector<16xf32>
      %add3A_265 = arith.addf %add3A_259, %mul3A_264 : vector<16xf32>
      %broadcast_in_dim3A_266 = arith.constant 11 : i32
      %broadcast_in_dim3A_267 = vector.broadcast %broadcast_in_dim3A_266 : i32 to vector<16xi32>
      %gather3A_268 = tpu.vector_load_idx %arg9[%add3A_199, %broadcast_in_dim3A_267] : memref<256x128xf32, #tpu.memory_space<vmem>>[vector<16xi32>, vector<16xi32>], vector<16xf32>,
      %gather3A_269 = tpu.vector_load_idx %arg10[%add3A_199, %broadcast_in_dim3A_267] : memref<256x128xf32, #tpu.memory_space<vmem>>[vector<16xi32>, vector<16xi32>], vector<16xf32>,
      %mul3A_270 = arith.mulf %gather3A_268, %gather3A_269 : vector<16xf32>
      %add3A_271 = arith.addf %add3A_265, %mul3A_270 : vector<16xf32>
      %broadcast_in_dim3A_272 = arith.constant 12 : i32
      %broadcast_in_dim3A_273 = vector.broadcast %broadcast_in_dim3A_272 : i32 to vector<16xi32>
      %gather3A_274 = tpu.vector_load_idx %arg9[%add3A_199, %broadcast_in_dim3A_273] : memref<256x128xf32, #tpu.memory_space<vmem>>[vector<16xi32>, vector<16xi32>], vector<16xf32>,
      %gather3A_275 = tpu.vector_load_idx %arg10[%add3A_199, %broadcast_in_dim3A_273] : memref<256x128xf32, #tpu.memory_space<vmem>>[vector<16xi32>, vector<16xi32>], vector<16xf32>,
      %mul3A_276 = arith.mulf %gather3A_274, %gather3A_275 : vector<16xf32>
      %add3A_277 = arith.addf %add3A_271, %mul3A_276 : vector<16xf32>
      %broadcast_in_dim3A_278 = arith.constant 13 : i32
      %broadcast_in_dim3A_279 = vector.broadcast %broadcast_in_dim3A_278 : i32 to vector<16xi32>
      %gather3A_280 = tpu.vector_load_idx %arg9[%add3A_199, %broadcast_in_dim3A_279] : memref<256x128xf32, #tpu.memory_space<vmem>>[vector<16xi32>, vector<16xi32>], vector<16xf32>,
      %gather3A_281 = tpu.vector_load_idx %arg10[%add3A_199, %broadcast_in_dim3A_279] : memref<256x128xf32, #tpu.memory_space<vmem>>[vector<16xi32>, vector<16xi32>], vector<16xf32>,
      %mul3A_282 = arith.mulf %gather3A_280, %gather3A_281 : vector<16xf32>
      %add3A_283 = arith.addf %add3A_277, %mul3A_282 : vector<16xf32>
      %broadcast_in_dim3A_284 = arith.constant 14 : i32
      %broadcast_in_dim3A_285 = vector.broadcast %broadcast_in_dim3A_284 : i32 to vector<16xi32>
      %gather3A_286 = tpu.vector_load_idx %arg9[%add3A_199, %broadcast_in_dim3A_285] : memref<256x128xf32, #tpu.memory_space<vmem>>[vector<16xi32>, vector<16xi32>], vector<16xf32>,
      %gather3A_287 = tpu.vector_load_idx %arg10[%add3A_199, %broadcast_in_dim3A_285] : memref<256x128xf32, #tpu.memory_space<vmem>>[vector<16xi32>, vector<16xi32>], vector<16xf32>,
      %mul3A_288 = arith.mulf %gather3A_286, %gather3A_287 : vector<16xf32>
      %add3A_289 = arith.addf %add3A_283, %mul3A_288 : vector<16xf32>
      %broadcast_in_dim3A_290 = arith.constant 15 : i32
      %broadcast_in_dim3A_291 = vector.broadcast %broadcast_in_dim3A_290 : i32 to vector<16xi32>
      %gather3A_292 = tpu.vector_load_idx %arg9[%add3A_199, %broadcast_in_dim3A_291] : memref<256x128xf32, #tpu.memory_space<vmem>>[vector<16xi32>, vector<16xi32>], vector<16xf32>,
      %gather3A_293 = tpu.vector_load_idx %arg10[%add3A_199, %broadcast_in_dim3A_291] : memref<256x128xf32, #tpu.memory_space<vmem>>[vector<16xi32>, vector<16xi32>], vector<16xf32>,
      %mul3A_294 = arith.mulf %gather3A_292, %gather3A_293 : vector<16xf32>
      %add3A_295 = arith.addf %add3A_289, %mul3A_294 : vector<16xf32>
      %broadcast_in_dim3A_296 = arith.constant 16 : i32
      %broadcast_in_dim3A_297 = vector.broadcast %broadcast_in_dim3A_296 : i32 to vector<16xi32>
      %gather3A_298 = tpu.vector_load_idx %arg9[%add3A_199, %broadcast_in_dim3A_297] : memref<256x128xf32, #tpu.memory_space<vmem>>[vector<16xi32>, vector<16xi32>], vector<16xf32>,
      %gather3A_299 = tpu.vector_load_idx %arg10[%add3A_199, %broadcast_in_dim3A_297] : memref<256x128xf32, #tpu.memory_space<vmem>>[vector<16xi32>, vector<16xi32>], vector<16xf32>,
      %mul3A_300 = arith.mulf %gather3A_298, %gather3A_299 : vector<16xf32>
      %add3A_301 = arith.addf %add3A_295, %mul3A_300 : vector<16xf32>
      %broadcast_in_dim3A_302 = arith.constant 17 : i32
      %broadcast_in_dim3A_303 = vector.broadcast %broadcast_in_dim3A_302 : i32 to vector<16xi32>
      %gather3A_304 = tpu.vector_load_idx %arg9[%add3A_199, %broadcast_in_dim3A_303] : memref<256x128xf32, #tpu.memory_space<vmem>>[vector<16xi32>, vector<16xi32>], vector<16xf32>,
      %gather3A_305 = tpu.vector_load_idx %arg10[%add3A_199, %broadcast_in_dim3A_303] : memref<256x128xf32, #tpu.memory_space<vmem>>[vector<16xi32>, vector<16xi32>], vector<16xf32>,
      %mul3A_306 = arith.mulf %gather3A_304, %gather3A_305 : vector<16xf32>
      %add3A_307 = arith.addf %add3A_301, %mul3A_306 : vector<16xf32>
      %broadcast_in_dim3A_308 = arith.constant 18 : i32
      %broadcast_in_dim3A_309 = vector.broadcast %broadcast_in_dim3A_308 : i32 to vector<16xi32>
      %gather3A_310 = tpu.vector_load_idx %arg9[%add3A_199, %broadcast_in_dim3A_309] : memref<256x128xf32, #tpu.memory_space<vmem>>[vector<16xi32>, vector<16xi32>], vector<16xf32>,
      %gather3A_311 = tpu.vector_load_idx %arg10[%add3A_199, %broadcast_in_dim3A_309] : memref<256x128xf32, #tpu.memory_space<vmem>>[vector<16xi32>, vector<16xi32>], vector<16xf32>,
      %mul3A_312 = arith.mulf %gather3A_310, %gather3A_311 : vector<16xf32>
      %add3A_313 = arith.addf %add3A_307, %mul3A_312 : vector<16xf32>
      %broadcast_in_dim3A_314 = arith.constant 19 : i32
      %broadcast_in_dim3A_315 = vector.broadcast %broadcast_in_dim3A_314 : i32 to vector<16xi32>
      %gather3A_316 = tpu.vector_load_idx %arg9[%add3A_199, %broadcast_in_dim3A_315] : memref<256x128xf32, #tpu.memory_space<vmem>>[vector<16xi32>, vector<16xi32>], vector<16xf32>,
      %gather3A_317 = tpu.vector_load_idx %arg10[%add3A_199, %broadcast_in_dim3A_315] : memref<256x128xf32, #tpu.memory_space<vmem>>[vector<16xi32>, vector<16xi32>], vector<16xf32>,
      %mul3A_318 = arith.mulf %gather3A_316, %gather3A_317 : vector<16xf32>
      %add3A_319 = arith.addf %add3A_313, %mul3A_318 : vector<16xf32>
      %broadcast_in_dim3A_320 = arith.constant 20 : i32
      %broadcast_in_dim3A_321 = vector.broadcast %broadcast_in_dim3A_320 : i32 to vector<16xi32>
      %gather3A_322 = tpu.vector_load_idx %arg9[%add3A_199, %broadcast_in_dim3A_321] : memref<256x128xf32, #tpu.memory_space<vmem>>[vector<16xi32>, vector<16xi32>], vector<16xf32>,
      %gather3A_323 = tpu.vector_load_idx %arg10[%add3A_199, %broadcast_in_dim3A_321] : memref<256x128xf32, #tpu.memory_space<vmem>>[vector<16xi32>, vector<16xi32>], vector<16xf32>,
      %mul3A_324 = arith.mulf %gather3A_322, %gather3A_323 : vector<16xf32>
      %add3A_325 = arith.addf %add3A_319, %mul3A_324 : vector<16xf32>
      %broadcast_in_dim3A_326 = arith.constant 21 : i32
      %broadcast_in_dim3A_327 = vector.broadcast %broadcast_in_dim3A_326 : i32 to vector<16xi32>
      %gather3A_328 = tpu.vector_load_idx %arg9[%add3A_199, %broadcast_in_dim3A_327] : memref<256x128xf32, #tpu.memory_space<vmem>>[vector<16xi32>, vector<16xi32>], vector<16xf32>,
      %gather3A_329 = tpu.vector_load_idx %arg10[%add3A_199, %broadcast_in_dim3A_327] : memref<256x128xf32, #tpu.memory_space<vmem>>[vector<16xi32>, vector<16xi32>], vector<16xf32>,
      %mul3A_330 = arith.mulf %gather3A_328, %gather3A_329 : vector<16xf32>
      %add3A_331 = arith.addf %add3A_325, %mul3A_330 : vector<16xf32>
      %broadcast_in_dim3A_332 = arith.constant 22 : i32
      %broadcast_in_dim3A_333 = vector.broadcast %broadcast_in_dim3A_332 : i32 to vector<16xi32>
      %gather3A_334 = tpu.vector_load_idx %arg9[%add3A_199, %broadcast_in_dim3A_333] : memref<256x128xf32, #tpu.memory_space<vmem>>[vector<16xi32>, vector<16xi32>], vector<16xf32>,
      %gather3A_335 = tpu.vector_load_idx %arg10[%add3A_199, %broadcast_in_dim3A_333] : memref<256x128xf32, #tpu.memory_space<vmem>>[vector<16xi32>, vector<16xi32>], vector<16xf32>,
      %mul3A_336 = arith.mulf %gather3A_334, %gather3A_335 : vector<16xf32>
      %add3A_337 = arith.addf %add3A_331, %mul3A_336 : vector<16xf32>
      %broadcast_in_dim3A_338 = arith.constant 23 : i32
      %broadcast_in_dim3A_339 = vector.broadcast %broadcast_in_dim3A_338 : i32 to vector<16xi32>
      %gather3A_340 = tpu.vector_load_idx %arg9[%add3A_199, %broadcast_in_dim3A_339] : memref<256x128xf32, #tpu.memory_space<vmem>>[vector<16xi32>, vector<16xi32>], vector<16xf32>,
      %gather3A_341 = tpu.vector_load_idx %arg10[%add3A_199, %broadcast_in_dim3A_339] : memref<256x128xf32, #tpu.memory_space<vmem>>[vector<16xi32>, vector<16xi32>], vector<16xf32>,
      %mul3A_342 = arith.mulf %gather3A_340, %gather3A_341 : vector<16xf32>
      %add3A_343 = arith.addf %add3A_337, %mul3A_342 : vector<16xf32>
      %broadcast_in_dim3A_344 = arith.constant 24 : i32
      %broadcast_in_dim3A_345 = vector.broadcast %broadcast_in_dim3A_344 : i32 to vector<16xi32>
      %gather3A_346 = tpu.vector_load_idx %arg9[%add3A_199, %broadcast_in_dim3A_345] : memref<256x128xf32, #tpu.memory_space<vmem>>[vector<16xi32>, vector<16xi32>], vector<16xf32>,
      %gather3A_347 = tpu.vector_load_idx %arg10[%add3A_199, %broadcast_in_dim3A_345] : memref<256x128xf32, #tpu.memory_space<vmem>>[vector<16xi32>, vector<16xi32>], vector<16xf32>,
      %mul3A_348 = arith.mulf %gather3A_346, %gather3A_347 : vector<16xf32>
      %add3A_349 = arith.addf %add3A_343, %mul3A_348 : vector<16xf32>
      %broadcast_in_dim3A_350 = arith.constant 25 : i32
      %broadcast_in_dim3A_351 = vector.broadcast %broadcast_in_dim3A_350 : i32 to vector<16xi32>
      %gather3A_352 = tpu.vector_load_idx %arg9[%add3A_199, %broadcast_in_dim3A_351] : memref<256x128xf32, #tpu.memory_space<vmem>>[vector<16xi32>, vector<16xi32>], vector<16xf32>,
      %gather3A_353 = tpu.vector_load_idx %arg10[%add3A_199, %broadcast_in_dim3A_351] : memref<256x128xf32, #tpu.memory_space<vmem>>[vector<16xi32>, vector<16xi32>], vector<16xf32>,
      %mul3A_354 = arith.mulf %gather3A_352, %gather3A_353 : vector<16xf32>
      %add3A_355 = arith.addf %add3A_349, %mul3A_354 : vector<16xf32>
      %broadcast_in_dim3A_356 = arith.constant 26 : i32
      %broadcast_in_dim3A_357 = vector.broadcast %broadcast_in_dim3A_356 : i32 to vector<16xi32>
      %gather3A_358 = tpu.vector_load_idx %arg9[%add3A_199, %broadcast_in_dim3A_357] : memref<256x128xf32, #tpu.memory_space<vmem>>[vector<16xi32>, vector<16xi32>], vector<16xf32>,
      %gather3A_359 = tpu.vector_load_idx %arg10[%add3A_199, %broadcast_in_dim3A_357] : memref<256x128xf32, #tpu.memory_space<vmem>>[vector<16xi32>, vector<16xi32>], vector<16xf32>,
      %mul3A_360 = arith.mulf %gather3A_358, %gather3A_359 : vector<16xf32>
      %add3A_361 = arith.addf %add3A_355, %mul3A_360 : vector<16xf32>
      %broadcast_in_dim3A_362 = arith.constant 27 : i32
      %broadcast_in_dim3A_363 = vector.broadcast %broadcast_in_dim3A_362 : i32 to vector<16xi32>
      %gather3A_364 = tpu.vector_load_idx %arg9[%add3A_199, %broadcast_in_dim3A_363] : memref<256x128xf32, #tpu.memory_space<vmem>>[vector<16xi32>, vector<16xi32>], vector<16xf32>,
      %gather3A_365 = tpu.vector_load_idx %arg10[%add3A_199, %broadcast_in_dim3A_363] : memref<256x128xf32, #tpu.memory_space<vmem>>[vector<16xi32>, vector<16xi32>], vector<16xf32>,
      %mul3A_366 = arith.mulf %gather3A_364, %gather3A_365 : vector<16xf32>
      %add3A_367 = arith.addf %add3A_361, %mul3A_366 : vector<16xf32>
      %broadcast_in_dim3A_368 = arith.constant 28 : i32
      %broadcast_in_dim3A_369 = vector.broadcast %broadcast_in_dim3A_368 : i32 to vector<16xi32>
      %gather3A_370 = tpu.vector_load_idx %arg9[%add3A_199, %broadcast_in_dim3A_369] : memref<256x128xf32, #tpu.memory_space<vmem>>[vector<16xi32>, vector<16xi32>], vector<16xf32>,
      %gather3A_371 = tpu.vector_load_idx %arg10[%add3A_199, %broadcast_in_dim3A_369] : memref<256x128xf32, #tpu.memory_space<vmem>>[vector<16xi32>, vector<16xi32>], vector<16xf32>,
      %mul3A_372 = arith.mulf %gather3A_370, %gather3A_371 : vector<16xf32>
      %add3A_373 = arith.addf %add3A_367, %mul3A_372 : vector<16xf32>
      %broadcast_in_dim3A_374 = arith.constant 29 : i32
      %broadcast_in_dim3A_375 = vector.broadcast %broadcast_in_dim3A_374 : i32 to vector<16xi32>
      %gather3A_376 = tpu.vector_load_idx %arg9[%add3A_199, %broadcast_in_dim3A_375] : memref<256x128xf32, #tpu.memory_space<vmem>>[vector<16xi32>, vector<16xi32>], vector<16xf32>,
      %gather3A_377 = tpu.vector_load_idx %arg10[%add3A_199, %broadcast_in_dim3A_375] : memref<256x128xf32, #tpu.memory_space<vmem>>[vector<16xi32>, vector<16xi32>], vector<16xf32>,
      %mul3A_378 = arith.mulf %gather3A_376, %gather3A_377 : vector<16xf32>
      %add3A_379 = arith.addf %add3A_373, %mul3A_378 : vector<16xf32>
      %broadcast_in_dim3A_380 = arith.constant 30 : i32
      %broadcast_in_dim3A_381 = vector.broadcast %broadcast_in_dim3A_380 : i32 to vector<16xi32>
      %gather3A_382 = tpu.vector_load_idx %arg9[%add3A_199, %broadcast_in_dim3A_381] : memref<256x128xf32, #tpu.memory_space<vmem>>[vector<16xi32>, vector<16xi32>], vector<16xf32>,
      %gather3A_383 = tpu.vector_load_idx %arg10[%add3A_199, %broadcast_in_dim3A_381] : memref<256x128xf32, #tpu.memory_space<vmem>>[vector<16xi32>, vector<16xi32>], vector<16xf32>,
      %mul3A_384 = arith.mulf %gather3A_382, %gather3A_383 : vector<16xf32>
      %add3A_385 = arith.addf %add3A_379, %mul3A_384 : vector<16xf32>
      %broadcast_in_dim3A_386 = arith.constant 31 : i32
      %broadcast_in_dim3A_387 = vector.broadcast %broadcast_in_dim3A_386 : i32 to vector<16xi32>
      %gather3A_388 = tpu.vector_load_idx %arg9[%add3A_199, %broadcast_in_dim3A_387] : memref<256x128xf32, #tpu.memory_space<vmem>>[vector<16xi32>, vector<16xi32>], vector<16xf32>,
      %gather3A_389 = tpu.vector_load_idx %arg10[%add3A_199, %broadcast_in_dim3A_387] : memref<256x128xf32, #tpu.memory_space<vmem>>[vector<16xi32>, vector<16xi32>], vector<16xf32>,
      %mul3A_390 = arith.mulf %gather3A_388, %gather3A_389 : vector<16xf32>
      %add3A_391 = arith.addf %add3A_385, %mul3A_390 : vector<16xf32>
      %broadcast_in_dim3A_392 = arith.constant 32 : i32
      %broadcast_in_dim3A_393 = vector.broadcast %broadcast_in_dim3A_392 : i32 to vector<16xi32>
      %gather3A_394 = tpu.vector_load_idx %arg9[%add3A_199, %broadcast_in_dim3A_393] : memref<256x128xf32, #tpu.memory_space<vmem>>[vector<16xi32>, vector<16xi32>], vector<16xf32>,
      %gather3A_395 = tpu.vector_load_idx %arg10[%add3A_199, %broadcast_in_dim3A_393] : memref<256x128xf32, #tpu.memory_space<vmem>>[vector<16xi32>, vector<16xi32>], vector<16xf32>,
      %mul3A_396 = arith.mulf %gather3A_394, %gather3A_395 : vector<16xf32>
      %add3A_397 = arith.addf %add3A_391, %mul3A_396 : vector<16xf32>
      %broadcast_in_dim3A_398 = arith.constant 33 : i32
      %broadcast_in_dim3A_399 = vector.broadcast %broadcast_in_dim3A_398 : i32 to vector<16xi32>
      %gather3A_400 = tpu.vector_load_idx %arg9[%add3A_199, %broadcast_in_dim3A_399] : memref<256x128xf32, #tpu.memory_space<vmem>>[vector<16xi32>, vector<16xi32>], vector<16xf32>,
      %gather3A_401 = tpu.vector_load_idx %arg10[%add3A_199, %broadcast_in_dim3A_399] : memref<256x128xf32, #tpu.memory_space<vmem>>[vector<16xi32>, vector<16xi32>], vector<16xf32>,
      %mul3A_402 = arith.mulf %gather3A_400, %gather3A_401 : vector<16xf32>
      %add3A_403 = arith.addf %add3A_397, %mul3A_402 : vector<16xf32>
      %broadcast_in_dim3A_404 = arith.constant 34 : i32
      %broadcast_in_dim3A_405 = vector.broadcast %broadcast_in_dim3A_404 : i32 to vector<16xi32>
      %gather3A_406 = tpu.vector_load_idx %arg9[%add3A_199, %broadcast_in_dim3A_405] : memref<256x128xf32, #tpu.memory_space<vmem>>[vector<16xi32>, vector<16xi32>], vector<16xf32>,
      %gather3A_407 = tpu.vector_load_idx %arg10[%add3A_199, %broadcast_in_dim3A_405] : memref<256x128xf32, #tpu.memory_space<vmem>>[vector<16xi32>, vector<16xi32>], vector<16xf32>,
      %mul3A_408 = arith.mulf %gather3A_406, %gather3A_407 : vector<16xf32>
      %add3A_409 = arith.addf %add3A_403, %mul3A_408 : vector<16xf32>
      %broadcast_in_dim3A_410 = arith.constant 35 : i32
      %broadcast_in_dim3A_411 = vector.broadcast %broadcast_in_dim3A_410 : i32 to vector<16xi32>
      %gather3A_412 = tpu.vector_load_idx %arg9[%add3A_199, %broadcast_in_dim3A_411] : memref<256x128xf32, #tpu.memory_space<vmem>>[vector<16xi32>, vector<16xi32>], vector<16xf32>,
      %gather3A_413 = tpu.vector_load_idx %arg10[%add3A_199, %broadcast_in_dim3A_411] : memref<256x128xf32, #tpu.memory_space<vmem>>[vector<16xi32>, vector<16xi32>], vector<16xf32>,
      %mul3A_414 = arith.mulf %gather3A_412, %gather3A_413 : vector<16xf32>
      %add3A_415 = arith.addf %add3A_409, %mul3A_414 : vector<16xf32>
      %broadcast_in_dim3A_416 = arith.constant 36 : i32
      %broadcast_in_dim3A_417 = vector.broadcast %broadcast_in_dim3A_416 : i32 to vector<16xi32>
      %gather3A_418 = tpu.vector_load_idx %arg9[%add3A_199, %broadcast_in_dim3A_417] : memref<256x128xf32, #tpu.memory_space<vmem>>[vector<16xi32>, vector<16xi32>], vector<16xf32>,
      %gather3A_419 = tpu.vector_load_idx %arg10[%add3A_199, %broadcast_in_dim3A_417] : memref<256x128xf32, #tpu.memory_space<vmem>>[vector<16xi32>, vector<16xi32>], vector<16xf32>,
      %mul3A_420 = arith.mulf %gather3A_418, %gather3A_419 : vector<16xf32>
      %add3A_421 = arith.addf %add3A_415, %mul3A_420 : vector<16xf32>
      %broadcast_in_dim3A_422 = arith.constant 37 : i32
      %broadcast_in_dim3A_423 = vector.broadcast %broadcast_in_dim3A_422 : i32 to vector<16xi32>
      %gather3A_424 = tpu.vector_load_idx %arg9[%add3A_199, %broadcast_in_dim3A_423] : memref<256x128xf32, #tpu.memory_space<vmem>>[vector<16xi32>, vector<16xi32>], vector<16xf32>,
      %gather3A_425 = tpu.vector_load_idx %arg10[%add3A_199, %broadcast_in_dim3A_423] : memref<256x128xf32, #tpu.memory_space<vmem>>[vector<16xi32>, vector<16xi32>], vector<16xf32>,
      %mul3A_426 = arith.mulf %gather3A_424, %gather3A_425 : vector<16xf32>
      %add3A_427 = arith.addf %add3A_421, %mul3A_426 : vector<16xf32>
      %broadcast_in_dim3A_428 = arith.constant 38 : i32
      %broadcast_in_dim3A_429 = vector.broadcast %broadcast_in_dim3A_428 : i32 to vector<16xi32>
      %gather3A_430 = tpu.vector_load_idx %arg9[%add3A_199, %broadcast_in_dim3A_429] : memref<256x128xf32, #tpu.memory_space<vmem>>[vector<16xi32>, vector<16xi32>], vector<16xf32>,
      %gather3A_431 = tpu.vector_load_idx %arg10[%add3A_199, %broadcast_in_dim3A_429] : memref<256x128xf32, #tpu.memory_space<vmem>>[vector<16xi32>, vector<16xi32>], vector<16xf32>,
      %mul3A_432 = arith.mulf %gather3A_430, %gather3A_431 : vector<16xf32>
      %add3A_433 = arith.addf %add3A_427, %mul3A_432 : vector<16xf32>
      %broadcast_in_dim3A_434 = arith.constant 39 : i32
      %broadcast_in_dim3A_435 = vector.broadcast %broadcast_in_dim3A_434 : i32 to vector<16xi32>
      %gather3A_436 = tpu.vector_load_idx %arg9[%add3A_199, %broadcast_in_dim3A_435] : memref<256x128xf32, #tpu.memory_space<vmem>>[vector<16xi32>, vector<16xi32>], vector<16xf32>,
      %gather3A_437 = tpu.vector_load_idx %arg10[%add3A_199, %broadcast_in_dim3A_435] : memref<256x128xf32, #tpu.memory_space<vmem>>[vector<16xi32>, vector<16xi32>], vector<16xf32>,
      %mul3A_438 = arith.mulf %gather3A_436, %gather3A_437 : vector<16xf32>
      %add3A_439 = arith.addf %add3A_433, %mul3A_438 : vector<16xf32>
      %broadcast_in_dim3A_440 = arith.constant 40 : i32
      %broadcast_in_dim3A_441 = vector.broadcast %broadcast_in_dim3A_440 : i32 to vector<16xi32>
      %gather3A_442 = tpu.vector_load_idx %arg9[%add3A_199, %broadcast_in_dim3A_441] : memref<256x128xf32, #tpu.memory_space<vmem>>[vector<16xi32>, vector<16xi32>], vector<16xf32>,
      %gather3A_443 = tpu.vector_load_idx %arg10[%add3A_199, %broadcast_in_dim3A_441] : memref<256x128xf32, #tpu.memory_space<vmem>>[vector<16xi32>, vector<16xi32>], vector<16xf32>,
      %mul3A_444 = arith.mulf %gather3A_442, %gather3A_443 : vector<16xf32>
      %add3A_445 = arith.addf %add3A_439, %mul3A_444 : vector<16xf32>
      %broadcast_in_dim3A_446 = arith.constant 41 : i32
      %broadcast_in_dim3A_447 = vector.broadcast %broadcast_in_dim3A_446 : i32 to vector<16xi32>
      %gather3A_448 = tpu.vector_load_idx %arg9[%add3A_199, %broadcast_in_dim3A_447] : memref<256x128xf32, #tpu.memory_space<vmem>>[vector<16xi32>, vector<16xi32>], vector<16xf32>,
      %gather3A_449 = tpu.vector_load_idx %arg10[%add3A_199, %broadcast_in_dim3A_447] : memref<256x128xf32, #tpu.memory_space<vmem>>[vector<16xi32>, vector<16xi32>], vector<16xf32>,
      %mul3A_450 = arith.mulf %gather3A_448, %gather3A_449 : vector<16xf32>
      %add3A_451 = arith.addf %add3A_445, %mul3A_450 : vector<16xf32>
      %broadcast_in_dim3A_452 = arith.constant 42 : i32
      %broadcast_in_dim3A_453 = vector.broadcast %broadcast_in_dim3A_452 : i32 to vector<16xi32>
      %gather3A_454 = tpu.vector_load_idx %arg9[%add3A_199, %broadcast_in_dim3A_453] : memref<256x128xf32, #tpu.memory_space<vmem>>[vector<16xi32>, vector<16xi32>], vector<16xf32>,
      %gather3A_455 = tpu.vector_load_idx %arg10[%add3A_199, %broadcast_in_dim3A_453] : memref<256x128xf32, #tpu.memory_space<vmem>>[vector<16xi32>, vector<16xi32>], vector<16xf32>,
      %mul3A_456 = arith.mulf %gather3A_454, %gather3A_455 : vector<16xf32>
      %add3A_457 = arith.addf %add3A_451, %mul3A_456 : vector<16xf32>
      %broadcast_in_dim3A_458 = arith.constant 43 : i32
      %broadcast_in_dim3A_459 = vector.broadcast %broadcast_in_dim3A_458 : i32 to vector<16xi32>
      %gather3A_460 = tpu.vector_load_idx %arg9[%add3A_199, %broadcast_in_dim3A_459] : memref<256x128xf32, #tpu.memory_space<vmem>>[vector<16xi32>, vector<16xi32>], vector<16xf32>,
      %gather3A_461 = tpu.vector_load_idx %arg10[%add3A_199, %broadcast_in_dim3A_459] : memref<256x128xf32, #tpu.memory_space<vmem>>[vector<16xi32>, vector<16xi32>], vector<16xf32>,
      %mul3A_462 = arith.mulf %gather3A_460, %gather3A_461 : vector<16xf32>
      %add3A_463 = arith.addf %add3A_457, %mul3A_462 : vector<16xf32>
      %broadcast_in_dim3A_464 = arith.constant 44 : i32
      %broadcast_in_dim3A_465 = vector.broadcast %broadcast_in_dim3A_464 : i32 to vector<16xi32>
      %gather3A_466 = tpu.vector_load_idx %arg9[%add3A_199, %broadcast_in_dim3A_465] : memref<256x128xf32, #tpu.memory_space<vmem>>[vector<16xi32>, vector<16xi32>], vector<16xf32>,
      %gather3A_467 = tpu.vector_load_idx %arg10[%add3A_199, %broadcast_in_dim3A_465] : memref<256x128xf32, #tpu.memory_space<vmem>>[vector<16xi32>, vector<16xi32>], vector<16xf32>,
      %mul3A_468 = arith.mulf %gather3A_466, %gather3A_467 : vector<16xf32>
      %add3A_469 = arith.addf %add3A_463, %mul3A_468 : vector<16xf32>
      %broadcast_in_dim3A_470 = arith.constant 45 : i32
      %broadcast_in_dim3A_471 = vector.broadcast %broadcast_in_dim3A_470 : i32 to vector<16xi32>
      %gather3A_472 = tpu.vector_load_idx %arg9[%add3A_199, %broadcast_in_dim3A_471] : memref<256x128xf32, #tpu.memory_space<vmem>>[vector<16xi32>, vector<16xi32>], vector<16xf32>,
      %gather3A_473 = tpu.vector_load_idx %arg10[%add3A_199, %broadcast_in_dim3A_471] : memref<256x128xf32, #tpu.memory_space<vmem>>[vector<16xi32>, vector<16xi32>], vector<16xf32>,
      %mul3A_474 = arith.mulf %gather3A_472, %gather3A_473 : vector<16xf32>
      %add3A_475 = arith.addf %add3A_469, %mul3A_474 : vector<16xf32>
      %broadcast_in_dim3A_476 = arith.constant 46 : i32
      %broadcast_in_dim3A_477 = vector.broadcast %broadcast_in_dim3A_476 : i32 to vector<16xi32>
      %gather3A_478 = tpu.vector_load_idx %arg9[%add3A_199, %broadcast_in_dim3A_477] : memref<256x128xf32, #tpu.memory_space<vmem>>[vector<16xi32>, vector<16xi32>], vector<16xf32>,
      %gather3A_479 = tpu.vector_load_idx %arg10[%add3A_199, %broadcast_in_dim3A_477] : memref<256x128xf32, #tpu.memory_space<vmem>>[vector<16xi32>, vector<16xi32>], vector<16xf32>,
      %mul3A_480 = arith.mulf %gather3A_478, %gather3A_479 : vector<16xf32>
      %add3A_481 = arith.addf %add3A_475, %mul3A_480 : vector<16xf32>
      %broadcast_in_dim3A_482 = arith.constant 47 : i32
      %broadcast_in_dim3A_483 = vector.broadcast %broadcast_in_dim3A_482 : i32 to vector<16xi32>
      %gather3A_484 = tpu.vector_load_idx %arg9[%add3A_199, %broadcast_in_dim3A_483] : memref<256x128xf32, #tpu.memory_space<vmem>>[vector<16xi32>, vector<16xi32>], vector<16xf32>,
      %gather3A_485 = tpu.vector_load_idx %arg10[%add3A_199, %broadcast_in_dim3A_483] : memref<256x128xf32, #tpu.memory_space<vmem>>[vector<16xi32>, vector<16xi32>], vector<16xf32>,
      %mul3A_486 = arith.mulf %gather3A_484, %gather3A_485 : vector<16xf32>
      %add3A_487 = arith.addf %add3A_481, %mul3A_486 : vector<16xf32>
      %broadcast_in_dim3A_488 = arith.constant 48 : i32
      %broadcast_in_dim3A_489 = vector.broadcast %broadcast_in_dim3A_488 : i32 to vector<16xi32>
      %gather3A_490 = tpu.vector_load_idx %arg9[%add3A_199, %broadcast_in_dim3A_489] : memref<256x128xf32, #tpu.memory_space<vmem>>[vector<16xi32>, vector<16xi32>], vector<16xf32>,
      %gather3A_491 = tpu.vector_load_idx %arg10[%add3A_199, %broadcast_in_dim3A_489] : memref<256x128xf32, #tpu.memory_space<vmem>>[vector<16xi32>, vector<16xi32>], vector<16xf32>,
      %mul3A_492 = arith.mulf %gather3A_490, %gather3A_491 : vector<16xf32>
      %add3A_493 = arith.addf %add3A_487, %mul3A_492 : vector<16xf32>
      %broadcast_in_dim3A_494 = arith.constant 49 : i32
      %broadcast_in_dim3A_495 = vector.broadcast %broadcast_in_dim3A_494 : i32 to vector<16xi32>
      %gather3A_496 = tpu.vector_load_idx %arg9[%add3A_199, %broadcast_in_dim3A_495] : memref<256x128xf32, #tpu.memory_space<vmem>>[vector<16xi32>, vector<16xi32>], vector<16xf32>,
      %gather3A_497 = tpu.vector_load_idx %arg10[%add3A_199, %broadcast_in_dim3A_495] : memref<256x128xf32, #tpu.memory_space<vmem>>[vector<16xi32>, vector<16xi32>], vector<16xf32>,
      %mul3A_498 = arith.mulf %gather3A_496, %gather3A_497 : vector<16xf32>
      %add3A_499 = arith.addf %add3A_493, %mul3A_498 : vector<16xf32>
      %broadcast_in_dim3A_500 = arith.constant 50 : i32
      %broadcast_in_dim3A_501 = vector.broadcast %broadcast_in_dim3A_500 : i32 to vector<16xi32>
      %gather3A_502 = tpu.vector_load_idx %arg9[%add3A_199, %broadcast_in_dim3A_501] : memref<256x128xf32, #tpu.memory_space<vmem>>[vector<16xi32>, vector<16xi32>], vector<16xf32>,
      %gather3A_503 = tpu.vector_load_idx %arg10[%add3A_199, %broadcast_in_dim3A_501] : memref<256x128xf32, #tpu.memory_space<vmem>>[vector<16xi32>, vector<16xi32>], vector<16xf32>,
      %mul3A_504 = arith.mulf %gather3A_502, %gather3A_503 : vector<16xf32>
      %add3A_505 = arith.addf %add3A_499, %mul3A_504 : vector<16xf32>
      %broadcast_in_dim3A_506 = arith.constant 51 : i32
      %broadcast_in_dim3A_507 = vector.broadcast %broadcast_in_dim3A_506 : i32 to vector<16xi32>
      %gather3A_508 = tpu.vector_load_idx %arg9[%add3A_199, %broadcast_in_dim3A_507] : memref<256x128xf32, #tpu.memory_space<vmem>>[vector<16xi32>, vector<16xi32>], vector<16xf32>,
      %gather3A_509 = tpu.vector_load_idx %arg10[%add3A_199, %broadcast_in_dim3A_507] : memref<256x128xf32, #tpu.memory_space<vmem>>[vector<16xi32>, vector<16xi32>], vector<16xf32>,
      %mul3A_510 = arith.mulf %gather3A_508, %gather3A_509 : vector<16xf32>
      %add3A_511 = arith.addf %add3A_505, %mul3A_510 : vector<16xf32>
      %broadcast_in_dim3A_512 = arith.constant 52 : i32
      %broadcast_in_dim3A_513 = vector.broadcast %broadcast_in_dim3A_512 : i32 to vector<16xi32>
      %gather3A_514 = tpu.vector_load_idx %arg9[%add3A_199, %broadcast_in_dim3A_513] : memref<256x128xf32, #tpu.memory_space<vmem>>[vector<16xi32>, vector<16xi32>], vector<16xf32>,
      %gather3A_515 = tpu.vector_load_idx %arg10[%add3A_199, %broadcast_in_dim3A_513] : memref<256x128xf32, #tpu.memory_space<vmem>>[vector<16xi32>, vector<16xi32>], vector<16xf32>,
      %mul3A_516 = arith.mulf %gather3A_514, %gather3A_515 : vector<16xf32>
      %add3A_517 = arith.addf %add3A_511, %mul3A_516 : vector<16xf32>
      %broadcast_in_dim3A_518 = arith.constant 53 : i32
      %broadcast_in_dim3A_519 = vector.broadcast %broadcast_in_dim3A_518 : i32 to vector<16xi32>
      %gather3A_520 = tpu.vector_load_idx %arg9[%add3A_199, %broadcast_in_dim3A_519] : memref<256x128xf32, #tpu.memory_space<vmem>>[vector<16xi32>, vector<16xi32>], vector<16xf32>,
      %gather3A_521 = tpu.vector_load_idx %arg10[%add3A_199, %broadcast_in_dim3A_519] : memref<256x128xf32, #tpu.memory_space<vmem>>[vector<16xi32>, vector<16xi32>], vector<16xf32>,
      %mul3A_522 = arith.mulf %gather3A_520, %gather3A_521 : vector<16xf32>
      %add3A_523 = arith.addf %add3A_517, %mul3A_522 : vector<16xf32>
      %broadcast_in_dim3A_524 = arith.constant 54 : i32
      %broadcast_in_dim3A_525 = vector.broadcast %broadcast_in_dim3A_524 : i32 to vector<16xi32>
      %gather3A_526 = tpu.vector_load_idx %arg9[%add3A_199, %broadcast_in_dim3A_525] : memref<256x128xf32, #tpu.memory_space<vmem>>[vector<16xi32>, vector<16xi32>], vector<16xf32>,
      %gather3A_527 = tpu.vector_load_idx %arg10[%add3A_199, %broadcast_in_dim3A_525] : memref<256x128xf32, #tpu.memory_space<vmem>>[vector<16xi32>, vector<16xi32>], vector<16xf32>,
      %mul3A_528 = arith.mulf %gather3A_526, %gather3A_527 : vector<16xf32>
      %add3A_529 = arith.addf %add3A_523, %mul3A_528 : vector<16xf32>
      %broadcast_in_dim3A_530 = arith.constant 55 : i32
      %broadcast_in_dim3A_531 = vector.broadcast %broadcast_in_dim3A_530 : i32 to vector<16xi32>
      %gather3A_532 = tpu.vector_load_idx %arg9[%add3A_199, %broadcast_in_dim3A_531] : memref<256x128xf32, #tpu.memory_space<vmem>>[vector<16xi32>, vector<16xi32>], vector<16xf32>,
      %gather3A_533 = tpu.vector_load_idx %arg10[%add3A_199, %broadcast_in_dim3A_531] : memref<256x128xf32, #tpu.memory_space<vmem>>[vector<16xi32>, vector<16xi32>], vector<16xf32>,
      %mul3A_534 = arith.mulf %gather3A_532, %gather3A_533 : vector<16xf32>
      %add3A_535 = arith.addf %add3A_529, %mul3A_534 : vector<16xf32>
      %broadcast_in_dim3A_536 = arith.constant 56 : i32
      %broadcast_in_dim3A_537 = vector.broadcast %broadcast_in_dim3A_536 : i32 to vector<16xi32>
      %gather3A_538 = tpu.vector_load_idx %arg9[%add3A_199, %broadcast_in_dim3A_537] : memref<256x128xf32, #tpu.memory_space<vmem>>[vector<16xi32>, vector<16xi32>], vector<16xf32>,
      %gather3A_539 = tpu.vector_load_idx %arg10[%add3A_199, %broadcast_in_dim3A_537] : memref<256x128xf32, #tpu.memory_space<vmem>>[vector<16xi32>, vector<16xi32>], vector<16xf32>,
      %mul3A_540 = arith.mulf %gather3A_538, %gather3A_539 : vector<16xf32>
      %add3A_541 = arith.addf %add3A_535, %mul3A_540 : vector<16xf32>
      %broadcast_in_dim3A_542 = arith.constant 57 : i32
      %broadcast_in_dim3A_543 = vector.broadcast %broadcast_in_dim3A_542 : i32 to vector<16xi32>
      %gather3A_544 = tpu.vector_load_idx %arg9[%add3A_199, %broadcast_in_dim3A_543] : memref<256x128xf32, #tpu.memory_space<vmem>>[vector<16xi32>, vector<16xi32>], vector<16xf32>,
      %gather3A_545 = tpu.vector_load_idx %arg10[%add3A_199, %broadcast_in_dim3A_543] : memref<256x128xf32, #tpu.memory_space<vmem>>[vector<16xi32>, vector<16xi32>], vector<16xf32>,
      %mul3A_546 = arith.mulf %gather3A_544, %gather3A_545 : vector<16xf32>
      %add3A_547 = arith.addf %add3A_541, %mul3A_546 : vector<16xf32>
      %broadcast_in_dim3A_548 = arith.constant 58 : i32
      %broadcast_in_dim3A_549 = vector.broadcast %broadcast_in_dim3A_548 : i32 to vector<16xi32>
      %gather3A_550 = tpu.vector_load_idx %arg9[%add3A_199, %broadcast_in_dim3A_549] : memref<256x128xf32, #tpu.memory_space<vmem>>[vector<16xi32>, vector<16xi32>], vector<16xf32>,
      %gather3A_551 = tpu.vector_load_idx %arg10[%add3A_199, %broadcast_in_dim3A_549] : memref<256x128xf32, #tpu.memory_space<vmem>>[vector<16xi32>, vector<16xi32>], vector<16xf32>,
      %mul3A_552 = arith.mulf %gather3A_550, %gather3A_551 : vector<16xf32>
      %add3A_553 = arith.addf %add3A_547, %mul3A_552 : vector<16xf32>
      %broadcast_in_dim3A_554 = arith.constant 59 : i32
      %broadcast_in_dim3A_555 = vector.broadcast %broadcast_in_dim3A_554 : i32 to vector<16xi32>
      %gather3A_556 = tpu.vector_load_idx %arg9[%add3A_199, %broadcast_in_dim3A_555] : memref<256x128xf32, #tpu.memory_space<vmem>>[vector<16xi32>, vector<16xi32>], vector<16xf32>,
      %gather3A_557 = tpu.vector_load_idx %arg10[%add3A_199, %broadcast_in_dim3A_555] : memref<256x128xf32, #tpu.memory_space<vmem>>[vector<16xi32>, vector<16xi32>], vector<16xf32>,
      %mul3A_558 = arith.mulf %gather3A_556, %gather3A_557 : vector<16xf32>
      %add3A_559 = arith.addf %add3A_553, %mul3A_558 : vector<16xf32>
      %broadcast_in_dim3A_560 = arith.constant 60 : i32
      %broadcast_in_dim3A_561 = vector.broadcast %broadcast_in_dim3A_560 : i32 to vector<16xi32>
      %gather3A_562 = tpu.vector_load_idx %arg9[%add3A_199, %broadcast_in_dim3A_561] : memref<256x128xf32, #tpu.memory_space<vmem>>[vector<16xi32>, vector<16xi32>], vector<16xf32>,
      %gather3A_563 = tpu.vector_load_idx %arg10[%add3A_199, %broadcast_in_dim3A_561] : memref<256x128xf32, #tpu.memory_space<vmem>>[vector<16xi32>, vector<16xi32>], vector<16xf32>,
      %mul3A_564 = arith.mulf %gather3A_562, %gather3A_563 : vector<16xf32>
      %add3A_565 = arith.addf %add3A_559, %mul3A_564 : vector<16xf32>
      %broadcast_in_dim3A_566 = arith.constant 61 : i32
      %broadcast_in_dim3A_567 = vector.broadcast %broadcast_in_dim3A_566 : i32 to vector<16xi32>
      %gather3A_568 = tpu.vector_load_idx %arg9[%add3A_199, %broadcast_in_dim3A_567] : memref<256x128xf32, #tpu.memory_space<vmem>>[vector<16xi32>, vector<16xi32>], vector<16xf32>,
      %gather3A_569 = tpu.vector_load_idx %arg10[%add3A_199, %broadcast_in_dim3A_567] : memref<256x128xf32, #tpu.memory_space<vmem>>[vector<16xi32>, vector<16xi32>], vector<16xf32>,
      %mul3A_570 = arith.mulf %gather3A_568, %gather3A_569 : vector<16xf32>
      %add3A_571 = arith.addf %add3A_565, %mul3A_570 : vector<16xf32>
      %broadcast_in_dim3A_572 = arith.constant 62 : i32
      %broadcast_in_dim3A_573 = vector.broadcast %broadcast_in_dim3A_572 : i32 to vector<16xi32>
      %gather3A_574 = tpu.vector_load_idx %arg9[%add3A_199, %broadcast_in_dim3A_573] : memref<256x128xf32, #tpu.memory_space<vmem>>[vector<16xi32>, vector<16xi32>], vector<16xf32>,
      %gather3A_575 = tpu.vector_load_idx %arg10[%add3A_199, %broadcast_in_dim3A_573] : memref<256x128xf32, #tpu.memory_space<vmem>>[vector<16xi32>, vector<16xi32>], vector<16xf32>,
      %mul3A_576 = arith.mulf %gather3A_574, %gather3A_575 : vector<16xf32>
      %add3A_577 = arith.addf %add3A_571, %mul3A_576 : vector<16xf32>
      %broadcast_in_dim3A_578 = arith.constant 63 : i32
      %broadcast_in_dim3A_579 = vector.broadcast %broadcast_in_dim3A_578 : i32 to vector<16xi32>
      %gather3A_580 = tpu.vector_load_idx %arg9[%add3A_199, %broadcast_in_dim3A_579] : memref<256x128xf32, #tpu.memory_space<vmem>>[vector<16xi32>, vector<16xi32>], vector<16xf32>,
      %gather3A_581 = tpu.vector_load_idx %arg10[%add3A_199, %broadcast_in_dim3A_579] : memref<256x128xf32, #tpu.memory_space<vmem>>[vector<16xi32>, vector<16xi32>], vector<16xf32>,
      %mul3A_582 = arith.mulf %gather3A_580, %gather3A_581 : vector<16xf32>
      %add3A_583 = arith.addf %add3A_577, %mul3A_582 : vector<16xf32>
      %mul3A_584 = arith.constant 16 : i32
      %mul3A_585 = arith.muli %scan3A_195, %mul3A_584 : i32
      %add3A_586 = arith.constant 0 : i32
      %add3A_587 = arith.addi %add3A_586, %mul3A_585 : i32
      %swap3A = arith.index_cast %add3A_587 : i32 to index
      %swap3A_588 = tpu.vector_load %arg11[%swap3A] {strides = array<i32>} : memref<512xf32, #tpu.memory_space<vmem>>, vector<16xf32>,
      tpu.vector_store %arg11[%swap3A], %add3A_583 {strides = array<i32>} : memref<512xf32, #tpu.memory_space<vmem>>, vector<16xf32>,
    }
    %scan3A_108 = arith.constant 16 : i32
    %dma_start3A_109 = arith.constant 2 : i32
    %dma_start3A_110 = arith.constant 0 : i32
    %dma_start3A_111 = arith.constant 0 : i32
    %dma_start3A_112 = tpu.memref_slice %arg9[%dma_start3A_110, %dma_start3A_111] : memref<256x128xf32, #tpu.memory_space<vmem>> -> memref<128x128xf32, #tpu.memory_space<vmem>>
    %dma_start3A_113 = arith.constant 0 : i32
    %dma_start3A_114 = tpu.memref_slice %arg7[%dma_start3A_109, %dma_start3A_113] : memref<4x128xi32, #tpu.memory_space<vmem>> -> memref<1x128xi32, #tpu.memory_space<vmem>>
    %dma_start3A_115 = tpu.memref_squeeze %dma_start3A_114 : memref<1x128xi32, #tpu.memory_space<vmem>> -> memref<128xi32, #tpu.memory_space<vmem>>
    %dma_start3A_116 = arith.constant 0 : i32
    %dma_start3A_117 = arith.constant 0 : i32
    %dma_start3A_118 = tpu.memref_slice %arg4[%dma_start3A_116, %dma_start3A_117] : memref<1007616x128xf32, #tpu.memory_space<hbm>> -> memref<1007616x128xf32, #tpu.memory_space<hbm>>
    tpu.enqueue_indirect_dma source(%dma_start3A_118 : memref<1007616x128xf32, #tpu.memory_space<hbm>>) target(%dma_start3A_112 : memref<128x128xf32, #tpu.memory_space<vmem>>) offsets(%dma_start3A_115 : memref<128xi32, #tpu.memory_space<vmem>>) semaphore(%arg12 : memref<!tpu.dma_semaphore, #tpu.memory_space<semaphore_mem>>)
    %dma_start3A_119 = arith.constant 2 : i32
    %dma_start3A_120 = arith.constant 0 : i32
    %dma_start3A_121 = arith.constant 0 : i32
    %dma_start3A_122 = tpu.memref_slice %arg10[%dma_start3A_120, %dma_start3A_121] : memref<256x128xf32, #tpu.memory_space<vmem>> -> memref<128x128xf32, #tpu.memory_space<vmem>>
    %dma_start3A_123 = arith.constant 0 : i32
    %dma_start3A_124 = tpu.memref_slice %arg8[%dma_start3A_119, %dma_start3A_123] : memref<4x128xi32, #tpu.memory_space<vmem>> -> memref<1x128xi32, #tpu.memory_space<vmem>>
    %dma_start3A_125 = tpu.memref_squeeze %dma_start3A_124 : memref<1x128xi32, #tpu.memory_space<vmem>> -> memref<128xi32, #tpu.memory_space<vmem>>
    %dma_start3A_126 = arith.constant 0 : i32
    %dma_start3A_127 = arith.constant 0 : i32
    %dma_start3A_128 = tpu.memref_slice %arg5[%dma_start3A_126, %dma_start3A_127] : memref<1000000x128xf32, #tpu.memory_space<hbm>> -> memref<1000000x128xf32, #tpu.memory_space<hbm>>
    tpu.enqueue_indirect_dma source(%dma_start3A_128 : memref<1000000x128xf32, #tpu.memory_space<hbm>>) target(%dma_start3A_122 : memref<128x128xf32, #tpu.memory_space<vmem>>) offsets(%dma_start3A_125 : memref<128xi32, #tpu.memory_space<vmem>>) semaphore(%arg12 : memref<!tpu.dma_semaphore, #tpu.memory_space<semaphore_mem>>)
    %dma_start3A_129 = arith.constant 3 : i32
    %dma_start3A_130 = arith.constant 128 : i32
    %dma_start3A_131 = arith.constant 0 : i32
    %dma_start3A_132 = tpu.memref_slice %arg9[%dma_start3A_130, %dma_start3A_131] : memref<256x128xf32, #tpu.memory_space<vmem>> -> memref<128x128xf32, #tpu.memory_space<vmem>>
    %dma_start3A_133 = arith.constant 0 : i32
    %dma_start3A_134 = tpu.memref_slice %arg7[%dma_start3A_129, %dma_start3A_133] : memref<4x128xi32, #tpu.memory_space<vmem>> -> memref<1x128xi32, #tpu.memory_space<vmem>>
    %dma_start3A_135 = tpu.memref_squeeze %dma_start3A_134 : memref<1x128xi32, #tpu.memory_space<vmem>> -> memref<128xi32, #tpu.memory_space<vmem>>
    %dma_start3A_136 = arith.constant 0 : i32
    %dma_start3A_137 = arith.constant 0 : i32
    %dma_start3A_138 = tpu.memref_slice %arg4[%dma_start3A_136, %dma_start3A_137] : memref<1007616x128xf32, #tpu.memory_space<hbm>> -> memref<1007616x128xf32, #tpu.memory_space<hbm>>
    tpu.enqueue_indirect_dma source(%dma_start3A_138 : memref<1007616x128xf32, #tpu.memory_space<hbm>>) target(%dma_start3A_132 : memref<128x128xf32, #tpu.memory_space<vmem>>) offsets(%dma_start3A_135 : memref<128xi32, #tpu.memory_space<vmem>>) semaphore(%arg12 : memref<!tpu.dma_semaphore, #tpu.memory_space<semaphore_mem>>)
    %dma_start3A_139 = arith.constant 3 : i32
    %dma_start3A_140 = arith.constant 128 : i32
    %dma_start3A_141 = arith.constant 0 : i32
    %dma_start3A_142 = tpu.memref_slice %arg10[%dma_start3A_140, %dma_start3A_141] : memref<256x128xf32, #tpu.memory_space<vmem>> -> memref<128x128xf32, #tpu.memory_space<vmem>>
    %dma_start3A_143 = arith.constant 0 : i32
    %dma_start3A_144 = tpu.memref_slice %arg8[%dma_start3A_139, %dma_start3A_143] : memref<4x128xi32, #tpu.memory_space<vmem>> -> memref<1x128xi32, #tpu.memory_space<vmem>>
    %dma_start3A_145 = tpu.memref_squeeze %dma_start3A_144 : memref<1x128xi32, #tpu.memory_space<vmem>> -> memref<128xi32, #tpu.memory_space<vmem>>
    %dma_start3A_146 = arith.constant 0 : i32
    %dma_start3A_147 = arith.constant 0 : i32
    %dma_start3A_148 = tpu.memref_slice %arg5[%dma_start3A_146, %dma_start3A_147] : memref<1000000x128xf32, #tpu.memory_space<hbm>> -> memref<1000000x128xf32, #tpu.memory_space<hbm>>
    tpu.enqueue_indirect_dma source(%dma_start3A_148 : memref<1000000x128xf32, #tpu.memory_space<hbm>>) target(%dma_start3A_142 : memref<128x128xf32, #tpu.memory_space<vmem>>) offsets(%dma_start3A_145 : memref<128xi32, #tpu.memory_space<vmem>>) semaphore(%arg12 : memref<!tpu.dma_semaphore, #tpu.memory_space<semaphore_mem>>)
    %dma_wait3A_149 = arith.constant 2 : i32
    %dma_wait3A_150 = arith.constant 0 : i32
    %dma_wait3A_151 = arith.constant 0 : i32
    %dma_wait3A_152 = tpu.memref_slice %arg9[%dma_wait3A_150, %dma_wait3A_151] : memref<256x128xf32, #tpu.memory_space<vmem>> -> memref<128x128xf32, #tpu.memory_space<vmem>>
    %dma_wait3A_153 = arith.constant 0 : i32
    %dma_wait3A_154 = tpu.memref_slice %arg7[%dma_wait3A_149, %dma_wait3A_153] : memref<4x128xi32, #tpu.memory_space<vmem>> -> memref<1x128xi32, #tpu.memory_space<vmem>>
    %dma_wait3A_155 = tpu.memref_squeeze %dma_wait3A_154 : memref<1x128xi32, #tpu.memory_space<vmem>> -> memref<128xi32, #tpu.memory_space<vmem>>
    %dma_wait3A_156 = arith.constant 0 : i32
    %dma_wait3A_157 = arith.constant 0 : i32
    %dma_wait3A_158 = tpu.memref_slice %arg4[%dma_wait3A_156, %dma_wait3A_157] : memref<1007616x128xf32, #tpu.memory_space<hbm>> -> memref<1007616x128xf32, #tpu.memory_space<hbm>>
    tpu.wait_indirect_dma semaphore(%arg12 : memref<!tpu.dma_semaphore, #tpu.memory_space<semaphore_mem>>) src(%dma_wait3A_158 : memref<1007616x128xf32, #tpu.memory_space<hbm>>) dst(%dma_wait3A_152 : memref<128x128xf32, #tpu.memory_space<vmem>>)
    %dma_wait3A_159 = arith.constant 2 : i32
    %dma_wait3A_160 = arith.constant 0 : i32
    %dma_wait3A_161 = arith.constant 0 : i32
    %dma_wait3A_162 = tpu.memref_slice %arg10[%dma_wait3A_160, %dma_wait3A_161] : memref<256x128xf32, #tpu.memory_space<vmem>> -> memref<128x128xf32, #tpu.memory_space<vmem>>
    %dma_wait3A_163 = arith.constant 0 : i32
    %dma_wait3A_164 = tpu.memref_slice %arg8[%dma_wait3A_159, %dma_wait3A_163] : memref<4x128xi32, #tpu.memory_space<vmem>> -> memref<1x128xi32, #tpu.memory_space<vmem>>
    %dma_wait3A_165 = tpu.memref_squeeze %dma_wait3A_164 : memref<1x128xi32, #tpu.memory_space<vmem>> -> memref<128xi32, #tpu.memory_space<vmem>>
    %dma_wait3A_166 = arith.constant 0 : i32
    %dma_wait3A_167 = arith.constant 0 : i32
    %dma_wait3A_168 = tpu.memref_slice %arg5[%dma_wait3A_166, %dma_wait3A_167] : memref<1000000x128xf32, #tpu.memory_space<hbm>> -> memref<1000000x128xf32, #tpu.memory_space<hbm>>
    tpu.wait_indirect_dma semaphore(%arg12 : memref<!tpu.dma_semaphore, #tpu.memory_space<semaphore_mem>>) src(%dma_wait3A_168 : memref<1000000x128xf32, #tpu.memory_space<hbm>>) dst(%dma_wait3A_162 : memref<128x128xf32, #tpu.memory_space<vmem>>)
    %dma_wait3A_169 = arith.constant 3 : i32
    %dma_wait3A_170 = arith.constant 128 : i32
    %dma_wait3A_171 = arith.constant 0 : i32
    %dma_wait3A_172 = tpu.memref_slice %arg9[%dma_wait3A_170, %dma_wait3A_171] : memref<256x128xf32, #tpu.memory_space<vmem>> -> memref<128x128xf32, #tpu.memory_space<vmem>>
    %dma_wait3A_173 = arith.constant 0 : i32
    %dma_wait3A_174 = tpu.memref_slice %arg7[%dma_wait3A_169, %dma_wait3A_173] : memref<4x128xi32, #tpu.memory_space<vmem>> -> memref<1x128xi32, #tpu.memory_space<vmem>>
    %dma_wait3A_175 = tpu.memref_squeeze %dma_wait3A_174 : memref<1x128xi32, #tpu.memory_space<vmem>> -> memref<128xi32, #tpu.memory_space<vmem>>
    %dma_wait3A_176 = arith.constant 0 : i32
    %dma_wait3A_177 = arith.constant 0 : i32
    %dma_wait3A_178 = tpu.memref_slice %arg4[%dma_wait3A_176, %dma_wait3A_177] : memref<1007616x128xf32, #tpu.memory_space<hbm>> -> memref<1007616x128xf32, #tpu.memory_space<hbm>>
    tpu.wait_indirect_dma semaphore(%arg12 : memref<!tpu.dma_semaphore, #tpu.memory_space<semaphore_mem>>) src(%dma_wait3A_178 : memref<1007616x128xf32, #tpu.memory_space<hbm>>) dst(%dma_wait3A_172 : memref<128x128xf32, #tpu.memory_space<vmem>>)
    %dma_wait3A_179 = arith.constant 3 : i32
    %dma_wait3A_180 = arith.constant 128 : i32
    %dma_wait3A_181 = arith.constant 0 : i32
    %dma_wait3A_182 = tpu.memref_slice %arg10[%dma_wait3A_180, %dma_wait3A_181] : memref<256x128xf32, #tpu.memory_space<vmem>> -> memref<128x128xf32, #tpu.memory_space<vmem>>
    %dma_wait3A_183 = arith.constant 0 : i32
    %dma_wait3A_184 = tpu.memref_slice %arg8[%dma_wait3A_179, %dma_wait3A_183] : memref<4x128xi32, #tpu.memory_space<vmem>> -> memref<1x128xi32, #tpu.memory_space<vmem>>
    %dma_wait3A_185 = tpu.memref_squeeze %dma_wait3A_184 : memref<1x128xi32, #tpu.memory_space<vmem>> -> memref<128xi32, #tpu.memory_space<vmem>>
    %dma_wait3A_186 = arith.constant 0 : i32
    %dma_wait3A_187 = arith.constant 0 : i32
    %dma_wait3A_188 = tpu.memref_slice %arg5[%dma_wait3A_186, %dma_wait3A_187] : memref<1000000x128xf32, #tpu.memory_space<hbm>> -> memref<1000000x128xf32, #tpu.memory_space<hbm>>
    tpu.wait_indirect_dma semaphore(%arg12 : memref<!tpu.dma_semaphore, #tpu.memory_space<semaphore_mem>>) src(%dma_wait3A_188 : memref<1000000x128xf32, #tpu.memory_space<hbm>>) dst(%dma_wait3A_182 : memref<128x128xf32, #tpu.memory_space<vmem>>)
    %scan3A_189 = arith.constant 0 : i32
    %scan3A_190 = arith.constant 0 : i32
    %scan3A_191 = arith.constant 16 : i32
    %scan3A_192 = arith.addi %scan3A_190, %scan3A_191 : i32
    %scan3A_193 = arith.constant 1 : i32
    scf.for %scan3A_195 = %scan3A_190 to %scan3A_192 step %scan3A_193  : i32 {
      %mul3A_196 = arith.constant 16 : i32
      %mul3A_197 = arith.muli %scan3A_195, %mul3A_196 : i32
      %add3A_198 = vector.broadcast %mul3A_197 : i32 to vector<16xi32>
      %add3A_199 = arith.addi %add3A_198, %iota3A : vector<16xi32>
      %broadcast_in_dim3A = arith.constant 0.000000e+00 : f32
      %broadcast_in_dim3A_200 = vector.broadcast %broadcast_in_dim3A : f32 to vector<16xf32>
      %broadcast_in_dim3A_201 = arith.constant 0 : i32
      %broadcast_in_dim3A_202 = vector.broadcast %broadcast_in_dim3A_201 : i32 to vector<16xi32>
      %gather3A = tpu.vector_load_idx %arg9[%add3A_199, %broadcast_in_dim3A_202] : memref<256x128xf32, #tpu.memory_space<vmem>>[vector<16xi32>, vector<16xi32>], vector<16xf32>,
      %gather3A_203 = tpu.vector_load_idx %arg10[%add3A_199, %broadcast_in_dim3A_202] : memref<256x128xf32, #tpu.memory_space<vmem>>[vector<16xi32>, vector<16xi32>], vector<16xf32>,
      %mul3A_204 = arith.mulf %gather3A, %gather3A_203 : vector<16xf32>
      %add3A_205 = arith.addf %broadcast_in_dim3A_200, %mul3A_204 : vector<16xf32>
      %broadcast_in_dim3A_206 = arith.constant 1 : i32
      %broadcast_in_dim3A_207 = vector.broadcast %broadcast_in_dim3A_206 : i32 to vector<16xi32>
      %gather3A_208 = tpu.vector_load_idx %arg9[%add3A_199, %broadcast_in_dim3A_207] : memref<256x128xf32, #tpu.memory_space<vmem>>[vector<16xi32>, vector<16xi32>], vector<16xf32>,
      %gather3A_209 = tpu.vector_load_idx %arg10[%add3A_199, %broadcast_in_dim3A_207] : memref<256x128xf32, #tpu.memory_space<vmem>>[vector<16xi32>, vector<16xi32>], vector<16xf32>,
      %mul3A_210 = arith.mulf %gather3A_208, %gather3A_209 : vector<16xf32>
      %add3A_211 = arith.addf %add3A_205, %mul3A_210 : vector<16xf32>
      %broadcast_in_dim3A_212 = arith.constant 2 : i32
      %broadcast_in_dim3A_213 = vector.broadcast %broadcast_in_dim3A_212 : i32 to vector<16xi32>
      %gather3A_214 = tpu.vector_load_idx %arg9[%add3A_199, %broadcast_in_dim3A_213] : memref<256x128xf32, #tpu.memory_space<vmem>>[vector<16xi32>, vector<16xi32>], vector<16xf32>,
      %gather3A_215 = tpu.vector_load_idx %arg10[%add3A_199, %broadcast_in_dim3A_213] : memref<256x128xf32, #tpu.memory_space<vmem>>[vector<16xi32>, vector<16xi32>], vector<16xf32>,
      %mul3A_216 = arith.mulf %gather3A_214, %gather3A_215 : vector<16xf32>
      %add3A_217 = arith.addf %add3A_211, %mul3A_216 : vector<16xf32>
      %broadcast_in_dim3A_218 = arith.constant 3 : i32
      %broadcast_in_dim3A_219 = vector.broadcast %broadcast_in_dim3A_218 : i32 to vector<16xi32>
      %gather3A_220 = tpu.vector_load_idx %arg9[%add3A_199, %broadcast_in_dim3A_219] : memref<256x128xf32, #tpu.memory_space<vmem>>[vector<16xi32>, vector<16xi32>], vector<16xf32>,
      %gather3A_221 = tpu.vector_load_idx %arg10[%add3A_199, %broadcast_in_dim3A_219] : memref<256x128xf32, #tpu.memory_space<vmem>>[vector<16xi32>, vector<16xi32>], vector<16xf32>,
      %mul3A_222 = arith.mulf %gather3A_220, %gather3A_221 : vector<16xf32>
      %add3A_223 = arith.addf %add3A_217, %mul3A_222 : vector<16xf32>
      %broadcast_in_dim3A_224 = arith.constant 4 : i32
      %broadcast_in_dim3A_225 = vector.broadcast %broadcast_in_dim3A_224 : i32 to vector<16xi32>
      %gather3A_226 = tpu.vector_load_idx %arg9[%add3A_199, %broadcast_in_dim3A_225] : memref<256x128xf32, #tpu.memory_space<vmem>>[vector<16xi32>, vector<16xi32>], vector<16xf32>,
      %gather3A_227 = tpu.vector_load_idx %arg10[%add3A_199, %broadcast_in_dim3A_225] : memref<256x128xf32, #tpu.memory_space<vmem>>[vector<16xi32>, vector<16xi32>], vector<16xf32>,
      %mul3A_228 = arith.mulf %gather3A_226, %gather3A_227 : vector<16xf32>
      %add3A_229 = arith.addf %add3A_223, %mul3A_228 : vector<16xf32>
      %broadcast_in_dim3A_230 = arith.constant 5 : i32
      %broadcast_in_dim3A_231 = vector.broadcast %broadcast_in_dim3A_230 : i32 to vector<16xi32>
      %gather3A_232 = tpu.vector_load_idx %arg9[%add3A_199, %broadcast_in_dim3A_231] : memref<256x128xf32, #tpu.memory_space<vmem>>[vector<16xi32>, vector<16xi32>], vector<16xf32>,
      %gather3A_233 = tpu.vector_load_idx %arg10[%add3A_199, %broadcast_in_dim3A_231] : memref<256x128xf32, #tpu.memory_space<vmem>>[vector<16xi32>, vector<16xi32>], vector<16xf32>,
      %mul3A_234 = arith.mulf %gather3A_232, %gather3A_233 : vector<16xf32>
      %add3A_235 = arith.addf %add3A_229, %mul3A_234 : vector<16xf32>
      %broadcast_in_dim3A_236 = arith.constant 6 : i32
      %broadcast_in_dim3A_237 = vector.broadcast %broadcast_in_dim3A_236 : i32 to vector<16xi32>
      %gather3A_238 = tpu.vector_load_idx %arg9[%add3A_199, %broadcast_in_dim3A_237] : memref<256x128xf32, #tpu.memory_space<vmem>>[vector<16xi32>, vector<16xi32>], vector<16xf32>,
      %gather3A_239 = tpu.vector_load_idx %arg10[%add3A_199, %broadcast_in_dim3A_237] : memref<256x128xf32, #tpu.memory_space<vmem>>[vector<16xi32>, vector<16xi32>], vector<16xf32>,
      %mul3A_240 = arith.mulf %gather3A_238, %gather3A_239 : vector<16xf32>
      %add3A_241 = arith.addf %add3A_235, %mul3A_240 : vector<16xf32>
      %broadcast_in_dim3A_242 = arith.constant 7 : i32
      %broadcast_in_dim3A_243 = vector.broadcast %broadcast_in_dim3A_242 : i32 to vector<16xi32>
      %gather3A_244 = tpu.vector_load_idx %arg9[%add3A_199, %broadcast_in_dim3A_243] : memref<256x128xf32, #tpu.memory_space<vmem>>[vector<16xi32>, vector<16xi32>], vector<16xf32>,
      %gather3A_245 = tpu.vector_load_idx %arg10[%add3A_199, %broadcast_in_dim3A_243] : memref<256x128xf32, #tpu.memory_space<vmem>>[vector<16xi32>, vector<16xi32>], vector<16xf32>,
      %mul3A_246 = arith.mulf %gather3A_244, %gather3A_245 : vector<16xf32>
      %add3A_247 = arith.addf %add3A_241, %mul3A_246 : vector<16xf32>
      %broadcast_in_dim3A_248 = arith.constant 8 : i32
      %broadcast_in_dim3A_249 = vector.broadcast %broadcast_in_dim3A_248 : i32 to vector<16xi32>
      %gather3A_250 = tpu.vector_load_idx %arg9[%add3A_199, %broadcast_in_dim3A_249] : memref<256x128xf32, #tpu.memory_space<vmem>>[vector<16xi32>, vector<16xi32>], vector<16xf32>,
      %gather3A_251 = tpu.vector_load_idx %arg10[%add3A_199, %broadcast_in_dim3A_249] : memref<256x128xf32, #tpu.memory_space<vmem>>[vector<16xi32>, vector<16xi32>], vector<16xf32>,
      %mul3A_252 = arith.mulf %gather3A_250, %gather3A_251 : vector<16xf32>
      %add3A_253 = arith.addf %add3A_247, %mul3A_252 : vector<16xf32>
      %broadcast_in_dim3A_254 = arith.constant 9 : i32
      %broadcast_in_dim3A_255 = vector.broadcast %broadcast_in_dim3A_254 : i32 to vector<16xi32>
      %gather3A_256 = tpu.vector_load_idx %arg9[%add3A_199, %broadcast_in_dim3A_255] : memref<256x128xf32, #tpu.memory_space<vmem>>[vector<16xi32>, vector<16xi32>], vector<16xf32>,
      %gather3A_257 = tpu.vector_load_idx %arg10[%add3A_199, %broadcast_in_dim3A_255] : memref<256x128xf32, #tpu.memory_space<vmem>>[vector<16xi32>, vector<16xi32>], vector<16xf32>,
      %mul3A_258 = arith.mulf %gather3A_256, %gather3A_257 : vector<16xf32>
      %add3A_259 = arith.addf %add3A_253, %mul3A_258 : vector<16xf32>
      %broadcast_in_dim3A_260 = arith.constant 10 : i32
      %broadcast_in_dim3A_261 = vector.broadcast %broadcast_in_dim3A_260 : i32 to vector<16xi32>
      %gather3A_262 = tpu.vector_load_idx %arg9[%add3A_199, %broadcast_in_dim3A_261] : memref<256x128xf32, #tpu.memory_space<vmem>>[vector<16xi32>, vector<16xi32>], vector<16xf32>,
      %gather3A_263 = tpu.vector_load_idx %arg10[%add3A_199, %broadcast_in_dim3A_261] : memref<256x128xf32, #tpu.memory_space<vmem>>[vector<16xi32>, vector<16xi32>], vector<16xf32>,
      %mul3A_264 = arith.mulf %gather3A_262, %gather3A_263 : vector<16xf32>
      %add3A_265 = arith.addf %add3A_259, %mul3A_264 : vector<16xf32>
      %broadcast_in_dim3A_266 = arith.constant 11 : i32
      %broadcast_in_dim3A_267 = vector.broadcast %broadcast_in_dim3A_266 : i32 to vector<16xi32>
      %gather3A_268 = tpu.vector_load_idx %arg9[%add3A_199, %broadcast_in_dim3A_267] : memref<256x128xf32, #tpu.memory_space<vmem>>[vector<16xi32>, vector<16xi32>], vector<16xf32>,
      %gather3A_269 = tpu.vector_load_idx %arg10[%add3A_199, %broadcast_in_dim3A_267] : memref<256x128xf32, #tpu.memory_space<vmem>>[vector<16xi32>, vector<16xi32>], vector<16xf32>,
      %mul3A_270 = arith.mulf %gather3A_268, %gather3A_269 : vector<16xf32>
      %add3A_271 = arith.addf %add3A_265, %mul3A_270 : vector<16xf32>
      %broadcast_in_dim3A_272 = arith.constant 12 : i32
      %broadcast_in_dim3A_273 = vector.broadcast %broadcast_in_dim3A_272 : i32 to vector<16xi32>
      %gather3A_274 = tpu.vector_load_idx %arg9[%add3A_199, %broadcast_in_dim3A_273] : memref<256x128xf32, #tpu.memory_space<vmem>>[vector<16xi32>, vector<16xi32>], vector<16xf32>,
      %gather3A_275 = tpu.vector_load_idx %arg10[%add3A_199, %broadcast_in_dim3A_273] : memref<256x128xf32, #tpu.memory_space<vmem>>[vector<16xi32>, vector<16xi32>], vector<16xf32>,
      %mul3A_276 = arith.mulf %gather3A_274, %gather3A_275 : vector<16xf32>
      %add3A_277 = arith.addf %add3A_271, %mul3A_276 : vector<16xf32>
      %broadcast_in_dim3A_278 = arith.constant 13 : i32
      %broadcast_in_dim3A_279 = vector.broadcast %broadcast_in_dim3A_278 : i32 to vector<16xi32>
      %gather3A_280 = tpu.vector_load_idx %arg9[%add3A_199, %broadcast_in_dim3A_279] : memref<256x128xf32, #tpu.memory_space<vmem>>[vector<16xi32>, vector<16xi32>], vector<16xf32>,
      %gather3A_281 = tpu.vector_load_idx %arg10[%add3A_199, %broadcast_in_dim3A_279] : memref<256x128xf32, #tpu.memory_space<vmem>>[vector<16xi32>, vector<16xi32>], vector<16xf32>,
      %mul3A_282 = arith.mulf %gather3A_280, %gather3A_281 : vector<16xf32>
      %add3A_283 = arith.addf %add3A_277, %mul3A_282 : vector<16xf32>
      %broadcast_in_dim3A_284 = arith.constant 14 : i32
      %broadcast_in_dim3A_285 = vector.broadcast %broadcast_in_dim3A_284 : i32 to vector<16xi32>
      %gather3A_286 = tpu.vector_load_idx %arg9[%add3A_199, %broadcast_in_dim3A_285] : memref<256x128xf32, #tpu.memory_space<vmem>>[vector<16xi32>, vector<16xi32>], vector<16xf32>,
      %gather3A_287 = tpu.vector_load_idx %arg10[%add3A_199, %broadcast_in_dim3A_285] : memref<256x128xf32, #tpu.memory_space<vmem>>[vector<16xi32>, vector<16xi32>], vector<16xf32>,
      %mul3A_288 = arith.mulf %gather3A_286, %gather3A_287 : vector<16xf32>
      %add3A_289 = arith.addf %add3A_283, %mul3A_288 : vector<16xf32>
      %broadcast_in_dim3A_290 = arith.constant 15 : i32
      %broadcast_in_dim3A_291 = vector.broadcast %broadcast_in_dim3A_290 : i32 to vector<16xi32>
      %gather3A_292 = tpu.vector_load_idx %arg9[%add3A_199, %broadcast_in_dim3A_291] : memref<256x128xf32, #tpu.memory_space<vmem>>[vector<16xi32>, vector<16xi32>], vector<16xf32>,
      %gather3A_293 = tpu.vector_load_idx %arg10[%add3A_199, %broadcast_in_dim3A_291] : memref<256x128xf32, #tpu.memory_space<vmem>>[vector<16xi32>, vector<16xi32>], vector<16xf32>,
      %mul3A_294 = arith.mulf %gather3A_292, %gather3A_293 : vector<16xf32>
      %add3A_295 = arith.addf %add3A_289, %mul3A_294 : vector<16xf32>
      %broadcast_in_dim3A_296 = arith.constant 16 : i32
      %broadcast_in_dim3A_297 = vector.broadcast %broadcast_in_dim3A_296 : i32 to vector<16xi32>
      %gather3A_298 = tpu.vector_load_idx %arg9[%add3A_199, %broadcast_in_dim3A_297] : memref<256x128xf32, #tpu.memory_space<vmem>>[vector<16xi32>, vector<16xi32>], vector<16xf32>,
      %gather3A_299 = tpu.vector_load_idx %arg10[%add3A_199, %broadcast_in_dim3A_297] : memref<256x128xf32, #tpu.memory_space<vmem>>[vector<16xi32>, vector<16xi32>], vector<16xf32>,
      %mul3A_300 = arith.mulf %gather3A_298, %gather3A_299 : vector<16xf32>
      %add3A_301 = arith.addf %add3A_295, %mul3A_300 : vector<16xf32>
      %broadcast_in_dim3A_302 = arith.constant 17 : i32
      %broadcast_in_dim3A_303 = vector.broadcast %broadcast_in_dim3A_302 : i32 to vector<16xi32>
      %gather3A_304 = tpu.vector_load_idx %arg9[%add3A_199, %broadcast_in_dim3A_303] : memref<256x128xf32, #tpu.memory_space<vmem>>[vector<16xi32>, vector<16xi32>], vector<16xf32>,
      %gather3A_305 = tpu.vector_load_idx %arg10[%add3A_199, %broadcast_in_dim3A_303] : memref<256x128xf32, #tpu.memory_space<vmem>>[vector<16xi32>, vector<16xi32>], vector<16xf32>,
      %mul3A_306 = arith.mulf %gather3A_304, %gather3A_305 : vector<16xf32>
      %add3A_307 = arith.addf %add3A_301, %mul3A_306 : vector<16xf32>
      %broadcast_in_dim3A_308 = arith.constant 18 : i32
      %broadcast_in_dim3A_309 = vector.broadcast %broadcast_in_dim3A_308 : i32 to vector<16xi32>
      %gather3A_310 = tpu.vector_load_idx %arg9[%add3A_199, %broadcast_in_dim3A_309] : memref<256x128xf32, #tpu.memory_space<vmem>>[vector<16xi32>, vector<16xi32>], vector<16xf32>,
      %gather3A_311 = tpu.vector_load_idx %arg10[%add3A_199, %broadcast_in_dim3A_309] : memref<256x128xf32, #tpu.memory_space<vmem>>[vector<16xi32>, vector<16xi32>], vector<16xf32>,
      %mul3A_312 = arith.mulf %gather3A_310, %gather3A_311 : vector<16xf32>
      %add3A_313 = arith.addf %add3A_307, %mul3A_312 : vector<16xf32>
      %broadcast_in_dim3A_314 = arith.constant 19 : i32
      %broadcast_in_dim3A_315 = vector.broadcast %broadcast_in_dim3A_314 : i32 to vector<16xi32>
      %gather3A_316 = tpu.vector_load_idx %arg9[%add3A_199, %broadcast_in_dim3A_315] : memref<256x128xf32, #tpu.memory_space<vmem>>[vector<16xi32>, vector<16xi32>], vector<16xf32>,
      %gather3A_317 = tpu.vector_load_idx %arg10[%add3A_199, %broadcast_in_dim3A_315] : memref<256x128xf32, #tpu.memory_space<vmem>>[vector<16xi32>, vector<16xi32>], vector<16xf32>,
      %mul3A_318 = arith.mulf %gather3A_316, %gather3A_317 : vector<16xf32>
      %add3A_319 = arith.addf %add3A_313, %mul3A_318 : vector<16xf32>
      %broadcast_in_dim3A_320 = arith.constant 20 : i32
      %broadcast_in_dim3A_321 = vector.broadcast %broadcast_in_dim3A_320 : i32 to vector<16xi32>
      %gather3A_322 = tpu.vector_load_idx %arg9[%add3A_199, %broadcast_in_dim3A_321] : memref<256x128xf32, #tpu.memory_space<vmem>>[vector<16xi32>, vector<16xi32>], vector<16xf32>,
      %gather3A_323 = tpu.vector_load_idx %arg10[%add3A_199, %broadcast_in_dim3A_321] : memref<256x128xf32, #tpu.memory_space<vmem>>[vector<16xi32>, vector<16xi32>], vector<16xf32>,
      %mul3A_324 = arith.mulf %gather3A_322, %gather3A_323 : vector<16xf32>
      %add3A_325 = arith.addf %add3A_319, %mul3A_324 : vector<16xf32>
      %broadcast_in_dim3A_326 = arith.constant 21 : i32
      %broadcast_in_dim3A_327 = vector.broadcast %broadcast_in_dim3A_326 : i32 to vector<16xi32>
      %gather3A_328 = tpu.vector_load_idx %arg9[%add3A_199, %broadcast_in_dim3A_327] : memref<256x128xf32, #tpu.memory_space<vmem>>[vector<16xi32>, vector<16xi32>], vector<16xf32>,
      %gather3A_329 = tpu.vector_load_idx %arg10[%add3A_199, %broadcast_in_dim3A_327] : memref<256x128xf32, #tpu.memory_space<vmem>>[vector<16xi32>, vector<16xi32>], vector<16xf32>,
      %mul3A_330 = arith.mulf %gather3A_328, %gather3A_329 : vector<16xf32>
      %add3A_331 = arith.addf %add3A_325, %mul3A_330 : vector<16xf32>
      %broadcast_in_dim3A_332 = arith.constant 22 : i32
      %broadcast_in_dim3A_333 = vector.broadcast %broadcast_in_dim3A_332 : i32 to vector<16xi32>
      %gather3A_334 = tpu.vector_load_idx %arg9[%add3A_199, %broadcast_in_dim3A_333] : memref<256x128xf32, #tpu.memory_space<vmem>>[vector<16xi32>, vector<16xi32>], vector<16xf32>,
      %gather3A_335 = tpu.vector_load_idx %arg10[%add3A_199, %broadcast_in_dim3A_333] : memref<256x128xf32, #tpu.memory_space<vmem>>[vector<16xi32>, vector<16xi32>], vector<16xf32>,
      %mul3A_336 = arith.mulf %gather3A_334, %gather3A_335 : vector<16xf32>
      %add3A_337 = arith.addf %add3A_331, %mul3A_336 : vector<16xf32>
      %broadcast_in_dim3A_338 = arith.constant 23 : i32
      %broadcast_in_dim3A_339 = vector.broadcast %broadcast_in_dim3A_338 : i32 to vector<16xi32>
      %gather3A_340 = tpu.vector_load_idx %arg9[%add3A_199, %broadcast_in_dim3A_339] : memref<256x128xf32, #tpu.memory_space<vmem>>[vector<16xi32>, vector<16xi32>], vector<16xf32>,
      %gather3A_341 = tpu.vector_load_idx %arg10[%add3A_199, %broadcast_in_dim3A_339] : memref<256x128xf32, #tpu.memory_space<vmem>>[vector<16xi32>, vector<16xi32>], vector<16xf32>,
      %mul3A_342 = arith.mulf %gather3A_340, %gather3A_341 : vector<16xf32>
      %add3A_343 = arith.addf %add3A_337, %mul3A_342 : vector<16xf32>
      %broadcast_in_dim3A_344 = arith.constant 24 : i32
      %broadcast_in_dim3A_345 = vector.broadcast %broadcast_in_dim3A_344 : i32 to vector<16xi32>
      %gather3A_346 = tpu.vector_load_idx %arg9[%add3A_199, %broadcast_in_dim3A_345] : memref<256x128xf32, #tpu.memory_space<vmem>>[vector<16xi32>, vector<16xi32>], vector<16xf32>,
      %gather3A_347 = tpu.vector_load_idx %arg10[%add3A_199, %broadcast_in_dim3A_345] : memref<256x128xf32, #tpu.memory_space<vmem>>[vector<16xi32>, vector<16xi32>], vector<16xf32>,
      %mul3A_348 = arith.mulf %gather3A_346, %gather3A_347 : vector<16xf32>
      %add3A_349 = arith.addf %add3A_343, %mul3A_348 : vector<16xf32>
      %broadcast_in_dim3A_350 = arith.constant 25 : i32
      %broadcast_in_dim3A_351 = vector.broadcast %broadcast_in_dim3A_350 : i32 to vector<16xi32>
      %gather3A_352 = tpu.vector_load_idx %arg9[%add3A_199, %broadcast_in_dim3A_351] : memref<256x128xf32, #tpu.memory_space<vmem>>[vector<16xi32>, vector<16xi32>], vector<16xf32>,
      %gather3A_353 = tpu.vector_load_idx %arg10[%add3A_199, %broadcast_in_dim3A_351] : memref<256x128xf32, #tpu.memory_space<vmem>>[vector<16xi32>, vector<16xi32>], vector<16xf32>,
      %mul3A_354 = arith.mulf %gather3A_352, %gather3A_353 : vector<16xf32>
      %add3A_355 = arith.addf %add3A_349, %mul3A_354 : vector<16xf32>
      %broadcast_in_dim3A_356 = arith.constant 26 : i32
      %broadcast_in_dim3A_357 = vector.broadcast %broadcast_in_dim3A_356 : i32 to vector<16xi32>
      %gather3A_358 = tpu.vector_load_idx %arg9[%add3A_199, %broadcast_in_dim3A_357] : memref<256x128xf32, #tpu.memory_space<vmem>>[vector<16xi32>, vector<16xi32>], vector<16xf32>,
      %gather3A_359 = tpu.vector_load_idx %arg10[%add3A_199, %broadcast_in_dim3A_357] : memref<256x128xf32, #tpu.memory_space<vmem>>[vector<16xi32>, vector<16xi32>], vector<16xf32>,
      %mul3A_360 = arith.mulf %gather3A_358, %gather3A_359 : vector<16xf32>
      %add3A_361 = arith.addf %add3A_355, %mul3A_360 : vector<16xf32>
      %broadcast_in_dim3A_362 = arith.constant 27 : i32
      %broadcast_in_dim3A_363 = vector.broadcast %broadcast_in_dim3A_362 : i32 to vector<16xi32>
      %gather3A_364 = tpu.vector_load_idx %arg9[%add3A_199, %broadcast_in_dim3A_363] : memref<256x128xf32, #tpu.memory_space<vmem>>[vector<16xi32>, vector<16xi32>], vector<16xf32>,
      %gather3A_365 = tpu.vector_load_idx %arg10[%add3A_199, %broadcast_in_dim3A_363] : memref<256x128xf32, #tpu.memory_space<vmem>>[vector<16xi32>, vector<16xi32>], vector<16xf32>,
      %mul3A_366 = arith.mulf %gather3A_364, %gather3A_365 : vector<16xf32>
      %add3A_367 = arith.addf %add3A_361, %mul3A_366 : vector<16xf32>
      %broadcast_in_dim3A_368 = arith.constant 28 : i32
      %broadcast_in_dim3A_369 = vector.broadcast %broadcast_in_dim3A_368 : i32 to vector<16xi32>
      %gather3A_370 = tpu.vector_load_idx %arg9[%add3A_199, %broadcast_in_dim3A_369] : memref<256x128xf32, #tpu.memory_space<vmem>>[vector<16xi32>, vector<16xi32>], vector<16xf32>,
      %gather3A_371 = tpu.vector_load_idx %arg10[%add3A_199, %broadcast_in_dim3A_369] : memref<256x128xf32, #tpu.memory_space<vmem>>[vector<16xi32>, vector<16xi32>], vector<16xf32>,
      %mul3A_372 = arith.mulf %gather3A_370, %gather3A_371 : vector<16xf32>
      %add3A_373 = arith.addf %add3A_367, %mul3A_372 : vector<16xf32>
      %broadcast_in_dim3A_374 = arith.constant 29 : i32
      %broadcast_in_dim3A_375 = vector.broadcast %broadcast_in_dim3A_374 : i32 to vector<16xi32>
      %gather3A_376 = tpu.vector_load_idx %arg9[%add3A_199, %broadcast_in_dim3A_375] : memref<256x128xf32, #tpu.memory_space<vmem>>[vector<16xi32>, vector<16xi32>], vector<16xf32>,
      %gather3A_377 = tpu.vector_load_idx %arg10[%add3A_199, %broadcast_in_dim3A_375] : memref<256x128xf32, #tpu.memory_space<vmem>>[vector<16xi32>, vector<16xi32>], vector<16xf32>,
      %mul3A_378 = arith.mulf %gather3A_376, %gather3A_377 : vector<16xf32>
      %add3A_379 = arith.addf %add3A_373, %mul3A_378 : vector<16xf32>
      %broadcast_in_dim3A_380 = arith.constant 30 : i32
      %broadcast_in_dim3A_381 = vector.broadcast %broadcast_in_dim3A_380 : i32 to vector<16xi32>
      %gather3A_382 = tpu.vector_load_idx %arg9[%add3A_199, %broadcast_in_dim3A_381] : memref<256x128xf32, #tpu.memory_space<vmem>>[vector<16xi32>, vector<16xi32>], vector<16xf32>,
      %gather3A_383 = tpu.vector_load_idx %arg10[%add3A_199, %broadcast_in_dim3A_381] : memref<256x128xf32, #tpu.memory_space<vmem>>[vector<16xi32>, vector<16xi32>], vector<16xf32>,
      %mul3A_384 = arith.mulf %gather3A_382, %gather3A_383 : vector<16xf32>
      %add3A_385 = arith.addf %add3A_379, %mul3A_384 : vector<16xf32>
      %broadcast_in_dim3A_386 = arith.constant 31 : i32
      %broadcast_in_dim3A_387 = vector.broadcast %broadcast_in_dim3A_386 : i32 to vector<16xi32>
      %gather3A_388 = tpu.vector_load_idx %arg9[%add3A_199, %broadcast_in_dim3A_387] : memref<256x128xf32, #tpu.memory_space<vmem>>[vector<16xi32>, vector<16xi32>], vector<16xf32>,
      %gather3A_389 = tpu.vector_load_idx %arg10[%add3A_199, %broadcast_in_dim3A_387] : memref<256x128xf32, #tpu.memory_space<vmem>>[vector<16xi32>, vector<16xi32>], vector<16xf32>,
      %mul3A_390 = arith.mulf %gather3A_388, %gather3A_389 : vector<16xf32>
      %add3A_391 = arith.addf %add3A_385, %mul3A_390 : vector<16xf32>
      %broadcast_in_dim3A_392 = arith.constant 32 : i32
      %broadcast_in_dim3A_393 = vector.broadcast %broadcast_in_dim3A_392 : i32 to vector<16xi32>
      %gather3A_394 = tpu.vector_load_idx %arg9[%add3A_199, %broadcast_in_dim3A_393] : memref<256x128xf32, #tpu.memory_space<vmem>>[vector<16xi32>, vector<16xi32>], vector<16xf32>,
      %gather3A_395 = tpu.vector_load_idx %arg10[%add3A_199, %broadcast_in_dim3A_393] : memref<256x128xf32, #tpu.memory_space<vmem>>[vector<16xi32>, vector<16xi32>], vector<16xf32>,
      %mul3A_396 = arith.mulf %gather3A_394, %gather3A_395 : vector<16xf32>
      %add3A_397 = arith.addf %add3A_391, %mul3A_396 : vector<16xf32>
      %broadcast_in_dim3A_398 = arith.constant 33 : i32
      %broadcast_in_dim3A_399 = vector.broadcast %broadcast_in_dim3A_398 : i32 to vector<16xi32>
      %gather3A_400 = tpu.vector_load_idx %arg9[%add3A_199, %broadcast_in_dim3A_399] : memref<256x128xf32, #tpu.memory_space<vmem>>[vector<16xi32>, vector<16xi32>], vector<16xf32>,
      %gather3A_401 = tpu.vector_load_idx %arg10[%add3A_199, %broadcast_in_dim3A_399] : memref<256x128xf32, #tpu.memory_space<vmem>>[vector<16xi32>, vector<16xi32>], vector<16xf32>,
      %mul3A_402 = arith.mulf %gather3A_400, %gather3A_401 : vector<16xf32>
      %add3A_403 = arith.addf %add3A_397, %mul3A_402 : vector<16xf32>
      %broadcast_in_dim3A_404 = arith.constant 34 : i32
      %broadcast_in_dim3A_405 = vector.broadcast %broadcast_in_dim3A_404 : i32 to vector<16xi32>
      %gather3A_406 = tpu.vector_load_idx %arg9[%add3A_199, %broadcast_in_dim3A_405] : memref<256x128xf32, #tpu.memory_space<vmem>>[vector<16xi32>, vector<16xi32>], vector<16xf32>,
      %gather3A_407 = tpu.vector_load_idx %arg10[%add3A_199, %broadcast_in_dim3A_405] : memref<256x128xf32, #tpu.memory_space<vmem>>[vector<16xi32>, vector<16xi32>], vector<16xf32>,
      %mul3A_408 = arith.mulf %gather3A_406, %gather3A_407 : vector<16xf32>
      %add3A_409 = arith.addf %add3A_403, %mul3A_408 : vector<16xf32>
      %broadcast_in_dim3A_410 = arith.constant 35 : i32
      %broadcast_in_dim3A_411 = vector.broadcast %broadcast_in_dim3A_410 : i32 to vector<16xi32>
      %gather3A_412 = tpu.vector_load_idx %arg9[%add3A_199, %broadcast_in_dim3A_411] : memref<256x128xf32, #tpu.memory_space<vmem>>[vector<16xi32>, vector<16xi32>], vector<16xf32>,
      %gather3A_413 = tpu.vector_load_idx %arg10[%add3A_199, %broadcast_in_dim3A_411] : memref<256x128xf32, #tpu.memory_space<vmem>>[vector<16xi32>, vector<16xi32>], vector<16xf32>,
      %mul3A_414 = arith.mulf %gather3A_412, %gather3A_413 : vector<16xf32>
      %add3A_415 = arith.addf %add3A_409, %mul3A_414 : vector<16xf32>
      %broadcast_in_dim3A_416 = arith.constant 36 : i32
      %broadcast_in_dim3A_417 = vector.broadcast %broadcast_in_dim3A_416 : i32 to vector<16xi32>
      %gather3A_418 = tpu.vector_load_idx %arg9[%add3A_199, %broadcast_in_dim3A_417] : memref<256x128xf32, #tpu.memory_space<vmem>>[vector<16xi32>, vector<16xi32>], vector<16xf32>,
      %gather3A_419 = tpu.vector_load_idx %arg10[%add3A_199, %broadcast_in_dim3A_417] : memref<256x128xf32, #tpu.memory_space<vmem>>[vector<16xi32>, vector<16xi32>], vector<16xf32>,
      %mul3A_420 = arith.mulf %gather3A_418, %gather3A_419 : vector<16xf32>
      %add3A_421 = arith.addf %add3A_415, %mul3A_420 : vector<16xf32>
      %broadcast_in_dim3A_422 = arith.constant 37 : i32
      %broadcast_in_dim3A_423 = vector.broadcast %broadcast_in_dim3A_422 : i32 to vector<16xi32>
      %gather3A_424 = tpu.vector_load_idx %arg9[%add3A_199, %broadcast_in_dim3A_423] : memref<256x128xf32, #tpu.memory_space<vmem>>[vector<16xi32>, vector<16xi32>], vector<16xf32>,
      %gather3A_425 = tpu.vector_load_idx %arg10[%add3A_199, %broadcast_in_dim3A_423] : memref<256x128xf32, #tpu.memory_space<vmem>>[vector<16xi32>, vector<16xi32>], vector<16xf32>,
      %mul3A_426 = arith.mulf %gather3A_424, %gather3A_425 : vector<16xf32>
      %add3A_427 = arith.addf %add3A_421, %mul3A_426 : vector<16xf32>
      %broadcast_in_dim3A_428 = arith.constant 38 : i32
      %broadcast_in_dim3A_429 = vector.broadcast %broadcast_in_dim3A_428 : i32 to vector<16xi32>
      %gather3A_430 = tpu.vector_load_idx %arg9[%add3A_199, %broadcast_in_dim3A_429] : memref<256x128xf32, #tpu.memory_space<vmem>>[vector<16xi32>, vector<16xi32>], vector<16xf32>,
      %gather3A_431 = tpu.vector_load_idx %arg10[%add3A_199, %broadcast_in_dim3A_429] : memref<256x128xf32, #tpu.memory_space<vmem>>[vector<16xi32>, vector<16xi32>], vector<16xf32>,
      %mul3A_432 = arith.mulf %gather3A_430, %gather3A_431 : vector<16xf32>
      %add3A_433 = arith.addf %add3A_427, %mul3A_432 : vector<16xf32>
      %broadcast_in_dim3A_434 = arith.constant 39 : i32
      %broadcast_in_dim3A_435 = vector.broadcast %broadcast_in_dim3A_434 : i32 to vector<16xi32>
      %gather3A_436 = tpu.vector_load_idx %arg9[%add3A_199, %broadcast_in_dim3A_435] : memref<256x128xf32, #tpu.memory_space<vmem>>[vector<16xi32>, vector<16xi32>], vector<16xf32>,
      %gather3A_437 = tpu.vector_load_idx %arg10[%add3A_199, %broadcast_in_dim3A_435] : memref<256x128xf32, #tpu.memory_space<vmem>>[vector<16xi32>, vector<16xi32>], vector<16xf32>,
      %mul3A_438 = arith.mulf %gather3A_436, %gather3A_437 : vector<16xf32>
      %add3A_439 = arith.addf %add3A_433, %mul3A_438 : vector<16xf32>
      %broadcast_in_dim3A_440 = arith.constant 40 : i32
      %broadcast_in_dim3A_441 = vector.broadcast %broadcast_in_dim3A_440 : i32 to vector<16xi32>
      %gather3A_442 = tpu.vector_load_idx %arg9[%add3A_199, %broadcast_in_dim3A_441] : memref<256x128xf32, #tpu.memory_space<vmem>>[vector<16xi32>, vector<16xi32>], vector<16xf32>,
      %gather3A_443 = tpu.vector_load_idx %arg10[%add3A_199, %broadcast_in_dim3A_441] : memref<256x128xf32, #tpu.memory_space<vmem>>[vector<16xi32>, vector<16xi32>], vector<16xf32>,
      %mul3A_444 = arith.mulf %gather3A_442, %gather3A_443 : vector<16xf32>
      %add3A_445 = arith.addf %add3A_439, %mul3A_444 : vector<16xf32>
      %broadcast_in_dim3A_446 = arith.constant 41 : i32
      %broadcast_in_dim3A_447 = vector.broadcast %broadcast_in_dim3A_446 : i32 to vector<16xi32>
      %gather3A_448 = tpu.vector_load_idx %arg9[%add3A_199, %broadcast_in_dim3A_447] : memref<256x128xf32, #tpu.memory_space<vmem>>[vector<16xi32>, vector<16xi32>], vector<16xf32>,
      %gather3A_449 = tpu.vector_load_idx %arg10[%add3A_199, %broadcast_in_dim3A_447] : memref<256x128xf32, #tpu.memory_space<vmem>>[vector<16xi32>, vector<16xi32>], vector<16xf32>,
      %mul3A_450 = arith.mulf %gather3A_448, %gather3A_449 : vector<16xf32>
      %add3A_451 = arith.addf %add3A_445, %mul3A_450 : vector<16xf32>
      %broadcast_in_dim3A_452 = arith.constant 42 : i32
      %broadcast_in_dim3A_453 = vector.broadcast %broadcast_in_dim3A_452 : i32 to vector<16xi32>
      %gather3A_454 = tpu.vector_load_idx %arg9[%add3A_199, %broadcast_in_dim3A_453] : memref<256x128xf32, #tpu.memory_space<vmem>>[vector<16xi32>, vector<16xi32>], vector<16xf32>,
      %gather3A_455 = tpu.vector_load_idx %arg10[%add3A_199, %broadcast_in_dim3A_453] : memref<256x128xf32, #tpu.memory_space<vmem>>[vector<16xi32>, vector<16xi32>], vector<16xf32>,
      %mul3A_456 = arith.mulf %gather3A_454, %gather3A_455 : vector<16xf32>
      %add3A_457 = arith.addf %add3A_451, %mul3A_456 : vector<16xf32>
      %broadcast_in_dim3A_458 = arith.constant 43 : i32
      %broadcast_in_dim3A_459 = vector.broadcast %broadcast_in_dim3A_458 : i32 to vector<16xi32>
      %gather3A_460 = tpu.vector_load_idx %arg9[%add3A_199, %broadcast_in_dim3A_459] : memref<256x128xf32, #tpu.memory_space<vmem>>[vector<16xi32>, vector<16xi32>], vector<16xf32>,
      %gather3A_461 = tpu.vector_load_idx %arg10[%add3A_199, %broadcast_in_dim3A_459] : memref<256x128xf32, #tpu.memory_space<vmem>>[vector<16xi32>, vector<16xi32>], vector<16xf32>,
      %mul3A_462 = arith.mulf %gather3A_460, %gather3A_461 : vector<16xf32>
      %add3A_463 = arith.addf %add3A_457, %mul3A_462 : vector<16xf32>
      %broadcast_in_dim3A_464 = arith.constant 44 : i32
      %broadcast_in_dim3A_465 = vector.broadcast %broadcast_in_dim3A_464 : i32 to vector<16xi32>
      %gather3A_466 = tpu.vector_load_idx %arg9[%add3A_199, %broadcast_in_dim3A_465] : memref<256x128xf32, #tpu.memory_space<vmem>>[vector<16xi32>, vector<16xi32>], vector<16xf32>,
      %gather3A_467 = tpu.vector_load_idx %arg10[%add3A_199, %broadcast_in_dim3A_465] : memref<256x128xf32, #tpu.memory_space<vmem>>[vector<16xi32>, vector<16xi32>], vector<16xf32>,
      %mul3A_468 = arith.mulf %gather3A_466, %gather3A_467 : vector<16xf32>
      %add3A_469 = arith.addf %add3A_463, %mul3A_468 : vector<16xf32>
      %broadcast_in_dim3A_470 = arith.constant 45 : i32
      %broadcast_in_dim3A_471 = vector.broadcast %broadcast_in_dim3A_470 : i32 to vector<16xi32>
      %gather3A_472 = tpu.vector_load_idx %arg9[%add3A_199, %broadcast_in_dim3A_471] : memref<256x128xf32, #tpu.memory_space<vmem>>[vector<16xi32>, vector<16xi32>], vector<16xf32>,
      %gather3A_473 = tpu.vector_load_idx %arg10[%add3A_199, %broadcast_in_dim3A_471] : memref<256x128xf32, #tpu.memory_space<vmem>>[vector<16xi32>, vector<16xi32>], vector<16xf32>,
      %mul3A_474 = arith.mulf %gather3A_472, %gather3A_473 : vector<16xf32>
      %add3A_475 = arith.addf %add3A_469, %mul3A_474 : vector<16xf32>
      %broadcast_in_dim3A_476 = arith.constant 46 : i32
      %broadcast_in_dim3A_477 = vector.broadcast %broadcast_in_dim3A_476 : i32 to vector<16xi32>
      %gather3A_478 = tpu.vector_load_idx %arg9[%add3A_199, %broadcast_in_dim3A_477] : memref<256x128xf32, #tpu.memory_space<vmem>>[vector<16xi32>, vector<16xi32>], vector<16xf32>,
      %gather3A_479 = tpu.vector_load_idx %arg10[%add3A_199, %broadcast_in_dim3A_477] : memref<256x128xf32, #tpu.memory_space<vmem>>[vector<16xi32>, vector<16xi32>], vector<16xf32>,
      %mul3A_480 = arith.mulf %gather3A_478, %gather3A_479 : vector<16xf32>
      %add3A_481 = arith.addf %add3A_475, %mul3A_480 : vector<16xf32>
      %broadcast_in_dim3A_482 = arith.constant 47 : i32
      %broadcast_in_dim3A_483 = vector.broadcast %broadcast_in_dim3A_482 : i32 to vector<16xi32>
      %gather3A_484 = tpu.vector_load_idx %arg9[%add3A_199, %broadcast_in_dim3A_483] : memref<256x128xf32, #tpu.memory_space<vmem>>[vector<16xi32>, vector<16xi32>], vector<16xf32>,
      %gather3A_485 = tpu.vector_load_idx %arg10[%add3A_199, %broadcast_in_dim3A_483] : memref<256x128xf32, #tpu.memory_space<vmem>>[vector<16xi32>, vector<16xi32>], vector<16xf32>,
      %mul3A_486 = arith.mulf %gather3A_484, %gather3A_485 : vector<16xf32>
      %add3A_487 = arith.addf %add3A_481, %mul3A_486 : vector<16xf32>
      %broadcast_in_dim3A_488 = arith.constant 48 : i32
      %broadcast_in_dim3A_489 = vector.broadcast %broadcast_in_dim3A_488 : i32 to vector<16xi32>
      %gather3A_490 = tpu.vector_load_idx %arg9[%add3A_199, %broadcast_in_dim3A_489] : memref<256x128xf32, #tpu.memory_space<vmem>>[vector<16xi32>, vector<16xi32>], vector<16xf32>,
      %gather3A_491 = tpu.vector_load_idx %arg10[%add3A_199, %broadcast_in_dim3A_489] : memref<256x128xf32, #tpu.memory_space<vmem>>[vector<16xi32>, vector<16xi32>], vector<16xf32>,
      %mul3A_492 = arith.mulf %gather3A_490, %gather3A_491 : vector<16xf32>
      %add3A_493 = arith.addf %add3A_487, %mul3A_492 : vector<16xf32>
      %broadcast_in_dim3A_494 = arith.constant 49 : i32
      %broadcast_in_dim3A_495 = vector.broadcast %broadcast_in_dim3A_494 : i32 to vector<16xi32>
      %gather3A_496 = tpu.vector_load_idx %arg9[%add3A_199, %broadcast_in_dim3A_495] : memref<256x128xf32, #tpu.memory_space<vmem>>[vector<16xi32>, vector<16xi32>], vector<16xf32>,
      %gather3A_497 = tpu.vector_load_idx %arg10[%add3A_199, %broadcast_in_dim3A_495] : memref<256x128xf32, #tpu.memory_space<vmem>>[vector<16xi32>, vector<16xi32>], vector<16xf32>,
      %mul3A_498 = arith.mulf %gather3A_496, %gather3A_497 : vector<16xf32>
      %add3A_499 = arith.addf %add3A_493, %mul3A_498 : vector<16xf32>
      %broadcast_in_dim3A_500 = arith.constant 50 : i32
      %broadcast_in_dim3A_501 = vector.broadcast %broadcast_in_dim3A_500 : i32 to vector<16xi32>
      %gather3A_502 = tpu.vector_load_idx %arg9[%add3A_199, %broadcast_in_dim3A_501] : memref<256x128xf32, #tpu.memory_space<vmem>>[vector<16xi32>, vector<16xi32>], vector<16xf32>,
      %gather3A_503 = tpu.vector_load_idx %arg10[%add3A_199, %broadcast_in_dim3A_501] : memref<256x128xf32, #tpu.memory_space<vmem>>[vector<16xi32>, vector<16xi32>], vector<16xf32>,
      %mul3A_504 = arith.mulf %gather3A_502, %gather3A_503 : vector<16xf32>
      %add3A_505 = arith.addf %add3A_499, %mul3A_504 : vector<16xf32>
      %broadcast_in_dim3A_506 = arith.constant 51 : i32
      %broadcast_in_dim3A_507 = vector.broadcast %broadcast_in_dim3A_506 : i32 to vector<16xi32>
      %gather3A_508 = tpu.vector_load_idx %arg9[%add3A_199, %broadcast_in_dim3A_507] : memref<256x128xf32, #tpu.memory_space<vmem>>[vector<16xi32>, vector<16xi32>], vector<16xf32>,
      %gather3A_509 = tpu.vector_load_idx %arg10[%add3A_199, %broadcast_in_dim3A_507] : memref<256x128xf32, #tpu.memory_space<vmem>>[vector<16xi32>, vector<16xi32>], vector<16xf32>,
      %mul3A_510 = arith.mulf %gather3A_508, %gather3A_509 : vector<16xf32>
      %add3A_511 = arith.addf %add3A_505, %mul3A_510 : vector<16xf32>
      %broadcast_in_dim3A_512 = arith.constant 52 : i32
      %broadcast_in_dim3A_513 = vector.broadcast %broadcast_in_dim3A_512 : i32 to vector<16xi32>
      %gather3A_514 = tpu.vector_load_idx %arg9[%add3A_199, %broadcast_in_dim3A_513] : memref<256x128xf32, #tpu.memory_space<vmem>>[vector<16xi32>, vector<16xi32>], vector<16xf32>,
      %gather3A_515 = tpu.vector_load_idx %arg10[%add3A_199, %broadcast_in_dim3A_513] : memref<256x128xf32, #tpu.memory_space<vmem>>[vector<16xi32>, vector<16xi32>], vector<16xf32>,
      %mul3A_516 = arith.mulf %gather3A_514, %gather3A_515 : vector<16xf32>
      %add3A_517 = arith.addf %add3A_511, %mul3A_516 : vector<16xf32>
      %broadcast_in_dim3A_518 = arith.constant 53 : i32
      %broadcast_in_dim3A_519 = vector.broadcast %broadcast_in_dim3A_518 : i32 to vector<16xi32>
      %gather3A_520 = tpu.vector_load_idx %arg9[%add3A_199, %broadcast_in_dim3A_519] : memref<256x128xf32, #tpu.memory_space<vmem>>[vector<16xi32>, vector<16xi32>], vector<16xf32>,
      %gather3A_521 = tpu.vector_load_idx %arg10[%add3A_199, %broadcast_in_dim3A_519] : memref<256x128xf32, #tpu.memory_space<vmem>>[vector<16xi32>, vector<16xi32>], vector<16xf32>,
      %mul3A_522 = arith.mulf %gather3A_520, %gather3A_521 : vector<16xf32>
      %add3A_523 = arith.addf %add3A_517, %mul3A_522 : vector<16xf32>
      %broadcast_in_dim3A_524 = arith.constant 54 : i32
      %broadcast_in_dim3A_525 = vector.broadcast %broadcast_in_dim3A_524 : i32 to vector<16xi32>
      %gather3A_526 = tpu.vector_load_idx %arg9[%add3A_199, %broadcast_in_dim3A_525] : memref<256x128xf32, #tpu.memory_space<vmem>>[vector<16xi32>, vector<16xi32>], vector<16xf32>,
      %gather3A_527 = tpu.vector_load_idx %arg10[%add3A_199, %broadcast_in_dim3A_525] : memref<256x128xf32, #tpu.memory_space<vmem>>[vector<16xi32>, vector<16xi32>], vector<16xf32>,
      %mul3A_528 = arith.mulf %gather3A_526, %gather3A_527 : vector<16xf32>
      %add3A_529 = arith.addf %add3A_523, %mul3A_528 : vector<16xf32>
      %broadcast_in_dim3A_530 = arith.constant 55 : i32
      %broadcast_in_dim3A_531 = vector.broadcast %broadcast_in_dim3A_530 : i32 to vector<16xi32>
      %gather3A_532 = tpu.vector_load_idx %arg9[%add3A_199, %broadcast_in_dim3A_531] : memref<256x128xf32, #tpu.memory_space<vmem>>[vector<16xi32>, vector<16xi32>], vector<16xf32>,
      %gather3A_533 = tpu.vector_load_idx %arg10[%add3A_199, %broadcast_in_dim3A_531] : memref<256x128xf32, #tpu.memory_space<vmem>>[vector<16xi32>, vector<16xi32>], vector<16xf32>,
      %mul3A_534 = arith.mulf %gather3A_532, %gather3A_533 : vector<16xf32>
      %add3A_535 = arith.addf %add3A_529, %mul3A_534 : vector<16xf32>
      %broadcast_in_dim3A_536 = arith.constant 56 : i32
      %broadcast_in_dim3A_537 = vector.broadcast %broadcast_in_dim3A_536 : i32 to vector<16xi32>
      %gather3A_538 = tpu.vector_load_idx %arg9[%add3A_199, %broadcast_in_dim3A_537] : memref<256x128xf32, #tpu.memory_space<vmem>>[vector<16xi32>, vector<16xi32>], vector<16xf32>,
      %gather3A_539 = tpu.vector_load_idx %arg10[%add3A_199, %broadcast_in_dim3A_537] : memref<256x128xf32, #tpu.memory_space<vmem>>[vector<16xi32>, vector<16xi32>], vector<16xf32>,
      %mul3A_540 = arith.mulf %gather3A_538, %gather3A_539 : vector<16xf32>
      %add3A_541 = arith.addf %add3A_535, %mul3A_540 : vector<16xf32>
      %broadcast_in_dim3A_542 = arith.constant 57 : i32
      %broadcast_in_dim3A_543 = vector.broadcast %broadcast_in_dim3A_542 : i32 to vector<16xi32>
      %gather3A_544 = tpu.vector_load_idx %arg9[%add3A_199, %broadcast_in_dim3A_543] : memref<256x128xf32, #tpu.memory_space<vmem>>[vector<16xi32>, vector<16xi32>], vector<16xf32>,
      %gather3A_545 = tpu.vector_load_idx %arg10[%add3A_199, %broadcast_in_dim3A_543] : memref<256x128xf32, #tpu.memory_space<vmem>>[vector<16xi32>, vector<16xi32>], vector<16xf32>,
      %mul3A_546 = arith.mulf %gather3A_544, %gather3A_545 : vector<16xf32>
      %add3A_547 = arith.addf %add3A_541, %mul3A_546 : vector<16xf32>
      %broadcast_in_dim3A_548 = arith.constant 58 : i32
      %broadcast_in_dim3A_549 = vector.broadcast %broadcast_in_dim3A_548 : i32 to vector<16xi32>
      %gather3A_550 = tpu.vector_load_idx %arg9[%add3A_199, %broadcast_in_dim3A_549] : memref<256x128xf32, #tpu.memory_space<vmem>>[vector<16xi32>, vector<16xi32>], vector<16xf32>,
      %gather3A_551 = tpu.vector_load_idx %arg10[%add3A_199, %broadcast_in_dim3A_549] : memref<256x128xf32, #tpu.memory_space<vmem>>[vector<16xi32>, vector<16xi32>], vector<16xf32>,
      %mul3A_552 = arith.mulf %gather3A_550, %gather3A_551 : vector<16xf32>
      %add3A_553 = arith.addf %add3A_547, %mul3A_552 : vector<16xf32>
      %broadcast_in_dim3A_554 = arith.constant 59 : i32
      %broadcast_in_dim3A_555 = vector.broadcast %broadcast_in_dim3A_554 : i32 to vector<16xi32>
      %gather3A_556 = tpu.vector_load_idx %arg9[%add3A_199, %broadcast_in_dim3A_555] : memref<256x128xf32, #tpu.memory_space<vmem>>[vector<16xi32>, vector<16xi32>], vector<16xf32>,
      %gather3A_557 = tpu.vector_load_idx %arg10[%add3A_199, %broadcast_in_dim3A_555] : memref<256x128xf32, #tpu.memory_space<vmem>>[vector<16xi32>, vector<16xi32>], vector<16xf32>,
      %mul3A_558 = arith.mulf %gather3A_556, %gather3A_557 : vector<16xf32>
      %add3A_559 = arith.addf %add3A_553, %mul3A_558 : vector<16xf32>
      %broadcast_in_dim3A_560 = arith.constant 60 : i32
      %broadcast_in_dim3A_561 = vector.broadcast %broadcast_in_dim3A_560 : i32 to vector<16xi32>
      %gather3A_562 = tpu.vector_load_idx %arg9[%add3A_199, %broadcast_in_dim3A_561] : memref<256x128xf32, #tpu.memory_space<vmem>>[vector<16xi32>, vector<16xi32>], vector<16xf32>,
      %gather3A_563 = tpu.vector_load_idx %arg10[%add3A_199, %broadcast_in_dim3A_561] : memref<256x128xf32, #tpu.memory_space<vmem>>[vector<16xi32>, vector<16xi32>], vector<16xf32>,
      %mul3A_564 = arith.mulf %gather3A_562, %gather3A_563 : vector<16xf32>
      %add3A_565 = arith.addf %add3A_559, %mul3A_564 : vector<16xf32>
      %broadcast_in_dim3A_566 = arith.constant 61 : i32
      %broadcast_in_dim3A_567 = vector.broadcast %broadcast_in_dim3A_566 : i32 to vector<16xi32>
      %gather3A_568 = tpu.vector_load_idx %arg9[%add3A_199, %broadcast_in_dim3A_567] : memref<256x128xf32, #tpu.memory_space<vmem>>[vector<16xi32>, vector<16xi32>], vector<16xf32>,
      %gather3A_569 = tpu.vector_load_idx %arg10[%add3A_199, %broadcast_in_dim3A_567] : memref<256x128xf32, #tpu.memory_space<vmem>>[vector<16xi32>, vector<16xi32>], vector<16xf32>,
      %mul3A_570 = arith.mulf %gather3A_568, %gather3A_569 : vector<16xf32>
      %add3A_571 = arith.addf %add3A_565, %mul3A_570 : vector<16xf32>
      %broadcast_in_dim3A_572 = arith.constant 62 : i32
      %broadcast_in_dim3A_573 = vector.broadcast %broadcast_in_dim3A_572 : i32 to vector<16xi32>
      %gather3A_574 = tpu.vector_load_idx %arg9[%add3A_199, %broadcast_in_dim3A_573] : memref<256x128xf32, #tpu.memory_space<vmem>>[vector<16xi32>, vector<16xi32>], vector<16xf32>,
      %gather3A_575 = tpu.vector_load_idx %arg10[%add3A_199, %broadcast_in_dim3A_573] : memref<256x128xf32, #tpu.memory_space<vmem>>[vector<16xi32>, vector<16xi32>], vector<16xf32>,
      %mul3A_576 = arith.mulf %gather3A_574, %gather3A_575 : vector<16xf32>
      %add3A_577 = arith.addf %add3A_571, %mul3A_576 : vector<16xf32>
      %broadcast_in_dim3A_578 = arith.constant 63 : i32
      %broadcast_in_dim3A_579 = vector.broadcast %broadcast_in_dim3A_578 : i32 to vector<16xi32>
      %gather3A_580 = tpu.vector_load_idx %arg9[%add3A_199, %broadcast_in_dim3A_579] : memref<256x128xf32, #tpu.memory_space<vmem>>[vector<16xi32>, vector<16xi32>], vector<16xf32>,
      %gather3A_581 = tpu.vector_load_idx %arg10[%add3A_199, %broadcast_in_dim3A_579] : memref<256x128xf32, #tpu.memory_space<vmem>>[vector<16xi32>, vector<16xi32>], vector<16xf32>,
      %mul3A_582 = arith.mulf %gather3A_580, %gather3A_581 : vector<16xf32>
      %add3A_583 = arith.addf %add3A_577, %mul3A_582 : vector<16xf32>
      %mul3A_584 = arith.constant 16 : i32
      %mul3A_585 = arith.muli %scan3A_195, %mul3A_584 : i32
      %add3A_586 = arith.constant 256 : i32
      %add3A_587 = arith.addi %add3A_586, %mul3A_585 : i32
      %swap3A = arith.index_cast %add3A_587 : i32 to index
      %swap3A_588 = tpu.vector_load %arg11[%swap3A] {strides = array<i32>} : memref<512xf32, #tpu.memory_space<vmem>>, vector<16xf32>,
      tpu.vector_store %arg11[%swap3A], %add3A_583 {strides = array<i32>} : memref<512xf32, #tpu.memory_space<vmem>>, vector<16xf32>,
    }
    %scan3A_194 = arith.constant 16 : i32
    "tpu.region"() ({
      %run_scoped3A_195 = tpu.sem_alloc : memref<!tpu.dma_semaphore, #tpu.memory_space<semaphore_mem>>
      %dma_start3A_196 = tpu.memref_slice %arg6[%mul3A_2] : memref<16384xf32, #tpu.memory_space<hbm>> -> memref<512xf32, #tpu.memory_space<hbm>>
      %dma_start3A_197 = tpu.memref_slice %arg6[%mul3A_2] : memref<16384xf32, #tpu.memory_space<hbm>> -> memref<512xf32, #tpu.memory_space<hbm>>
      tpu.enqueue_dma source(%arg11 : memref<512xf32, #tpu.memory_space<vmem>>) target(%dma_start3A_197 : memref<512xf32, #tpu.memory_space<hbm>>) target_semaphore(%run_scoped3A_195 : memref<!tpu.dma_semaphore, #tpu.memory_space<semaphore_mem>>)
      %dma_wait3A_198 = tpu.memref_slice %arg6[%mul3A_2] : memref<16384xf32, #tpu.memory_space<hbm>> -> memref<512xf32, #tpu.memory_space<hbm>>
      %dma_wait3A_199 = tpu.memref_slice %arg6[%mul3A_2] : memref<16384xf32, #tpu.memory_space<hbm>> -> memref<512xf32, #tpu.memory_space<hbm>>
      tpu.wait_dma2 semaphore(%run_scoped3A_195 : memref<!tpu.dma_semaphore, #tpu.memory_space<semaphore_mem>>) src(%arg11 : memref<512xf32, #tpu.memory_space<vmem>>) dst(%dma_wait3A_199 : memref<512xf32, #tpu.memory_space<hbm>>)
      tpu.yield
    }) : () -> ()
    return
  }
}

module attributes {stable_mosaic.version = 14 : i64} {
  func.func @_tr_body(%arg0: i32, %arg1: memref<64x8192xf32, #tpu.memory_space<vmem>>, %arg2: memref<8192x128xf32, #tpu.memory_space<vmem>>) attributes {dimension_semantics = [#tpu.dimension_semantics<parallel>], iteration_bounds = array<i64: 123>, scalar_prefetch = 0 : i64, scratch_operands = 0 : i64, tpu.core_type = #tpu.core_type<tc>, window_params = [{transform_indices = @transform_0, window_bounds = array<i64: 64, 8192>}, {transform_indices = @transform_1, window_bounds = array<i64: 8192, 128>}]} {
    %get3A = arith.constant 0 : index
    %get3A_0 = arith.constant 0 : index
    %get3A_1 = vector.load %arg1[%get3A, %get3A_0] : memref<64x8192xf32, #tpu.memory_space<vmem>>, vector<64x8192xf32>
    %transpose3A = tpu.transpose %get3A_1, [1, 0] : vector<64x8192xf32> -> vector<8192x64xf32>
    %broadcast_in_dim3A = arith.constant 0.000000e+00 : f32
    %broadcast_in_dim3A_2 = vector.broadcast %broadcast_in_dim3A : f32 to vector<8192x64xf32>
    %concatenate3A = tpu.concatenate %transpose3A, %broadcast_in_dim3A_2 in 1 : vector<8192x64xf32>, vector<8192x64xf32> -> vector<8192x128xf32>
    %swap3A = arith.constant 0 : index
    %swap3A_3 = arith.constant 0 : index
    %swap3A_4 = vector.load %arg2[%swap3A, %swap3A_3] : memref<8192x128xf32, #tpu.memory_space<vmem>>, vector<8192x128xf32>
    tpu.vector_store %arg2[%swap3A, %swap3A_3], %concatenate3A {strides = array<i32>} : memref<8192x128xf32, #tpu.memory_space<vmem>>, vector<8192x128xf32>,
    return
  }
  func.func @transform_0(%arg0: i32) -> (i32, i32) {
    %c0_i32 = arith.constant 0 : i32
    %c0_i32_0 = arith.constant 0 : i32
    return %c0_i32, %arg0 : i32, i32
  }
  func.func @transform_1(%arg0: i32) -> (i32, i32) {
    %c0_i32 = arith.constant 0 : i32
    %c0_i32_0 = arith.constant 0 : i32
    return %arg0, %c0_i32 : i32, i32
  }
}

</mosaic_0001>

<sc_bundles>
// kernel: kernel.4.cloned.1.call-start
scs
__scs_entry_jumppad:
0x0: {  	(pc) =	sbr.rel $0x88, $3  }
0x1: {  	(tag) =	ssettag $0x0;
	lr =	simm.s32 $0x1  }
0x2: {  	[smem:$0x3F9D] =	sst lr;
	_ =	strace $0xD0000000  }
0x3: {  	_ = 	snop  }
0x4: {  	_ = 	snop  }
0x5: {  	_ = 	snop  }
0x6: {  	_ = 	snop  }
0x7: {  	_ = 	snop  }
__scs_overlays_trampoline_lowered:
0x8: {  	[smem:$0x3FAC] =	sst s0  }
0x9: {  	[smem:$0x3FAD] =	sst s1  }
0xa: {  	[smem:$0x3FAE] =	sst s2  }
0xb: {  	[smem:$0x3FAF] =	sst s3  }
0xc: {  	[smem:$0x3FB0] =	sst s4  }
0xd: {  	[smem:$0x3FB1] =	sst s5  }
0xe: {  	[smem:$0x3FB2] =	sst s6  }
0xf: {  	[smem:$0x3FB3] =	sst s7  }
0x10: {  	[smem:$0x3FB4] =	sst s8  }
0x11: {  	[smem:$0x3FB5] =	sst s9;
	s0 =	simm.s32 @!p0 $0x0  }
0x12: {  	s1 =	sld [smem:$0x3F9B];
	s0 =	simm.s32 @p0 $0x1  }
0x13: {  	[smem:$0x3FB6] =	sst s0;
	s0 =	simm.s32 @!p1 $0x0  }
0x14: {  	s2 =	sld [smem:$0x3F9A];
	s0 =	simm.s32 @p1 $0x1  }
0x15: {  	[smem:$0x3FB7] =	sst s0;
	s0 =	simm.s32 @!p2 $0x0  }
0x16: {  	s3 =	sld [smem:$0x3FDB];
	s0 =	simm.s32 @p2 $0x1  }
0x17: {  	s4 =	simm.s32 $0x1BF5;
	[smem:$0x3FB9] =	sst s0  }
0x18: {  	s0 =	sld [smem:$0x3F9C];
	_ =	swait.ge [sflag:s4], $0x0  }
0x19: {  	s7 =	sld [smem:$0x3F9D]  }
0x1a: {  	s8 =	sadd.s32 $0xFFFFE003, lr  }
0x1b: {  	s9 =	sadd.s32 $0xFFFFFEF7, lr;
	s5 =	simm.s32 $0xFFFFFFFF;
	p2 =	slt.u32 s8, $0xFFFFF086  }
0x1c: {  	p1 =	slt.u32 s9, $0xF7A;
	s5 =	simm.s32 @!p2 $0x0  }
0x1d: {  	s5 =	simm.s32 @p1 $0x1;
	p0 =	seq.s32 s7, s2  }
0x1e: {  	s7 =	smul.u32 @!p0 $0xF7A, s2;
	p2 =	seq.s32 @!p0 s5, $0x0  }
0x1f: {  	s9 =	smul.u32 $0xF7A, s1;
	s8 =	simm.s32 @!p0 $0x1BF5;
	p2 =	por !p2, p0  }
0x20: {  	[sflag:s8] =	ssyncset.s32 @!p0 $0xFFFFF086;
	s6 =	sadd.s32 @!p0 s3, s7;
	s7 =	simm.s32 @!p0 $0x108  }
0x21: {  	s3 =	sadd.s32 s3, s9;
	s6 =	sadd.s32 @!p0 $0x88, s6;
	s7 =	simm.s32 @p2 $0x1082  }
0x22: {  	[simem:s7], [sflag:s8] =	dma.local @!p0 [hbm:s6], $0xF7A  }
0x23: {  	s9 =	sor.u32 $0xD0000000, s2;
	s6 =	simm.s32 $0x108;
	_ =	swait.ge @!p0 [sflag:s8], $0x0  }
0x24: {  	s3 =	sadd.s32 $0x88, s3;
	s6 =	simm.s32 @!p1 $0x1082;
	[sflag:s4] =	ssyncset.s32 $0xFFFFF086  }
0x25: {  	[simem:s6], [sflag:s4] =	dma.local [hbm:s3], $0xF7A  }
0x26: {  	[smem:$0x3F9D] =	sst s1;
	(tag) =	ssettag s2;
	_ =	strace s9  }
0x27: {  	s1 =	sld [smem:$0x3FAD]  }
0x28: {  	s2 =	sld [smem:$0x3FAE]  }
0x29: {  	s4 =	sld [smem:$0x3FB0]  }
0x2a: {  	p0 =	seq.s32 s5, $0x0;
	s5 =	sld [smem:$0x3FB1]  }
0x2b: {  	s6 =	sld [smem:$0x3FB2]  }
0x2c: {  	s7 =	sld [smem:$0x3FB3]  }
0x2d: {  	s3 =	simm.s32 $0x108;
	s8 =	sld [smem:$0x3FB4]  }
0x2e: {  	s3 =	simm.s32 @!p0 $0x1082;
	s9 =	sld [smem:$0x3FB5]  }
0x2f: {  	lr =	sadd.s32 s0, s3;
	s0 =	sld [smem:$0x3FAC]  }
0x30: {  	s3 =	sld [smem:$0x3FAF]  }
0x31: {  	[smem:$0x3FB8] =	sst s10  }
0x32: {  	s10 =	sld [smem:$0x3FB6];
	_ =	sdelay $0x3  }
0x33: {  	p0 =	seq.s32 s10, $0x1;
	s10 =	sld [smem:$0x3FB8];
	_ =	sdelay $0x3  }
0x34: {  	[smem:$0x3FB8] =	sst s10  }
0x35: {  	s10 =	sld [smem:$0x3FB7];
	_ =	sdelay $0x3  }
0x36: {  	p1 =	seq.s32 s10, $0x1;
	s10 =	sld [smem:$0x3FB8];
	_ =	sdelay $0x3  }
0x37: {  	[smem:$0x3FB8] =	sst s10  }
0x38: {  	s10 =	sld [smem:$0x3FB9]  }
0x39: {  	_ = 	snop;
	(pc) =	sbr.ind lr, $3  }
0x3a: {  	_ = 	snop  }
0x3b: {  	_ = 	snop  }
0x3c: {  	p2 =	seq.s32 s10, $0x1;
	s10 =	sld [smem:$0x3FB8]  }
0x3d: {  	_ =	shalt  }
0x3e: {  	_ =	shalt  }
0x3f: {  	_ =	shalt  }
0x40: {  	_ =	shalt  }
0x41: {  	_ =	shalt  }
0x42: {  	_ =	shalt  }
0x43: {  	_ =	shalt  }
0x44: {  	_ =	shalt  }
0x45: {  	_ =	shalt  }
0x46: {  	_ =	shalt  }
0x47: {  	_ =	shalt  }
0x48: {  	_ =	shalt  }
0x49: {  	_ =	shalt  }
0x4a: {  	_ =	shalt  }
0x4b: {  	_ =	shalt  }
0x4c: {  	_ =	shalt  }
0x4d: {  	_ =	shalt  }
0x4e: {  	_ =	shalt  }
0x4f: {  	_ =	shalt  }
0x50: {  	_ =	shalt  }
0x51: {  	_ =	shalt  }
0x52: {  	_ =	shalt  }
0x53: {  	_ =	shalt  }
0x54: {  	_ =	shalt  }
0x55: {  	_ =	shalt  }
0x56: {  	_ =	shalt  }
0x57: {  	_ =	shalt  }
0x58: {  	_ =	shalt  }
0x59: {  	_ =	shalt  }
0x5a: {  	_ =	shalt  }
0x5b: {  	_ =	shalt  }
0x5c: {  	_ =	shalt  }
0x5d: {  	_ =	shalt  }
0x5e: {  	_ =	shalt  }
0x5f: {  	_ =	shalt  }
0x60: {  	_ =	shalt  }
0x61: {  	_ =	shalt  }
0x62: {  	_ =	shalt  }
0x63: {  	_ =	shalt  }
0x64: {  	_ =	shalt  }
0x65: {  	_ =	shalt  }
0x66: {  	_ =	shalt  }
0x67: {  	_ =	shalt  }
0x68: {  	_ =	shalt  }
0x69: {  	_ =	shalt  }
0x6a: {  	_ =	shalt  }
0x6b: {  	_ =	shalt  }
0x6c: {  	_ =	shalt  }
0x6d: {  	_ =	shalt  }
0x6e: {  	_ =	shalt  }
0x6f: {  	_ =	shalt  }
0x70: {  	_ =	shalt  }
0x71: {  	_ =	shalt  }
0x72: {  	_ =	shalt  }
0x73: {  	_ =	shalt  }
0x74: {  	_ =	shalt  }
0x75: {  	_ =	shalt  }
0x76: {  	_ =	shalt  }
0x77: {  	_ =	shalt  }
0x78: {  	_ =	shalt  }
0x79: {  	_ =	shalt  }
0x7a: {  	_ =	shalt  }
0x7b: {  	_ =	shalt  }
0x7c: {  	_ =	shalt  }
0x7d: {  	_ =	shalt  }
0x7e: {  	_ =	shalt  }
0x7f: {  	_ =	shalt  }
0x80: {  	_ =	shalt  }
0x81: {  	_ =	shalt  }
0x82: {  	_ =	shalt  }
0x83: {  	_ =	shalt  }
0x84: {  	_ =	shalt  }
0x85: {  	_ =	shalt  }
0x86: {  	_ =	shalt  }
0x87: {  	_ =	shalt  }
.Lfunc_end0:
.L_simem_size_0:
called_computation_lowered:
.L_overlay_start_0:
0x88: {  	s2 =	sld [smem:$0x3FD9]  }
0x89: {  	s3 =	sld [smem:$0x3FFE];
	_ =	sdelay $0x1  }
0x8a: {  	s1 =	srdreg.scid  }
0x8b: {  	s0 =	sand.u32 $0x1, s1  }
0x8c: {  	s17 =	sshll.u32 s0, $0xA;
	s2 =	sadd.s32 s3, s2  }
0x8d: {  	s2 =	sadd.s32 s2, s17  }
0x8e: {  	[smem:$0x3FC4] =	sst s2  }
0x8f: {  	_ = 	snop  }
0x90: {  	s2 =	sld [smem:$0x3FC9]  }
0x91: {  	s18 =	sld [smem:$0x3FC8]  }
0x92: {  	s4 =	sld [smem:$0x3FD0];
	(tm) =	ssettm $0x1  }
0x93: {  	s5 =	sld [smem:$0x3FFB];
	_ =	sdelay $0x3  }
0x94: {  	_ =	strace s5  }
0x95: {  	s5 =	sld [smem:$0x3FFC];
	_ =	sdelay $0x3  }
0x96: {  	_ =	strace s5  }
0x97: {  	s5 =	sld [smem:$0x3FFD];
	_ =	sdelay $0x3  }
0x98: {  	_ =	strace s5  }
0x99: {  	_ =	strace $0x8FFFFFFF  }
0x9a: {  	s19 =	sld [smem:$0x3FDB];
	_ =	sdelay $0x1  }
0x9b: {  	s6 =	simm.s32 $_scs_section_size  }
0x9c: {  	s7 =	simm.s32 $_size__tile_overlayer_lowered;
	s8 =	simm.s32 $_tile_overlayer_lowered  }
0x9d: {  	s22 =	simm.s32 $0x1BFF;
	s21 =	sshll.u32 s8, $0x1;
	s5 =	sadd.s32 s6, s19  }
0x9e: {  	s9 =	simm.s32 $0x0;
	s20 =	sshll.u32 s7, $0x1;
	s7 =	sadd.s32 s21, s5  }
0x9f: {  	[timem:s9], [sflag:s22] =	dma.local [hbm:s7], s20  }
0xa0: {  	_ =	swait.ge [sflag:s22], s20  }
0xa1: {  	s6 =	ssub.s32 $0x0, s20;
	[sflag:s22] =	ssyncset.done $0x0  }
0xa2: {  	[sflag:s22] =	ssyncadd.s32 s6;
	_ =	sdelay $0x1  }
0xa3: {  	s23 =	simm.s32 $0x1B8B  }
0xa4: {  	_ =	swait.ge [sflag:s23], $0x1  }
0xa5: {  	[sflag:s23] =	ssyncset.done $0x0  }
0xa6: {  	s25 =	simm.s32 $0x1B8E;
	s24 =	sld [smem:$0x3FFE];
	[sflag:s23] =	ssyncadd.s32 $0xFFFFFFFF  }
0xa7: {  	s26 =	simm.s32 $execute0_lowered;
	[smem:$0x3FD2] =	sst s25  }
0xa8: {  	s7 =	sshll.u32 s26, $0x1;
	_ =	strace $0x80000046;
	[dreg:$0x1] =	wrdreg $0xFFFFFFFF  }
0xa9: {  	s28 =	simm.s32 $_size_execute0_lowered;
	s5 =	sadd.s32 s5, s7;
	[dreg:$0x0] =	wrdreg $0x0  }
0xaa: {  	s7 =	sshll.u32 s28, $0x1;
	[dreg:$0x2] =	wrdreg s5  }
0xab: {  	[dreg:$0x3] =	wrdreg s7  }
0xac: {  	[dreg:$0x4] =	wrdreg $0xC0  }
0xad: {  	_ =	task [dreg:s9], $0x5FFFF  }
0xae: {  	[dreg:$0x1] =	wrdreg $0xFFFFFFFF  }
0xaf: {  	[dreg:$0x0] =	wrdreg $0x60  }
0xb0: {  	[dreg:$0x2] =	wrdreg s2  }
0xb1: {  	[dreg:$0x3] =	wrdreg s18  }
0xb2: {  	[dreg:$0x4] =	wrdreg s24  }
0xb3: {  	[dreg:$0x5] =	wrdreg s4  }
0xb4: {  	[dreg:$0x6] =	wrdreg $0x9  }
0xb5: {  	_ =	task.clear_ibuf [dreg:s9], $0x7FFFF;
	_ =	strace $0x90000046  }
0xb6: {  	s29 =	simm.s32 $0x9;
	_ =	strace $0x80000048  }
0xb7: {  	_ =	swait.ge [sflag:s29], $0x1  }
0xb8: {  	[sflag:s29] =	ssyncadd.s32 $0xFFFFFFFF  }
0xb9: {  	_ =	strace $0x90000048  }
0xba: {  	_ =	sfence  }
0xbb: {  	s30 =	sld [smem:$0x0];
	_ =	sdelay $0x2  }
0xbc: {  	s31 =	sshll.u32 s1, $0xD;
	s1 =	sshrl.u32 s1, $0x2  }
0xbd: {  	s3 =	sand.u32 $0x4000, s31;
	s1 =	sadd.s32 s1, s30  }
0xbe: {  	s0 =	sor.u32 s3, s0;
	s1 =	sshll.u32 s1, $0x11  }
0xbf: {  	s0 =	sor.u32 s1, s0  }
0xc0: {  	s0 =	sadd.s32 $0x8F2B, s0  }
0xc1: {  	[sflag:s0] =	ssyncadd.remote.s32 $0x1  }
0xc2: {  	_ =	sfence.sel $0xFFFF  }
0xc3: {  	[dreg:$0x0] =	wrdreg $0xFFFFFFFF;
	(pc) =	sbr.abs _section_cstart, $3  }
0xc4: {  	[dreg:$0x1] =	wrdreg $0xFFFFFFFF  }
0xc5: {  	_ =	task.clear_ibuf [dreg:s9], $0x2FFFF;
	_ =	strace $0x9FFFFFFF  }
0xc6: {  	(tm) =	ssettm $0x7FFFFFFF  }
0xc7: {  	_ =	shalt  }
tec
execute0_lowered:
.L_overlay_start_1:
0x0: {  	(tag) =	ssettag $0x1  }
0x1: {  	s0 =	rddreg [dreg:$0x0]  }
0x2: {  	s1 =	rddreg [dreg:$0x1]  }
0x3: {  	s4 =	rddreg [dreg:$0x2]  }
0x4: {  	s13 =	rddreg [dreg:$0x3];
	s2 =	simm.s32 $0x0;
	s3 =	srdreg.scid  }
0x5: {  	s6 =	stileid.u32;
	s17 =	simm.s32 $0x80;
	s18 =	simm.s32 $0x280  }
0x6: {  	s19 =	simm.s32 $0x100;
	s20 =	simm.s32 $0x300;
	s21 =	simm.s32 $0x180  }
0x7: {  	s22 =	simm.s32 $0x380;
	s23 =	simm.s32 $0x400;
	s24 =	simm.s32 $0x8400  }
0x8: {  	s25 =	simm.s32 $0x4400;
	s26 =	simm.s32 $0xC400;
	s28 =	simm.s32 $0x1  }
0x9: {  	s29 =	simm.s32 $0x10400;
	s30 =	simm.s32 $0x0;
	[smem:$0x7FF] =	sst s2  }
0xa: {  	s3 =	sand.u32 $0x1, s3;
	s6 =	sshll.u32 s6, $0x7;
	_ =	strace $0x80000047  }
0xb: {  	s5 =	ssub.s32 $0x2, s3;
	s7 =	sshll.u32 s3, $0x6;
	s3 =	sadd.s32 $0xF42800, s4  }
0xc: {  	s4 =	sadd.s32 $0x1EA2800, s4;
	s8 =	sshrl.u32 s5, $0x1;
	s14 =	sor.u32 s7, s6  }
0xd: {  	s15 =	ssub.s32 s5, s8;
	s31 =	sor.u32 $0x10, s14;
	s5 =	sadd.s32 s0, s14  }
0xe: {  	s6 =	sadd.s32 s1, s14;
	s10 =	sor.u32 $0x20, s14;
	s12 =	sor.u32 $0x30, s14  }
0xf: {  	v0 =	vlaneseq.u32;
	s13 =	sadd.s32 s13, s14;
	s7 =	sadd.s32 s0, s31;
	s8 =	sadd.s32 s1, s31  }
0x10: {  	v0 =	vmul.u32 $0x80, v0;
	s9 =	sadd.s32 s0, s10;
	s10 =	sadd.s32 s1, s10;
	s11 =	sadd.s32 s0, s12  }
0x11: {  	s12 =	sadd.s32 s1, s12;
	s14 =	smax.u32 s15, $0x1;
	s15 =	simm.s32 $0x2  }
.LBB2_1:
0x12: {  	[tilespmem:s2], [sflag:$0x2] =	stream.linear.gather [hbm4b:s5+s2], $0x80, $0x38;
	[tilespmem:$0x10600] =	vst v63  }
0x13: {  	_ =	swait.ge [sflag:s15], $0x80  }
0x14: {  	[sflag:s15] =	ssyncset.done $0x0  }
0x15: {  	s0 =	simm.s32 $0x200;
	[sflag:s15] =	ssyncadd.s32 $0xFFFFFF80  }
0x16: {  	[tilespmem:s0], [sflag:$0x2] =	stream.linear.gather [hbm4b:s6+s2], $0x80, $0x38;
	[tilespmem:$0x10600] =	vst v63  }
0x17: {  	_ =	swait.ge [sflag:s15], $0x80  }
0x18: {  	[sflag:s15] =	ssyncset.done $0x0  }
0x19: {  	[sflag:s15] =	ssyncadd.s32 $0xFFFFFF80  }
0x1a: {  	[tilespmem:s17], [sflag:$0x2] =	stream.linear.gather [hbm4b:s7+s2], $0x80, $0x38;
	[tilespmem:$0x10600] =	vst v63  }
0x1b: {  	_ =	swait.ge [sflag:s15], $0x80  }
0x1c: {  	[sflag:s15] =	ssyncset.done $0x0  }
0x1d: {  	[sflag:s15] =	ssyncadd.s32 $0xFFFFFF80  }
0x1e: {  	[tilespmem:s18], [sflag:$0x2] =	stream.linear.gather [hbm4b:s8+s2], $0x80, $0x38;
	[tilespmem:$0x10600] =	vst v63  }
0x1f: {  	_ =	swait.ge [sflag:s15], $0x80  }
0x20: {  	[sflag:s15] =	ssyncset.done $0x0  }
0x21: {  	[sflag:s15] =	ssyncadd.s32 $0xFFFFFF80  }
0x22: {  	[tilespmem:s19], [sflag:$0x2] =	stream.linear.gather [hbm4b:s9+s2], $0x80, $0x38;
	[tilespmem:$0x10600] =	vst v63  }
0x23: {  	_ =	swait.ge [sflag:s15], $0x80  }
0x24: {  	[sflag:s15] =	ssyncset.done $0x0  }
0x25: {  	[sflag:s15] =	ssyncadd.s32 $0xFFFFFF80  }
0x26: {  	[tilespmem:s20], [sflag:$0x2] =	stream.linear.gather [hbm4b:s10+s2], $0x80, $0x38;
	[tilespmem:$0x10600] =	vst v63  }
0x27: {  	_ =	swait.ge [sflag:s15], $0x80  }
0x28: {  	[sflag:s15] =	ssyncset.done $0x0  }
0x29: {  	[sflag:s15] =	ssyncadd.s32 $0xFFFFFF80  }
0x2a: {  	[tilespmem:s21], [sflag:$0x2] =	stream.linear.gather [hbm4b:s11+s2], $0x80, $0x38;
	[tilespmem:$0x10600] =	vst v63  }
0x2b: {  	_ =	swait.ge [sflag:s15], $0x80  }
0x2c: {  	[sflag:s15] =	ssyncset.done $0x0  }
0x2d: {  	[sflag:s15] =	ssyncadd.s32 $0xFFFFFF80  }
0x2e: {  	[tilespmem:s22], [sflag:$0x2] =	stream.linear.gather [hbm4b:s12+s2], $0x80, $0x38;
	[tilespmem:$0x10600] =	vst v63  }
0x2f: {  	_ =	swait.ge [sflag:s15], $0x80  }
0x30: {  	[sflag:s15] =	ssyncset.done $0x0  }
0x31: {  	[sflag:s15] =	ssyncadd.s32 $0xFFFFFF80  }
0x32: {  	[tilespmem:s23], [sflag:$0x1] =	stream.indirect.gather [hbm4b:s3+s17], $0x80, s2, s17, $0xb8;
	[tilespmem:$0x10600] =	vst v63  }
0x33: {  	_ = 	snop  }
0x34: {  	[tilespmem:s24], [sflag:$0x1] =	stream.indirect.gather [hbm4b:s4+s17], $0x80, s0, s17, $0xb8;
	[tilespmem:$0x10600] =	vst v63  }
0x35: {  	_ = 	snop  }
0x36: {  	[tilespmem:s25], [sflag:$0x1] =	stream.indirect.gather [hbm4b:s3+s17], $0x80, s17, s17, $0xb8;
	[tilespmem:$0x10600] =	vst v63  }
0x37: {  	_ = 	snop  }
0x38: {  	[tilespmem:s26], [sflag:$0x1] =	stream.indirect.gather [hbm4b:s4+s17], $0x80, s18, s17, $0xb8;
	[tilespmem:$0x10600] =	vst v63  }
0x39: {  	_ =	swait.ge [sflag:s28], $0x4000  }
0x3a: {  	[sflag:s28] =	ssyncset.done $0x0  }
0x3b: {  	[sflag:s28] =	ssyncadd.s32 $0xFFFFC000  }
0x3c: {  	_ =	swait.ge [sflag:s28], $0x4000  }
0x3d: {  	[sflag:s28] =	ssyncset.done $0x0  }
0x3e: {  	v1 =	vmov s2;
	[sflag:s28] =	ssyncadd.s32 $0xFFFFC000  }
0x3f: {  	v1 =	vshll.u32 v1, $0x7;
	_ =	swait.ge [sflag:s28], $0x4000  }
0x40: {  	v1 =	vor.u32 v0, v1;
	[sflag:s28] =	ssyncset.done $0x0  }
0x41: {  	[sflag:s28] =	ssyncadd.s32 $0xFFFFC000  }
0x42: {  	v2 =	vor.u32 $0x1, v1;
	_ =	swait.ge [sflag:s28], $0x4000  }
0x43: {  	[sflag:s28] =	ssyncset.done $0x0  }
0x44: {  	v3 =	vor.u32 $0x2, v1;
	[sflag:s28] =	ssyncadd.s32 $0xFFFFC000  }
0x45: {  	v4 =	vld.idx.msk [tilespmem:v1+s24+$0x0], $0xffff  }
0x46: {  	v6 =	vor.u32 $0x3, v1;
	v5 =	vld.idx.msk [tilespmem:v1+s23+$0x0], $0xffff  }
0x47: {  	v7 =	vld.idx.msk [tilespmem:v2+s23+$0x0], $0xffff  }
0x48: {  	v8 =	vor.u32 $0x4, v1;
	v2 =	vld.idx.msk [tilespmem:v2+s24+$0x0], $0xffff  }
0x49: {  	v9 =	vld.idx.msk [tilespmem:v3+s23+$0x0], $0xffff  }
0x4a: {  	v10 =	vor.u32 $0x5, v1;
	v3 =	vld.idx.msk [tilespmem:v3+s24+$0x0], $0xffff  }
0x4b: {  	v11 =	vld.idx.msk [tilespmem:v6+s23+$0x0], $0xffff;
	v4 =	vmul.f32 v4, v5  }
0x4c: {  	v5 =	vld.idx.msk [tilespmem:v6+s24+$0x0], $0xffff;
	v6 =	vor.u32 $0x6, v1  }
0x4d: {  	v12 =	vld.idx.msk [tilespmem:v8+s23+$0x0], $0xffff;
	v2 =	vmul.f32 v2, v7;
	v4 =	vadd.f32 $0.0e+00, v4  }
0x4e: {  	v61 =	vor.u32 $0x7, v1;
	v7 =	vld.idx.msk [tilespmem:v8+s24+$0x0], $0xffff  }
0x4f: {  	v13 =	vld.idx.msk [tilespmem:v10+s23+$0x0], $0xffff;
	v3 =	vmul.f32 v3, v9;
	v2 =	vadd.f32 v2, v4  }
0x50: {  	v62 =	vor.u32 $0x8, v1;
	v4 =	vld.idx.msk [tilespmem:v10+s24+$0x0], $0xffff  }
0x51: {  	v63 =	vld.idx.msk [tilespmem:v6+s23+$0x0], $0xffff;
	v2 =	vadd.f32 v3, v2;
	v3 =	vmul.f32 v5, v11  }
0x52: {  	v5 =	vld.idx.msk [tilespmem:v6+s24+$0x0], $0xffff;
	v6 =	vor.u32 $0x9, v1  }
0x53: {  	v16 =	vld.idx.msk [tilespmem:v61+s23+$0x0], $0xffff;
	v2 =	vadd.f32 v3, v2;
	v3 =	vmul.f32 v7, v12  }
0x54: {  	v17 =	vor.u32 $0xA, v1;
	v7 =	vld.idx.msk [tilespmem:v61+s24+$0x0], $0xffff  }
0x55: {  	v18 =	vld.idx.msk [tilespmem:v62+s23+$0x0], $0xffff;
	v2 =	vadd.f32 v3, v2;
	v3 =	vmul.f32 v4, v13  }
0x56: {  	v19 =	vor.u32 $0xB, v1;
	v4 =	vld.idx.msk [tilespmem:v62+s24+$0x0], $0xffff  }
0x57: {  	v20 =	vld.idx.msk [tilespmem:v6+s23+$0x0], $0xffff;
	v2 =	vadd.f32 v3, v2;
	v3 =	vmul.f32 v5, v63  }
0x58: {  	v5 =	vld.idx.msk [tilespmem:v6+s24+$0x0], $0xffff;
	v6 =	vor.u32 $0xC, v1  }
0x59: {  	v21 =	vld.idx.msk [tilespmem:v17+s23+$0x0], $0xffff;
	v2 =	vadd.f32 v3, v2;
	v3 =	vmul.f32 v7, v16  }
0x5a: {  	v22 =	vor.u32 $0xD, v1;
	v7 =	vld.idx.msk [tilespmem:v17+s24+$0x0], $0xffff  }
0x5b: {  	v23 =	vld.idx.msk [tilespmem:v19+s23+$0x0], $0xffff;
	v2 =	vadd.f32 v3, v2;
	v3 =	vmul.f32 v4, v18  }
0x5c: {  	v24 =	vor.u32 $0xE, v1;
	v4 =	vld.idx.msk [tilespmem:v19+s24+$0x0], $0xffff  }
0x5d: {  	v25 =	vld.idx.msk [tilespmem:v6+s23+$0x0], $0xffff;
	v2 =	vadd.f32 v3, v2;
	v3 =	vmul.f32 v5, v20  }
0x5e: {  	v5 =	vld.idx.msk [tilespmem:v6+s24+$0x0], $0xffff;
	v6 =	vor.u32 $0xF, v1  }
0x5f: {  	v26 =	vld.idx.msk [tilespmem:v22+s23+$0x0], $0xffff;
	v2 =	vadd.f32 v3, v2;
	v3 =	vmul.f32 v7, v21  }
0x60: {  	v27 =	vor.u32 $0x10, v1;
	v7 =	vld.idx.msk [tilespmem:v22+s24+$0x0], $0xffff  }
0x61: {  	v28 =	vld.idx.msk [tilespmem:v24+s23+$0x0], $0xffff;
	v2 =	vadd.f32 v3, v2;
	v3 =	vmul.f32 v4, v23  }
0x62: {  	v29 =	vor.u32 $0x11, v1;
	v4 =	vld.idx.msk [tilespmem:v24+s24+$0x0], $0xffff  }
0x63: {  	v30 =	vld.idx.msk [tilespmem:v6+s23+$0x0], $0xffff;
	v2 =	vadd.f32 v3, v2;
	v3 =	vmul.f32 v5, v25  }
0x64: {  	v5 =	vld.idx.msk [tilespmem:v6+s24+$0x0], $0xffff;
	v6 =	vor.u32 $0x12, v1  }
0x65: {  	v31 =	vld.idx.msk [tilespmem:v27+s23+$0x0], $0xffff;
	v2 =	vadd.f32 v3, v2;
	v3 =	vmul.f32 v7, v26  }
0x66: {  	v32 =	vor.u32 $0x13, v1;
	v7 =	vld.idx.msk [tilespmem:v27+s24+$0x0], $0xffff  }
0x67: {  	v33 =	vld.idx.msk [tilespmem:v29+s23+$0x0], $0xffff;
	v2 =	vadd.f32 v3, v2;
	v3 =	vmul.f32 v4, v28  }
0x68: {  	v34 =	vor.u32 $0x14, v1;
	v4 =	vld.idx.msk [tilespmem:v29+s24+$0x0], $0xffff  }
0x69: {  	v35 =	vld.idx.msk [tilespmem:v6+s23+$0x0], $0xffff;
	v2 =	vadd.f32 v3, v2;
	v3 =	vmul.f32 v5, v30  }
0x6a: {  	v5 =	vld.idx.msk [tilespmem:v6+s24+$0x0], $0xffff;
	v6 =	vor.u32 $0x15, v1  }
0x6b: {  	v36 =	vld.idx.msk [tilespmem:v32+s23+$0x0], $0xffff;
	v2 =	vadd.f32 v3, v2;
	v3 =	vmul.f32 v7, v31  }
0x6c: {  	v37 =	vor.u32 $0x16, v1;
	v7 =	vld.idx.msk [tilespmem:v32+s24+$0x0], $0xffff  }
0x6d: {  	v38 =	vld.idx.msk [tilespmem:v34+s23+$0x0], $0xffff;
	v2 =	vadd.f32 v3, v2;
	v3 =	vmul.f32 v4, v33  }
0x6e: {  	v39 =	vor.u32 $0x17, v1;
	v4 =	vld.idx.msk [tilespmem:v34+s24+$0x0], $0xffff  }
0x6f: {  	v40 =	vld.idx.msk [tilespmem:v6+s23+$0x0], $0xffff;
	v2 =	vadd.f32 v3, v2;
	v3 =	vmul.f32 v5, v35  }
0x70: {  	v5 =	vld.idx.msk [tilespmem:v6+s24+$0x0], $0xffff;
	v6 =	vor.u32 $0x18, v1  }
0x71: {  	v41 =	vld.idx.msk [tilespmem:v37+s23+$0x0], $0xffff;
	v2 =	vadd.f32 v3, v2;
	v3 =	vmul.f32 v7, v36  }
0x72: {  	v42 =	vor.u32 $0x19, v1;
	v7 =	vld.idx.msk [tilespmem:v37+s24+$0x0], $0xffff  }
0x73: {  	v43 =	vld.idx.msk [tilespmem:v39+s23+$0x0], $0xffff;
	v2 =	vadd.f32 v3, v2;
	v3 =	vmul.f32 v4, v38  }
0x74: {  	v44 =	vor.u32 $0x1A, v1;
	v4 =	vld.idx.msk [tilespmem:v39+s24+$0x0], $0xffff  }
0x75: {  	v45 =	vld.idx.msk [tilespmem:v6+s23+$0x0], $0xffff;
	v2 =	vadd.f32 v3, v2;
	v3 =	vmul.f32 v5, v40  }
0x76: {  	v5 =	vld.idx.msk [tilespmem:v6+s24+$0x0], $0xffff;
	v6 =	vor.u32 $0x1B, v1  }
0x77: {  	v46 =	vld.idx.msk [tilespmem:v42+s23+$0x0], $0xffff;
	v2 =	vadd.f32 v3, v2;
	v3 =	vmul.f32 v7, v41  }
0x78: {  	v47 =	vor.u32 $0x1C, v1;
	v7 =	vld.idx.msk [tilespmem:v42+s24+$0x0], $0xffff  }
0x79: {  	v48 =	vld.idx.msk [tilespmem:v44+s23+$0x0], $0xffff;
	v2 =	vadd.f32 v3, v2;
	v3 =	vmul.f32 v4, v43  }
0x7a: {  	v49 =	vor.u32 $0x1D, v1;
	v4 =	vld.idx.msk [tilespmem:v44+s24+$0x0], $0xffff  }
0x7b: {  	v50 =	vld.idx.msk [tilespmem:v6+s23+$0x0], $0xffff;
	v2 =	vadd.f32 v3, v2;
	v3 =	vmul.f32 v5, v45  }
0x7c: {  	v5 =	vld.idx.msk [tilespmem:v6+s24+$0x0], $0xffff;
	v6 =	vor.u32 $0x1E, v1  }
0x7d: {  	v51 =	vld.idx.msk [tilespmem:v47+s23+$0x0], $0xffff;
	v2 =	vadd.f32 v3, v2;
	v3 =	vmul.f32 v7, v46  }
0x7e: {  	v52 =	vor.u32 $0x1F, v1;
	v7 =	vld.idx.msk [tilespmem:v47+s24+$0x0], $0xffff  }
0x7f: {  	v53 =	vld.idx.msk [tilespmem:v49+s23+$0x0], $0xffff;
	v2 =	vadd.f32 v3, v2;
	v3 =	vmul.f32 v4, v48  }
0x80: {  	v54 =	vor.u32 $0x20, v1;
	v4 =	vld.idx.msk [tilespmem:v49+s24+$0x0], $0xffff  }
0x81: {  	v55 =	vld.idx.msk [tilespmem:v6+s23+$0x0], $0xffff;
	v2 =	vadd.f32 v3, v2;
	v3 =	vmul.f32 v5, v50  }
0x82: {  	v5 =	vld.idx.msk [tilespmem:v6+s24+$0x0], $0xffff;
	v6 =	vor.u32 $0x21, v1  }
0x83: {  	v56 =	vld.idx.msk [tilespmem:v52+s23+$0x0], $0xffff;
	v2 =	vadd.f32 v3, v2;
	v3 =	vmul.f32 v7, v51  }
0x84: {  	v57 =	vor.u32 $0x22, v1;
	v7 =	vld.idx.msk [tilespmem:v52+s24+$0x0], $0xffff  }
0x85: {  	v58 =	vld.idx.msk [tilespmem:v54+s23+$0x0], $0xffff;
	v2 =	vadd.f32 v3, v2;
	v3 =	vmul.f32 v4, v53  }
0x86: {  	v59 =	vor.u32 $0x23, v1;
	v4 =	vld.idx.msk [tilespmem:v54+s24+$0x0], $0xffff  }
0x87: {  	v60 =	vld.idx.msk [tilespmem:v6+s23+$0x0], $0xffff;
	v2 =	vadd.f32 v3, v2;
	v3 =	vmul.f32 v5, v55  }
0x88: {  	v5 =	vld.idx.msk [tilespmem:v6+s24+$0x0], $0xffff;
	v6 =	vor.u32 $0x24, v1  }
0x89: {  	v61 =	vld.idx.msk [tilespmem:v57+s23+$0x0], $0xffff;
	v2 =	vadd.f32 v3, v2;
	v3 =	vmul.f32 v7, v56  }
0x8a: {  	v62 =	vor.u32 $0x25, v1;
	v7 =	vld.idx.msk [tilespmem:v57+s24+$0x0], $0xffff  }
0x8b: {  	v63 =	vld.idx.msk [tilespmem:v59+s23+$0x0], $0xffff;
	v2 =	vadd.f32 v3, v2;
	v3 =	vmul.f32 v4, v58  }
0x8c: {  	v16 =	vor.u32 $0x26, v1;
	v4 =	vld.idx.msk [tilespmem:v59+s24+$0x0], $0xffff  }
0x8d: {  	v17 =	vld.idx.msk [tilespmem:v6+s23+$0x0], $0xffff;
	v2 =	vadd.f32 v3, v2;
	v3 =	vmul.f32 v5, v60  }
0x8e: {  	v5 =	vld.idx.msk [tilespmem:v6+s24+$0x0], $0xffff;
	v6 =	vor.u32 $0x27, v1  }
0x8f: {  	v18 =	vld.idx.msk [tilespmem:v62+s23+$0x0], $0xffff;
	v2 =	vadd.f32 v3, v2;
	v3 =	vmul.f32 v7, v61  }
0x90: {  	v19 =	vor.u32 $0x28, v1;
	v7 =	vld.idx.msk [tilespmem:v62+s24+$0x0], $0xffff  }
0x91: {  	v20 =	vld.idx.msk [tilespmem:v16+s23+$0x0], $0xffff;
	v2 =	vadd.f32 v3, v2;
	v3 =	vmul.f32 v4, v63  }
0x92: {  	v21 =	vor.u32 $0x29, v1;
	v4 =	vld.idx.msk [tilespmem:v16+s24+$0x0], $0xffff  }
0x93: {  	v22 =	vld.idx.msk [tilespmem:v6+s23+$0x0], $0xffff;
	v2 =	vadd.f32 v3, v2;
	v3 =	vmul.f32 v5, v17  }
0x94: {  	v5 =	vld.idx.msk [tilespmem:v6+s24+$0x0], $0xffff;
	v6 =	vor.u32 $0x2A, v1  }
0x95: {  	v23 =	vld.idx.msk [tilespmem:v19+s23+$0x0], $0xffff;
	v2 =	vadd.f32 v3, v2;
	v3 =	vmul.f32 v7, v18  }
0x96: {  	v24 =	vor.u32 $0x2B, v1;
	v7 =	vld.idx.msk [tilespmem:v19+s24+$0x0], $0xffff  }
0x97: {  	v25 =	vld.idx.msk [tilespmem:v21+s23+$0x0], $0xffff;
	v2 =	vadd.f32 v3, v2;
	v3 =	vmul.f32 v4, v20  }
0x98: {  	v26 =	vor.u32 $0x2C, v1;
	v4 =	vld.idx.msk [tilespmem:v21+s24+$0x0], $0xffff  }
0x99: {  	v27 =	vld.idx.msk [tilespmem:v6+s23+$0x0], $0xffff;
	v2 =	vadd.f32 v3, v2;
	v3 =	vmul.f32 v5, v22  }
0x9a: {  	v5 =	vld.idx.msk [tilespmem:v6+s24+$0x0], $0xffff;
	v6 =	vor.u32 $0x2D, v1  }
0x9b: {  	v28 =	vld.idx.msk [tilespmem:v24+s23+$0x0], $0xffff;
	v2 =	vadd.f32 v3, v2;
	v3 =	vmul.f32 v7, v23  }
0x9c: {  	v29 =	vor.u32 $0x2E, v1;
	v7 =	vld.idx.msk [tilespmem:v24+s24+$0x0], $0xffff  }
0x9d: {  	v30 =	vld.idx.msk [tilespmem:v26+s23+$0x0], $0xffff;
	v2 =	vadd.f32 v3, v2;
	v3 =	vmul.f32 v4, v25  }
0x9e: {  	v31 =	vor.u32 $0x2F, v1;
	v4 =	vld.idx.msk [tilespmem:v26+s24+$0x0], $0xffff  }
0x9f: {  	v32 =	vld.idx.msk [tilespmem:v6+s23+$0x0], $0xffff;
	v2 =	vadd.f32 v3, v2;
	v3 =	vmul.f32 v5, v27  }
0xa0: {  	v5 =	vld.idx.msk [tilespmem:v6+s24+$0x0], $0xffff;
	v6 =	vor.u32 $0x30, v1  }
0xa1: {  	v33 =	vld.idx.msk [tilespmem:v29+s23+$0x0], $0xffff;
	v2 =	vadd.f32 v3, v2;
	v3 =	vmul.f32 v7, v28  }
0xa2: {  	v34 =	vor.u32 $0x31, v1;
	v7 =	vld.idx.msk [tilespmem:v29+s24+$0x0], $0xffff  }
0xa3: {  	v35 =	vld.idx.msk [tilespmem:v31+s23+$0x0], $0xffff;
	v2 =	vadd.f32 v3, v2;
	v3 =	vmul.f32 v4, v30  }
0xa4: {  	v36 =	vor.u32 $0x32, v1;
	v4 =	vld.idx.msk [tilespmem:v31+s24+$0x0], $0xffff  }
0xa5: {  	v37 =	vld.idx.msk [tilespmem:v6+s23+$0x0], $0xffff;
	v2 =	vadd.f32 v3, v2;
	v3 =	vmul.f32 v5, v32  }
0xa6: {  	v5 =	vld.idx.msk [tilespmem:v6+s24+$0x0], $0xffff;
	v6 =	vor.u32 $0x33, v1  }
0xa7: {  	v38 =	vld.idx.msk [tilespmem:v34+s23+$0x0], $0xffff;
	v2 =	vadd.f32 v3, v2;
	v3 =	vmul.f32 v7, v33  }
0xa8: {  	v39 =	vor.u32 $0x34, v1;
	v7 =	vld.idx.msk [tilespmem:v34+s24+$0x0], $0xffff  }
0xa9: {  	v40 =	vld.idx.msk [tilespmem:v36+s23+$0x0], $0xffff;
	v2 =	vadd.f32 v3, v2;
	v3 =	vmul.f32 v4, v35  }
0xaa: {  	v41 =	vor.u32 $0x35, v1;
	v4 =	vld.idx.msk [tilespmem:v36+s24+$0x0], $0xffff  }
0xab: {  	v42 =	vld.idx.msk [tilespmem:v6+s23+$0x0], $0xffff;
	v2 =	vadd.f32 v3, v2;
	v3 =	vmul.f32 v5, v37  }
0xac: {  	v5 =	vld.idx.msk [tilespmem:v6+s24+$0x0], $0xffff;
	v6 =	vor.u32 $0x36, v1  }
0xad: {  	v43 =	vld.idx.msk [tilespmem:v39+s23+$0x0], $0xffff;
	v2 =	vadd.f32 v3, v2;
	v3 =	vmul.f32 v7, v38  }
0xae: {  	v44 =	vor.u32 $0x37, v1;
	v7 =	vld.idx.msk [tilespmem:v39+s24+$0x0], $0xffff  }
0xaf: {  	v45 =	vld.idx.msk [tilespmem:v41+s23+$0x0], $0xffff;
	v2 =	vadd.f32 v3, v2;
	v3 =	vmul.f32 v4, v40  }
0xb0: {  	v46 =	vor.u32 $0x38, v1;
	v4 =	vld.idx.msk [tilespmem:v41+s24+$0x0], $0xffff  }
0xb1: {  	v47 =	vld.idx.msk [tilespmem:v6+s23+$0x0], $0xffff;
	v2 =	vadd.f32 v3, v2;
	v3 =	vmul.f32 v5, v42  }
0xb2: {  	v5 =	vld.idx.msk [tilespmem:v6+s24+$0x0], $0xffff;
	v6 =	vor.u32 $0x39, v1  }
0xb3: {  	v48 =	vld.idx.msk [tilespmem:v44+s23+$0x0], $0xffff;
	v2 =	vadd.f32 v3, v2;
	v3 =	vmul.f32 v7, v43  }
0xb4: {  	v49 =	vor.u32 $0x3A, v1;
	v7 =	vld.idx.msk [tilespmem:v44+s24+$0x0], $0xffff  }
0xb5: {  	v50 =	vld.idx.msk [tilespmem:v46+s23+$0x0], $0xffff;
	v2 =	vadd.f32 v3, v2;
	v3 =	vmul.f32 v4, v45  }
0xb6: {  	v51 =	vor.u32 $0x3B, v1;
	v4 =	vld.idx.msk [tilespmem:v46+s24+$0x0], $0xffff  }
0xb7: {  	v52 =	vld.idx.msk [tilespmem:v6+s23+$0x0], $0xffff;
	v2 =	vadd.f32 v3, v2;
	v3 =	vmul.f32 v5, v47  }
0xb8: {  	v5 =	vld.idx.msk [tilespmem:v6+s24+$0x0], $0xffff;
	v6 =	vor.u32 $0x3C, v1  }
0xb9: {  	v53 =	vld.idx.msk [tilespmem:v49+s23+$0x0], $0xffff;
	v2 =	vadd.f32 v3, v2;
	v3 =	vmul.f32 v7, v48  }
0xba: {  	v54 =	vor.u32 $0x3D, v1;
	v7 =	vld.idx.msk [tilespmem:v49+s24+$0x0], $0xffff  }
0xbb: {  	v55 =	vld.idx.msk [tilespmem:v51+s23+$0x0], $0xffff;
	v2 =	vadd.f32 v3, v2;
	v3 =	vmul.f32 v4, v50  }
0xbc: {  	v56 =	vor.u32 $0x3E, v1;
	v4 =	vld.idx.msk [tilespmem:v51+s24+$0x0], $0xffff  }
0xbd: {  	v57 =	vld.idx.msk [tilespmem:v6+s23+$0x0], $0xffff;
	v2 =	vadd.f32 v3, v2;
	v3 =	vmul.f32 v5, v52  }
0xbe: {  	v1 =	vor.u32 $0x3F, v1;
	v5 =	vld.idx.msk [tilespmem:v6+s24+$0x0], $0xffff  }
0xbf: {  	v6 =	vld.idx.msk [tilespmem:v54+s23+$0x0], $0xffff;
	v2 =	vadd.f32 v3, v2;
	v3 =	vmul.f32 v7, v53  }
0xc0: {  	v7 =	vld.idx.msk [tilespmem:v54+s24+$0x0], $0xffff  }
0xc1: {  	v58 =	vld.idx.msk [tilespmem:v56+s23+$0x0], $0xffff;
	v2 =	vadd.f32 v3, v2;
	v3 =	vmul.f32 v4, v55  }
0xc2: {  	v4 =	vld.idx.msk [tilespmem:v56+s24+$0x0], $0xffff  }
0xc3: {  	v59 =	vld.idx.msk [tilespmem:v1+s23+$0x0], $0xffff;
	v2 =	vadd.f32 v3, v2;
	v3 =	vmul.f32 v5, v57  }
0xc4: {  	v5 =	vld.idx.msk [tilespmem:v1+s24+$0x0], $0xffff  }
0xc5: {  	v1 =	vadd.f32 v3, v2;
	v2 =	vmul.f32 v7, v6  }
0xc6: {  	s16 =	simm.s32 $0x10  }
0xc7: {  	v3 =	vmov s16;
	v4 =	vmul.f32 v4, v58;
	v2 =	vadd.f32 v2, v1  }
0xc8: {  	v1 =	vshll.u32 v3, $0x7  }
0xc9: {  	v1 =	vor.u32 v0, v1;
	v3 =	vmul.f32 v5, v59;
	v2 =	vadd.f32 v4, v2;
	_ =	sdelay $0x1  }
0xca: {  	v4 =	vor.u32 $0x1, v1;
	v2 =	vadd.f32 v3, v2;
	_ =	sdelay $0x1  }
0xcb: {  	v3 =	vor.u32 $0x2, v1;
	[tilespmem:s29+$0x0] =	vst v2  }
0xcc: {  	v2 =	vld.idx.msk [tilespmem:v1+s24+$0x0], $0xffff  }
0xcd: {  	v6 =	vor.u32 $0x3, v1;
	v5 =	vld.idx.msk [tilespmem:v1+s23+$0x0], $0xffff  }
0xce: {  	v7 =	vld.idx.msk [tilespmem:v4+s23+$0x0], $0xffff  }
0xcf: {  	v60 =	vor.u32 $0x4, v1;
	v4 =	vld.idx.msk [tilespmem:v4+s24+$0x0], $0xffff  }
0xd0: {  	v61 =	vld.idx.msk [tilespmem:v3+s23+$0x0], $0xffff  }
0xd1: {  	v62 =	vor.u32 $0x5, v1;
	v3 =	vld.idx.msk [tilespmem:v3+s24+$0x0], $0xffff  }
0xd2: {  	v63 =	vld.idx.msk [tilespmem:v6+s23+$0x0], $0xffff;
	v2 =	vmul.f32 v2, v5  }
0xd3: {  	v5 =	vld.idx.msk [tilespmem:v6+s24+$0x0], $0xffff;
	v6 =	vor.u32 $0x6, v1  }
0xd4: {  	v16 =	vld.idx.msk [tilespmem:v60+s23+$0x0], $0xffff;
	v4 =	vmul.f32 v4, v7;
	v2 =	vadd.f32 $0.0e+00, v2  }
0xd5: {  	v17 =	vor.u32 $0x7, v1;
	v7 =	vld.idx.msk [tilespmem:v60+s24+$0x0], $0xffff  }
0xd6: {  	v18 =	vld.idx.msk [tilespmem:v62+s23+$0x0], $0xffff;
	v3 =	vmul.f32 v3, v61;
	v2 =	vadd.f32 v4, v2  }
0xd7: {  	v19 =	vor.u32 $0x8, v1;
	v4 =	vld.idx.msk [tilespmem:v62+s24+$0x0], $0xffff  }
0xd8: {  	v20 =	vld.idx.msk [tilespmem:v6+s23+$0x0], $0xffff;
	v2 =	vadd.f32 v3, v2;
	v3 =	vmul.f32 v5, v63  }
0xd9: {  	v5 =	vld.idx.msk [tilespmem:v6+s24+$0x0], $0xffff;
	v6 =	vor.u32 $0x9, v1  }
0xda: {  	v21 =	vld.idx.msk [tilespmem:v17+s23+$0x0], $0xffff;
	v2 =	vadd.f32 v3, v2;
	v3 =	vmul.f32 v7, v16  }
0xdb: {  	v22 =	vor.u32 $0xA, v1;
	v7 =	vld.idx.msk [tilespmem:v17+s24+$0x0], $0xffff  }
0xdc: {  	v23 =	vld.idx.msk [tilespmem:v19+s23+$0x0], $0xffff;
	v2 =	vadd.f32 v3, v2;
	v3 =	vmul.f32 v4, v18  }
0xdd: {  	v24 =	vor.u32 $0xB, v1;
	v4 =	vld.idx.msk [tilespmem:v19+s24+$0x0], $0xffff  }
0xde: {  	v25 =	vld.idx.msk [tilespmem:v6+s23+$0x0], $0xffff;
	v2 =	vadd.f32 v3, v2;
	v3 =	vmul.f32 v5, v20  }
0xdf: {  	v5 =	vld.idx.msk [tilespmem:v6+s24+$0x0], $0xffff;
	v6 =	vor.u32 $0xC, v1  }
0xe0: {  	v26 =	vld.idx.msk [tilespmem:v22+s23+$0x0], $0xffff;
	v2 =	vadd.f32 v3, v2;
	v3 =	vmul.f32 v7, v21  }
0xe1: {  	v27 =	vor.u32 $0xD, v1;
	v7 =	vld.idx.msk [tilespmem:v22+s24+$0x0], $0xffff  }
0xe2: {  	v28 =	vld.idx.msk [tilespmem:v24+s23+$0x0], $0xffff;
	v2 =	vadd.f32 v3, v2;
	v3 =	vmul.f32 v4, v23  }
0xe3: {  	v29 =	vor.u32 $0xE, v1;
	v4 =	vld.idx.msk [tilespmem:v24+s24+$0x0], $0xffff  }
0xe4: {  	v30 =	vld.idx.msk [tilespmem:v6+s23+$0x0], $0xffff;
	v2 =	vadd.f32 v3, v2;
	v3 =	vmul.f32 v5, v25  }
0xe5: {  	v5 =	vld.idx.msk [tilespmem:v6+s24+$0x0], $0xffff;
	v6 =	vor.u32 $0xF, v1  }
0xe6: {  	v31 =	vld.idx.msk [tilespmem:v27+s23+$0x0], $0xffff;
	v2 =	vadd.f32 v3, v2;
	v3 =	vmul.f32 v7, v26  }
0xe7: {  	v32 =	vor.u32 $0x10, v1;
	v7 =	vld.idx.msk [tilespmem:v27+s24+$0x0], $0xffff  }
0xe8: {  	v33 =	vld.idx.msk [tilespmem:v29+s23+$0x0], $0xffff;
	v2 =	vadd.f32 v3, v2;
	v3 =	vmul.f32 v4, v28  }
0xe9: {  	v34 =	vor.u32 $0x11, v1;
	v4 =	vld.idx.msk [tilespmem:v29+s24+$0x0], $0xffff  }
0xea: {  	v35 =	vld.idx.msk [tilespmem:v6+s23+$0x0], $0xffff;
	v2 =	vadd.f32 v3, v2;
	v3 =	vmul.f32 v5, v30  }
0xeb: {  	v5 =	vld.idx.msk [tilespmem:v6+s24+$0x0], $0xffff;
	v6 =	vor.u32 $0x12, v1  }
0xec: {  	v36 =	vld.idx.msk [tilespmem:v32+s23+$0x0], $0xffff;
	v2 =	vadd.f32 v3, v2;
	v3 =	vmul.f32 v7, v31  }
0xed: {  	v37 =	vor.u32 $0x13, v1;
	v7 =	vld.idx.msk [tilespmem:v32+s24+$0x0], $0xffff  }
0xee: {  	v38 =	vld.idx.msk [tilespmem:v34+s23+$0x0], $0xffff;
	v2 =	vadd.f32 v3, v2;
	v3 =	vmul.f32 v4, v33  }
0xef: {  	v39 =	vor.u32 $0x14, v1;
	v4 =	vld.idx.msk [tilespmem:v34+s24+$0x0], $0xffff  }
0xf0: {  	v40 =	vld.idx.msk [tilespmem:v6+s23+$0x0], $0xffff;
	v2 =	vadd.f32 v3, v2;
	v3 =	vmul.f32 v5, v35  }
0xf1: {  	v5 =	vld.idx.msk [tilespmem:v6+s24+$0x0], $0xffff;
	v6 =	vor.u32 $0x15, v1  }
0xf2: {  	v41 =	vld.idx.msk [tilespmem:v37+s23+$0x0], $0xffff;
	v2 =	vadd.f32 v3, v2;
	v3 =	vmul.f32 v7, v36  }
0xf3: {  	v42 =	vor.u32 $0x16, v1;
	v7 =	vld.idx.msk [tilespmem:v37+s24+$0x0], $0xffff  }
0xf4: {  	v43 =	vld.idx.msk [tilespmem:v39+s23+$0x0], $0xffff;
	v2 =	vadd.f32 v3, v2;
	v3 =	vmul.f32 v4, v38  }
0xf5: {  	v44 =	vor.u32 $0x17, v1;
	v4 =	vld.idx.msk [tilespmem:v39+s24+$0x0], $0xffff  }
0xf6: {  	v45 =	vld.idx.msk [tilespmem:v6+s23+$0x0], $0xffff;
	v2 =	vadd.f32 v3, v2;
	v3 =	vmul.f32 v5, v40  }
0xf7: {  	v5 =	vld.idx.msk [tilespmem:v6+s24+$0x0], $0xffff;
	v6 =	vor.u32 $0x18, v1  }
0xf8: {  	v46 =	vld.idx.msk [tilespmem:v42+s23+$0x0], $0xffff;
	v2 =	vadd.f32 v3, v2;
	v3 =	vmul.f32 v7, v41  }
0xf9: {  	v47 =	vor.u32 $0x19, v1;
	v7 =	vld.idx.msk [tilespmem:v42+s24+$0x0], $0xffff  }
0xfa: {  	v48 =	vld.idx.msk [tilespmem:v44+s23+$0x0], $0xffff;
	v2 =	vadd.f32 v3, v2;
	v3 =	vmul.f32 v4, v43  }
0xfb: {  	v49 =	vor.u32 $0x1A, v1;
	v4 =	vld.idx.msk [tilespmem:v44+s24+$0x0], $0xffff  }
0xfc: {  	v50 =	vld.idx.msk [tilespmem:v6+s23+$0x0], $0xffff;
	v2 =	vadd.f32 v3, v2;
	v3 =	vmul.f32 v5, v45  }
0xfd: {  	v5 =	vld.idx.msk [tilespmem:v6+s24+$0x0], $0xffff;
	v6 =	vor.u32 $0x1B, v1  }
0xfe: {  	v51 =	vld.idx.msk [tilespmem:v47+s23+$0x0], $0xffff;
	v2 =	vadd.f32 v3, v2;
	v3 =	vmul.f32 v7, v46  }
0xff: {  	v52 =	vor.u32 $0x1C, v1;
	v7 =	vld.idx.msk [tilespmem:v47+s24+$0x0], $0xffff  }
0x100: {  	v53 =	vld.idx.msk [tilespmem:v49+s23+$0x0], $0xffff;
	v2 =	vadd.f32 v3, v2;
	v3 =	vmul.f32 v4, v48  }
0x101: {  	v54 =	vor.u32 $0x1D, v1;
	v4 =	vld.idx.msk [tilespmem:v49+s24+$0x0], $0xffff  }
0x102: {  	v55 =	vld.idx.msk [tilespmem:v6+s23+$0x0], $0xffff;
	v2 =	vadd.f32 v3, v2;
	v3 =	vmul.f32 v5, v50  }
0x103: {  	v5 =	vld.idx.msk [tilespmem:v6+s24+$0x0], $0xffff;
	v6 =	vor.u32 $0x1E, v1  }
0x104: {  	v56 =	vld.idx.msk [tilespmem:v52+s23+$0x0], $0xffff;
	v2 =	vadd.f32 v3, v2;
	v3 =	vmul.f32 v7, v51  }
0x105: {  	v57 =	vor.u32 $0x1F, v1;
	v7 =	vld.idx.msk [tilespmem:v52+s24+$0x0], $0xffff  }
0x106: {  	v58 =	vld.idx.msk [tilespmem:v54+s23+$0x0], $0xffff;
	v2 =	vadd.f32 v3, v2;
	v3 =	vmul.f32 v4, v53  }
0x107: {  	v59 =	vor.u32 $0x20, v1;
	v4 =	vld.idx.msk [tilespmem:v54+s24+$0x0], $0xffff  }
0x108: {  	v60 =	vld.idx.msk [tilespmem:v6+s23+$0x0], $0xffff;
	v2 =	vadd.f32 v3, v2;
	v3 =	vmul.f32 v5, v55  }
0x109: {  	v5 =	vld.idx.msk [tilespmem:v6+s24+$0x0], $0xffff;
	v6 =	vor.u32 $0x21, v1  }
0x10a: {  	v61 =	vld.idx.msk [tilespmem:v57+s23+$0x0], $0xffff;
	v2 =	vadd.f32 v3, v2;
	v3 =	vmul.f32 v7, v56  }
0x10b: {  	v62 =	vor.u32 $0x22, v1;
	v7 =	vld.idx.msk [tilespmem:v57+s24+$0x0], $0xffff  }
0x10c: {  	v63 =	vld.idx.msk [tilespmem:v59+s23+$0x0], $0xffff;
	v2 =	vadd.f32 v3, v2;
	v3 =	vmul.f32 v4, v58  }
0x10d: {  	v16 =	vor.u32 $0x23, v1;
	v4 =	vld.idx.msk [tilespmem:v59+s24+$0x0], $0xffff  }
0x10e: {  	v17 =	vld.idx.msk [tilespmem:v6+s23+$0x0], $0xffff;
	v2 =	vadd.f32 v3, v2;
	v3 =	vmul.f32 v5, v60  }
0x10f: {  	v5 =	vld.idx.msk [tilespmem:v6+s24+$0x0], $0xffff;
	v6 =	vor.u32 $0x24, v1  }
0x110: {  	v18 =	vld.idx.msk [tilespmem:v62+s23+$0x0], $0xffff;
	v2 =	vadd.f32 v3, v2;
	v3 =	vmul.f32 v7, v61  }
0x111: {  	v19 =	vor.u32 $0x25, v1;
	v7 =	vld.idx.msk [tilespmem:v62+s24+$0x0], $0xffff  }
0x112: {  	v20 =	vld.idx.msk [tilespmem:v16+s23+$0x0], $0xffff;
	v2 =	vadd.f32 v3, v2;
	v3 =	vmul.f32 v4, v63  }
0x113: {  	v21 =	vor.u32 $0x26, v1;
	v4 =	vld.idx.msk [tilespmem:v16+s24+$0x0], $0xffff  }
0x114: {  	v22 =	vld.idx.msk [tilespmem:v6+s23+$0x0], $0xffff;
	v2 =	vadd.f32 v3, v2;
	v3 =	vmul.f32 v5, v17  }
0x115: {  	v5 =	vld.idx.msk [tilespmem:v6+s24+$0x0], $0xffff;
	v6 =	vor.u32 $0x27, v1  }
0x116: {  	v23 =	vld.idx.msk [tilespmem:v19+s23+$0x0], $0xffff;
	v2 =	vadd.f32 v3, v2;
	v3 =	vmul.f32 v7, v18  }
0x117: {  	v24 =	vor.u32 $0x28, v1;
	v7 =	vld.idx.msk [tilespmem:v19+s24+$0x0], $0xffff  }
0x118: {  	v25 =	vld.idx.msk [tilespmem:v21+s23+$0x0], $0xffff;
	v2 =	vadd.f32 v3, v2;
	v3 =	vmul.f32 v4, v20  }
0x119: {  	v26 =	vor.u32 $0x29, v1;
	v4 =	vld.idx.msk [tilespmem:v21+s24+$0x0], $0xffff  }
0x11a: {  	v27 =	vld.idx.msk [tilespmem:v6+s23+$0x0], $0xffff;
	v2 =	vadd.f32 v3, v2;
	v3 =	vmul.f32 v5, v22  }
0x11b: {  	v5 =	vld.idx.msk [tilespmem:v6+s24+$0x0], $0xffff;
	v6 =	vor.u32 $0x2A, v1  }
0x11c: {  	v28 =	vld.idx.msk [tilespmem:v24+s23+$0x0], $0xffff;
	v2 =	vadd.f32 v3, v2;
	v3 =	vmul.f32 v7, v23  }
0x11d: {  	v29 =	vor.u32 $0x2B, v1;
	v7 =	vld.idx.msk [tilespmem:v24+s24+$0x0], $0xffff  }
0x11e: {  	v30 =	vld.idx.msk [tilespmem:v26+s23+$0x0], $0xffff;
	v2 =	vadd.f32 v3, v2;
	v3 =	vmul.f32 v4, v25  }
0x11f: {  	v31 =	vor.u32 $0x2C, v1;
	v4 =	vld.idx.msk [tilespmem:v26+s24+$0x0], $0xffff  }
0x120: {  	v32 =	vld.idx.msk [tilespmem:v6+s23+$0x0], $0xffff;
	v2 =	vadd.f32 v3, v2;
	v3 =	vmul.f32 v5, v27  }
0x121: {  	v5 =	vld.idx.msk [tilespmem:v6+s24+$0x0], $0xffff;
	v6 =	vor.u32 $0x2D, v1  }
0x122: {  	v33 =	vld.idx.msk [tilespmem:v29+s23+$0x0], $0xffff;
	v2 =	vadd.f32 v3, v2;
	v3 =	vmul.f32 v7, v28  }
0x123: {  	v34 =	vor.u32 $0x2E, v1;
	v7 =	vld.idx.msk [tilespmem:v29+s24+$0x0], $0xffff  }
0x124: {  	v35 =	vld.idx.msk [tilespmem:v31+s23+$0x0], $0xffff;
	v2 =	vadd.f32 v3, v2;
	v3 =	vmul.f32 v4, v30  }
0x125: {  	v36 =	vor.u32 $0x2F, v1;
	v4 =	vld.idx.msk [tilespmem:v31+s24+$0x0], $0xffff  }
0x126: {  	v37 =	vld.idx.msk [tilespmem:v6+s23+$0x0], $0xffff;
	v2 =	vadd.f32 v3, v2;
	v3 =	vmul.f32 v5, v32  }
0x127: {  	v5 =	vld.idx.msk [tilespmem:v6+s24+$0x0], $0xffff;
	v6 =	vor.u32 $0x30, v1  }
0x128: {  	v38 =	vld.idx.msk [tilespmem:v34+s23+$0x0], $0xffff;
	v2 =	vadd.f32 v3, v2;
	v3 =	vmul.f32 v7, v33  }
0x129: {  	v39 =	vor.u32 $0x31, v1;
	v7 =	vld.idx.msk [tilespmem:v34+s24+$0x0], $0xffff  }
0x12a: {  	v40 =	vld.idx.msk [tilespmem:v36+s23+$0x0], $0xffff;
	v2 =	vadd.f32 v3, v2;
	v3 =	vmul.f32 v4, v35  }
0x12b: {  	v41 =	vor.u32 $0x32, v1;
	v4 =	vld.idx.msk [tilespmem:v36+s24+$0x0], $0xffff  }
0x12c: {  	v42 =	vld.idx.msk [tilespmem:v6+s23+$0x0], $0xffff;
	v2 =	vadd.f32 v3, v2;
	v3 =	vmul.f32 v5, v37  }
0x12d: {  	v5 =	vld.idx.msk [tilespmem:v6+s24+$0x0], $0xffff;
	v6 =	vor.u32 $0x33, v1  }
0x12e: {  	v43 =	vld.idx.msk [tilespmem:v39+s23+$0x0], $0xffff;
	v2 =	vadd.f32 v3, v2;
	v3 =	vmul.f32 v7, v38  }
0x12f: {  	v44 =	vor.u32 $0x34, v1;
	v7 =	vld.idx.msk [tilespmem:v39+s24+$0x0], $0xffff  }
0x130: {  	v45 =	vld.idx.msk [tilespmem:v41+s23+$0x0], $0xffff;
	v2 =	vadd.f32 v3, v2;
	v3 =	vmul.f32 v4, v40  }
0x131: {  	v46 =	vor.u32 $0x35, v1;
	v4 =	vld.idx.msk [tilespmem:v41+s24+$0x0], $0xffff  }
0x132: {  	v47 =	vld.idx.msk [tilespmem:v6+s23+$0x0], $0xffff;
	v2 =	vadd.f32 v3, v2;
	v3 =	vmul.f32 v5, v42  }
0x133: {  	v5 =	vld.idx.msk [tilespmem:v6+s24+$0x0], $0xffff;
	v6 =	vor.u32 $0x36, v1  }
0x134: {  	v48 =	vld.idx.msk [tilespmem:v44+s23+$0x0], $0xffff;
	v2 =	vadd.f32 v3, v2;
	v3 =	vmul.f32 v7, v43  }
0x135: {  	v49 =	vor.u32 $0x37, v1;
	v7 =	vld.idx.msk [tilespmem:v44+s24+$0x0], $0xffff  }
0x136: {  	v50 =	vld.idx.msk [tilespmem:v46+s23+$0x0], $0xffff;
	v2 =	vadd.f32 v3, v2;
	v3 =	vmul.f32 v4, v45  }
0x137: {  	v51 =	vor.u32 $0x38, v1;
	v4 =	vld.idx.msk [tilespmem:v46+s24+$0x0], $0xffff  }
0x138: {  	v52 =	vld.idx.msk [tilespmem:v6+s23+$0x0], $0xffff;
	v2 =	vadd.f32 v3, v2;
	v3 =	vmul.f32 v5, v47  }
0x139: {  	v5 =	vld.idx.msk [tilespmem:v6+s24+$0x0], $0xffff;
	v6 =	vor.u32 $0x39, v1  }
0x13a: {  	v53 =	vld.idx.msk [tilespmem:v49+s23+$0x0], $0xffff;
	v2 =	vadd.f32 v3, v2;
	v3 =	vmul.f32 v7, v48  }
0x13b: {  	v54 =	vor.u32 $0x3A, v1;
	v7 =	vld.idx.msk [tilespmem:v49+s24+$0x0], $0xffff  }
0x13c: {  	v55 =	vld.idx.msk [tilespmem:v51+s23+$0x0], $0xffff;
	v2 =	vadd.f32 v3, v2;
	v3 =	vmul.f32 v4, v50  }
0x13d: {  	v56 =	vor.u32 $0x3B, v1;
	v4 =	vld.idx.msk [tilespmem:v51+s24+$0x0], $0xffff  }
0x13e: {  	v57 =	vld.idx.msk [tilespmem:v6+s23+$0x0], $0xffff;
	v2 =	vadd.f32 v3, v2;
	v3 =	vmul.f32 v5, v52  }
0x13f: {  	v5 =	vld.idx.msk [tilespmem:v6+s24+$0x0], $0xffff;
	v6 =	vor.u32 $0x3C, v1  }
0x140: {  	v58 =	vld.idx.msk [tilespmem:v54+s23+$0x0], $0xffff;
	v2 =	vadd.f32 v3, v2;
	v3 =	vmul.f32 v7, v53  }
0x141: {  	v7 =	vld.idx.msk [tilespmem:v54+s24+$0x0], $0xffff  }
0x142: {  	v60 =	vld.idx.msk [tilespmem:v56+s23+$0x0], $0xffff;
	v2 =	vadd.f32 v3, v2;
	v3 =	vmul.f32 v4, v55  }
0x143: {  	v59 =	vor.u32 $0x3D, v1;
	v4 =	vld.idx.msk [tilespmem:v56+s24+$0x0], $0xffff  }
0x144: {  	v62 =	vld.idx.msk [tilespmem:v6+s23+$0x0], $0xffff;
	v2 =	vadd.f32 v3, v2;
	v3 =	vmul.f32 v5, v57  }
0x145: {  	v61 =	vor.u32 $0x3E, v1;
	v5 =	vld.idx.msk [tilespmem:v6+s24+$0x0], $0xffff  }
0x146: {  	v2 =	vadd.f32 v3, v2;
	v3 =	vmul.f32 v7, v58  }
0x147: {  	v1 =	vor.u32 $0x3F, v1  }
0x148: {  	v6 =	vld.idx.msk [tilespmem:v59+s23+$0x0], $0xffff;
	v2 =	vadd.f32 v3, v2;
	v3 =	vmul.f32 v4, v60  }
0x149: {  	v7 =	vld.idx.msk [tilespmem:v59+s24+$0x0], $0xffff  }
0x14a: {  	v63 =	vld.idx.msk [tilespmem:v61+s23+$0x0], $0xffff;
	v2 =	vadd.f32 v3, v2;
	v3 =	vmul.f32 v5, v62  }
0x14b: {  	v9 =	vld.idx.msk [tilespmem:v61+s24+$0x0], $0xffff  }
0x14c: {  	v4 =	vadd.f32 v3, v2;
	v2 =	vld.idx.msk [tilespmem:v1+s23+$0x0], $0xffff  }
0x14d: {  	v3 =	vld.idx.msk [tilespmem:v1+s24+$0x0], $0xffff  }
0x14e: {  	v5 =	vmul.f32 v7, v6  }
0x14f: {  	s31 =	simm.s32 $0x20  }
0x150: {  	v6 =	vmov s31;
	v4 =	vadd.f32 v5, v4;
	v5 =	vmul.f32 v9, v63  }
0x151: {  	s1 =	simm.s32 $0x30;
	s0 =	simm.s32 $0x10400;
	v1 =	vshll.u32 v6, $0x7  }
.LBB2_2:
0x152: {  	p0 =	sne.s32 s1, $0xF0;
	v1 =	vor.u32 v0, v1;
	v4 =	vadd.f32 v5, v4;
	v2 =	vmul.f32 v3, v2;
	_ =	sdelay $0x1  }
0x153: {  	v3 =	vor.u32 $0x1, v1;
	v2 =	vadd.f32 v2, v4  }
0x154: {  	s0 =	sadd.s32 $0x10, s0  }
0x155: {  	v4 =	vor.u32 $0x2, v1;
	[tilespmem:s0+$0x0] =	vst v2  }
0x156: {  	v2 =	vld.idx.msk [tilespmem:v1+s24+$0x0], $0xffff  }
0x157: {  	v6 =	vor.u32 $0x3, v1;
	v5 =	vld.idx.msk [tilespmem:v1+s23+$0x0], $0xffff  }
0x158: {  	v7 =	vld.idx.msk [tilespmem:v3+s23+$0x0], $0xffff  }
0x159: {  	v8 =	vor.u32 $0x4, v1;
	v3 =	vld.idx.msk [tilespmem:v3+s24+$0x0], $0xffff  }
0x15a: {  	v9 =	vld.idx.msk [tilespmem:v4+s23+$0x0], $0xffff  }
0x15b: {  	v10 =	vor.u32 $0x5, v1;
	v4 =	vld.idx.msk [tilespmem:v4+s24+$0x0], $0xffff  }
0x15c: {  	v11 =	vld.idx.msk [tilespmem:v6+s23+$0x0], $0xffff  }
0x15d: {  	v2 =	vmul.f32 v2, v5;
	v5 =	vld.idx.msk [tilespmem:v6+s24+$0x0], $0xffff;
	v6 =	vor.u32 $0x6, v1  }
0x15e: {  	v12 =	vld.idx.msk [tilespmem:v8+s23+$0x0], $0xffff  }
0x15f: {  	v2 =	vadd.f32 $0.0e+00, v2;
	v3 =	vmul.f32 v3, v7;
	v7 =	vld.idx.msk [tilespmem:v8+s24+$0x0], $0xffff;
	v8 =	vor.u32 $0x7, v1  }
0x160: {  	v13 =	vld.idx.msk [tilespmem:v10+s23+$0x0], $0xffff  }
0x161: {  	v2 =	vadd.f32 v3, v2;
	v3 =	vmul.f32 v4, v9;
	v9 =	vor.u32 $0x8, v1;
	v4 =	vld.idx.msk [tilespmem:v10+s24+$0x0], $0xffff  }
0x162: {  	v10 =	vld.idx.msk [tilespmem:v6+s23+$0x0], $0xffff  }
0x163: {  	v2 =	vadd.f32 v3, v2;
	v3 =	vmul.f32 v5, v11;
	v5 =	vld.idx.msk [tilespmem:v6+s24+$0x0], $0xffff;
	v6 =	vor.u32 $0x9, v1  }
0x164: {  	v11 =	vld.idx.msk [tilespmem:v8+s23+$0x0], $0xffff  }
0x165: {  	v2 =	vadd.f32 v3, v2;
	v3 =	vmul.f32 v7, v12;
	v7 =	vld.idx.msk [tilespmem:v8+s24+$0x0], $0xffff;
	v8 =	vor.u32 $0xA, v1  }
0x166: {  	v12 =	vld.idx.msk [tilespmem:v9+s23+$0x0], $0xffff  }
0x167: {  	v2 =	vadd.f32 v3, v2;
	v3 =	vmul.f32 v4, v13;
	v4 =	vld.idx.msk [tilespmem:v9+s24+$0x0], $0xffff;
	v9 =	vor.u32 $0xB, v1  }
0x168: {  	v13 =	vld.idx.msk [tilespmem:v6+s23+$0x0], $0xffff  }
0x169: {  	v2 =	vadd.f32 v3, v2;
	v3 =	vmul.f32 v5, v10;
	v5 =	vld.idx.msk [tilespmem:v6+s24+$0x0], $0xffff;
	v6 =	vor.u32 $0xC, v1  }
0x16a: {  	v10 =	vld.idx.msk [tilespmem:v8+s23+$0x0], $0xffff  }
0x16b: {  	v2 =	vadd.f32 v3, v2;
	v3 =	vmul.f32 v7, v11;
	v7 =	vld.idx.msk [tilespmem:v8+s24+$0x0], $0xffff;
	v8 =	vor.u32 $0xD, v1  }
0x16c: {  	v11 =	vld.idx.msk [tilespmem:v9+s23+$0x0], $0xffff  }
0x16d: {  	v2 =	vadd.f32 v3, v2;
	v3 =	vmul.f32 v4, v12;
	v4 =	vld.idx.msk [tilespmem:v9+s24+$0x0], $0xffff;
	v9 =	vor.u32 $0xE, v1  }
0x16e: {  	v12 =	vld.idx.msk [tilespmem:v6+s23+$0x0], $0xffff  }
0x16f: {  	v2 =	vadd.f32 v3, v2;
	v3 =	vmul.f32 v5, v13;
	v5 =	vld.idx.msk [tilespmem:v6+s24+$0x0], $0xffff;
	v6 =	vor.u32 $0xF, v1  }
0x170: {  	v13 =	vld.idx.msk [tilespmem:v8+s23+$0x0], $0xffff  }
0x171: {  	v2 =	vadd.f32 v3, v2;
	v3 =	vmul.f32 v7, v10;
	v7 =	vld.idx.msk [tilespmem:v8+s24+$0x0], $0xffff;
	v8 =	vor.u32 $0x10, v1  }
0x172: {  	v10 =	vld.idx.msk [tilespmem:v9+s23+$0x0], $0xffff  }
0x173: {  	v2 =	vadd.f32 v3, v2;
	v3 =	vmul.f32 v4, v11;
	v4 =	vld.idx.msk [tilespmem:v9+s24+$0x0], $0xffff;
	v9 =	vor.u32 $0x11, v1  }
0x174: {  	v11 =	vld.idx.msk [tilespmem:v6+s23+$0x0], $0xffff  }
0x175: {  	v2 =	vadd.f32 v3, v2;
	v3 =	vmul.f32 v5, v12;
	v5 =	vld.idx.msk [tilespmem:v6+s24+$0x0], $0xffff;
	v6 =	vor.u32 $0x12, v1  }
0x176: {  	v12 =	vld.idx.msk [tilespmem:v8+s23+$0x0], $0xffff  }
0x177: {  	v2 =	vadd.f32 v3, v2;
	v3 =	vmul.f32 v7, v13;
	v7 =	vld.idx.msk [tilespmem:v8+s24+$0x0], $0xffff;
	v8 =	vor.u32 $0x13, v1  }
0x178: {  	v13 =	vld.idx.msk [tilespmem:v9+s23+$0x0], $0xffff  }
0x179: {  	v2 =	vadd.f32 v3, v2;
	v3 =	vmul.f32 v4, v10;
	v4 =	vld.idx.msk [tilespmem:v9+s24+$0x0], $0xffff;
	v9 =	vor.u32 $0x14, v1  }
0x17a: {  	v10 =	vld.idx.msk [tilespmem:v6+s23+$0x0], $0xffff  }
0x17b: {  	v2 =	vadd.f32 v3, v2;
	v3 =	vmul.f32 v5, v11;
	v5 =	vld.idx.msk [tilespmem:v6+s24+$0x0], $0xffff;
	v6 =	vor.u32 $0x15, v1  }
0x17c: {  	v11 =	vld.idx.msk [tilespmem:v8+s23+$0x0], $0xffff  }
0x17d: {  	v2 =	vadd.f32 v3, v2;
	v3 =	vmul.f32 v7, v12;
	v7 =	vld.idx.msk [tilespmem:v8+s24+$0x0], $0xffff;
	v8 =	vor.u32 $0x16, v1  }
0x17e: {  	v12 =	vld.idx.msk [tilespmem:v9+s23+$0x0], $0xffff  }
0x17f: {  	v2 =	vadd.f32 v3, v2;
	v3 =	vmul.f32 v4, v13;
	v4 =	vld.idx.msk [tilespmem:v9+s24+$0x0], $0xffff;
	v9 =	vor.u32 $0x17, v1  }
0x180: {  	v13 =	vld.idx.msk [tilespmem:v6+s23+$0x0], $0xffff  }
0x181: {  	v2 =	vadd.f32 v3, v2;
	v3 =	vmul.f32 v5, v10;
	v5 =	vld.idx.msk [tilespmem:v6+s24+$0x0], $0xffff;
	v6 =	vor.u32 $0x18, v1  }
0x182: {  	v10 =	vld.idx.msk [tilespmem:v8+s23+$0x0], $0xffff  }
0x183: {  	v2 =	vadd.f32 v3, v2;
	v3 =	vmul.f32 v7, v11;
	v7 =	vld.idx.msk [tilespmem:v8+s24+$0x0], $0xffff;
	v8 =	vor.u32 $0x19, v1  }
0x184: {  	v11 =	vld.idx.msk [tilespmem:v9+s23+$0x0], $0xffff  }
0x185: {  	v2 =	vadd.f32 v3, v2;
	v3 =	vmul.f32 v4, v12;
	v4 =	vld.idx.msk [tilespmem:v9+s24+$0x0], $0xffff;
	v9 =	vor.u32 $0x1A, v1  }
0x186: {  	v12 =	vld.idx.msk [tilespmem:v6+s23+$0x0], $0xffff  }
0x187: {  	v2 =	vadd.f32 v3, v2;
	v3 =	vmul.f32 v5, v13;
	v5 =	vld.idx.msk [tilespmem:v6+s24+$0x0], $0xffff;
	v6 =	vor.u32 $0x1B, v1  }
0x188: {  	v13 =	vld.idx.msk [tilespmem:v8+s23+$0x0], $0xffff  }
0x189: {  	v2 =	vadd.f32 v3, v2;
	v3 =	vmul.f32 v7, v10;
	v7 =	vld.idx.msk [tilespmem:v8+s24+$0x0], $0xffff;
	v8 =	vor.u32 $0x1C, v1  }
0x18a: {  	v10 =	vld.idx.msk [tilespmem:v9+s23+$0x0], $0xffff  }
0x18b: {  	v2 =	vadd.f32 v3, v2;
	v3 =	vmul.f32 v4, v11;
	v4 =	vld.idx.msk [tilespmem:v9+s24+$0x0], $0xffff;
	v9 =	vor.u32 $0x1D, v1  }
0x18c: {  	v11 =	vld.idx.msk [tilespmem:v6+s23+$0x0], $0xffff  }
0x18d: {  	v2 =	vadd.f32 v3, v2;
	v3 =	vmul.f32 v5, v12;
	v5 =	vld.idx.msk [tilespmem:v6+s24+$0x0], $0xffff;
	v6 =	vor.u32 $0x1E, v1  }
0x18e: {  	v12 =	vld.idx.msk [tilespmem:v8+s23+$0x0], $0xffff  }
0x18f: {  	v2 =	vadd.f32 v3, v2;
	v3 =	vmul.f32 v7, v13;
	v7 =	vld.idx.msk [tilespmem:v8+s24+$0x0], $0xffff;
	v8 =	vor.u32 $0x1F, v1  }
0x190: {  	v13 =	vld.idx.msk [tilespmem:v9+s23+$0x0], $0xffff  }
0x191: {  	v2 =	vadd.f32 v3, v2;
	v3 =	vmul.f32 v4, v10;
	v4 =	vld.idx.msk [tilespmem:v9+s24+$0x0], $0xffff;
	v9 =	vor.u32 $0x20, v1  }
0x192: {  	v10 =	vld.idx.msk [tilespmem:v6+s23+$0x0], $0xffff  }
0x193: {  	v2 =	vadd.f32 v3, v2;
	v3 =	vmul.f32 v5, v11;
	v5 =	vld.idx.msk [tilespmem:v6+s24+$0x0], $0xffff;
	v6 =	vor.u32 $0x21, v1  }
0x194: {  	v11 =	vld.idx.msk [tilespmem:v8+s23+$0x0], $0xffff  }
0x195: {  	v2 =	vadd.f32 v3, v2;
	v3 =	vmul.f32 v7, v12;
	v7 =	vld.idx.msk [tilespmem:v8+s24+$0x0], $0xffff;
	v8 =	vor.u32 $0x22, v1  }
0x196: {  	v12 =	vld.idx.msk [tilespmem:v9+s23+$0x0], $0xffff  }
0x197: {  	v2 =	vadd.f32 v3, v2;
	v3 =	vmul.f32 v4, v13;
	v4 =	vld.idx.msk [tilespmem:v9+s24+$0x0], $0xffff;
	v9 =	vor.u32 $0x23, v1  }
0x198: {  	v13 =	vld.idx.msk [tilespmem:v6+s23+$0x0], $0xffff  }
0x199: {  	v2 =	vadd.f32 v3, v2;
	v3 =	vmul.f32 v5, v10;
	v5 =	vld.idx.msk [tilespmem:v6+s24+$0x0], $0xffff;
	v6 =	vor.u32 $0x24, v1  }
0x19a: {  	v10 =	vld.idx.msk [tilespmem:v8+s23+$0x0], $0xffff  }
0x19b: {  	v2 =	vadd.f32 v3, v2;
	v3 =	vmul.f32 v7, v11;
	v7 =	vld.idx.msk [tilespmem:v8+s24+$0x0], $0xffff;
	v8 =	vor.u32 $0x25, v1  }
0x19c: {  	v11 =	vld.idx.msk [tilespmem:v9+s23+$0x0], $0xffff  }
0x19d: {  	v2 =	vadd.f32 v3, v2;
	v3 =	vmul.f32 v4, v12;
	v4 =	vld.idx.msk [tilespmem:v9+s24+$0x0], $0xffff;
	v9 =	vor.u32 $0x26, v1  }
0x19e: {  	v12 =	vld.idx.msk [tilespmem:v6+s23+$0x0], $0xffff  }
0x19f: {  	v2 =	vadd.f32 v3, v2;
	v3 =	vmul.f32 v5, v13;
	v5 =	vld.idx.msk [tilespmem:v6+s24+$0x0], $0xffff;
	v6 =	vor.u32 $0x27, v1  }
0x1a0: {  	v13 =	vld.idx.msk [tilespmem:v8+s23+$0x0], $0xffff  }
0x1a1: {  	v2 =	vadd.f32 v3, v2;
	v3 =	vmul.f32 v7, v10;
	v7 =	vld.idx.msk [tilespmem:v8+s24+$0x0], $0xffff;
	v8 =	vor.u32 $0x28, v1  }
0x1a2: {  	v10 =	vld.idx.msk [tilespmem:v9+s23+$0x0], $0xffff  }
0x1a3: {  	v2 =	vadd.f32 v3, v2;
	v3 =	vmul.f32 v4, v11;
	v4 =	vld.idx.msk [tilespmem:v9+s24+$0x0], $0xffff;
	v9 =	vor.u32 $0x29, v1  }
0x1a4: {  	v11 =	vld.idx.msk [tilespmem:v6+s23+$0x0], $0xffff  }
0x1a5: {  	v2 =	vadd.f32 v3, v2;
	v3 =	vmul.f32 v5, v12;
	v5 =	vld.idx.msk [tilespmem:v6+s24+$0x0], $0xffff;
	v6 =	vor.u32 $0x2A, v1  }
0x1a6: {  	v12 =	vld.idx.msk [tilespmem:v8+s23+$0x0], $0xffff  }
0x1a7: {  	v2 =	vadd.f32 v3, v2;
	v3 =	vmul.f32 v7, v13;
	v7 =	vld.idx.msk [tilespmem:v8+s24+$0x0], $0xffff;
	v8 =	vor.u32 $0x2B, v1  }
0x1a8: {  	v13 =	vld.idx.msk [tilespmem:v9+s23+$0x0], $0xffff  }
0x1a9: {  	v2 =	vadd.f32 v3, v2;
	v3 =	vmul.f32 v4, v10;
	v4 =	vld.idx.msk [tilespmem:v9+s24+$0x0], $0xffff;
	v9 =	vor.u32 $0x2C, v1  }
0x1aa: {  	v10 =	vld.idx.msk [tilespmem:v6+s23+$0x0], $0xffff  }
0x1ab: {  	v2 =	vadd.f32 v3, v2;
	v3 =	vmul.f32 v5, v11;
	v5 =	vld.idx.msk [tilespmem:v6+s24+$0x0], $0xffff;
	v6 =	vor.u32 $0x2D, v1  }
0x1ac: {  	v11 =	vld.idx.msk [tilespmem:v8+s23+$0x0], $0xffff  }
0x1ad: {  	v2 =	vadd.f32 v3, v2;
	v3 =	vmul.f32 v7, v12;
	v7 =	vld.idx.msk [tilespmem:v8+s24+$0x0], $0xffff;
	v8 =	vor.u32 $0x2E, v1  }
0x1ae: {  	v12 =	vld.idx.msk [tilespmem:v9+s23+$0x0], $0xffff  }
0x1af: {  	v2 =	vadd.f32 v3, v2;
	v3 =	vmul.f32 v4, v13;
	v4 =	vld.idx.msk [tilespmem:v9+s24+$0x0], $0xffff;
	v9 =	vor.u32 $0x2F, v1  }
0x1b0: {  	v13 =	vld.idx.msk [tilespmem:v6+s23+$0x0], $0xffff  }
0x1b1: {  	v2 =	vadd.f32 v3, v2;
	v3 =	vmul.f32 v5, v10;
	v5 =	vld.idx.msk [tilespmem:v6+s24+$0x0], $0xffff;
	v6 =	vor.u32 $0x30, v1  }
0x1b2: {  	v10 =	vld.idx.msk [tilespmem:v8+s23+$0x0], $0xffff  }
0x1b3: {  	v2 =	vadd.f32 v3, v2;
	v3 =	vmul.f32 v7, v11;
	v7 =	vld.idx.msk [tilespmem:v8+s24+$0x0], $0xffff;
	v8 =	vor.u32 $0x31, v1  }
0x1b4: {  	v11 =	vld.idx.msk [tilespmem:v9+s23+$0x0], $0xffff  }
0x1b5: {  	v2 =	vadd.f32 v3, v2;
	v3 =	vmul.f32 v4, v12;
	v4 =	vld.idx.msk [tilespmem:v9+s24+$0x0], $0xffff;
	v9 =	vor.u32 $0x32, v1  }
0x1b6: {  	v12 =	vld.idx.msk [tilespmem:v6+s23+$0x0], $0xffff  }
0x1b7: {  	v2 =	vadd.f32 v3, v2;
	v3 =	vmul.f32 v5, v13;
	v5 =	vld.idx.msk [tilespmem:v6+s24+$0x0], $0xffff;
	v6 =	vor.u32 $0x33, v1  }
0x1b8: {  	v13 =	vld.idx.msk [tilespmem:v8+s23+$0x0], $0xffff  }
0x1b9: {  	v2 =	vadd.f32 v3, v2;
	v3 =	vmul.f32 v7, v10;
	v7 =	vld.idx.msk [tilespmem:v8+s24+$0x0], $0xffff;
	v8 =	vor.u32 $0x34, v1  }
0x1ba: {  	v10 =	vld.idx.msk [tilespmem:v9+s23+$0x0], $0xffff  }
0x1bb: {  	v2 =	vadd.f32 v3, v2;
	v3 =	vmul.f32 v4, v11;
	v4 =	vld.idx.msk [tilespmem:v9+s24+$0x0], $0xffff;
	v9 =	vor.u32 $0x35, v1  }
0x1bc: {  	v11 =	vld.idx.msk [tilespmem:v6+s23+$0x0], $0xffff  }
0x1bd: {  	v2 =	vadd.f32 v3, v2;
	v3 =	vmul.f32 v5, v12;
	v5 =	vld.idx.msk [tilespmem:v6+s24+$0x0], $0xffff;
	v6 =	vor.u32 $0x36, v1  }
0x1be: {  	v12 =	vld.idx.msk [tilespmem:v8+s23+$0x0], $0xffff  }
0x1bf: {  	v2 =	vadd.f32 v3, v2;
	v3 =	vmul.f32 v7, v13;
	v7 =	vld.idx.msk [tilespmem:v8+s24+$0x0], $0xffff;
	v8 =	vor.u32 $0x37, v1  }
0x1c0: {  	v13 =	vld.idx.msk [tilespmem:v9+s23+$0x0], $0xffff  }
0x1c1: {  	v2 =	vadd.f32 v3, v2;
	v3 =	vmul.f32 v4, v10;
	v4 =	vld.idx.msk [tilespmem:v9+s24+$0x0], $0xffff;
	v9 =	vor.u32 $0x38, v1  }
0x1c2: {  	v10 =	vld.idx.msk [tilespmem:v6+s23+$0x0], $0xffff  }
0x1c3: {  	v2 =	vadd.f32 v3, v2;
	v3 =	vmul.f32 v5, v11;
	v5 =	vld.idx.msk [tilespmem:v6+s24+$0x0], $0xffff;
	v6 =	vor.u32 $0x39, v1  }
0x1c4: {  	v11 =	vld.idx.msk [tilespmem:v8+s23+$0x0], $0xffff  }
0x1c5: {  	v2 =	vadd.f32 v3, v2;
	v3 =	vmul.f32 v7, v12;
	v7 =	vld.idx.msk [tilespmem:v8+s24+$0x0], $0xffff;
	v8 =	vor.u32 $0x3A, v1  }
0x1c6: {  	v12 =	vld.idx.msk [tilespmem:v9+s23+$0x0], $0xffff  }
0x1c7: {  	v2 =	vadd.f32 v3, v2;
	v3 =	vmul.f32 v4, v13;
	v4 =	vld.idx.msk [tilespmem:v9+s24+$0x0], $0xffff;
	v9 =	vor.u32 $0x3B, v1  }
0x1c8: {  	v13 =	vld.idx.msk [tilespmem:v6+s23+$0x0], $0xffff  }
0x1c9: {  	v2 =	vadd.f32 v3, v2;
	v3 =	vmul.f32 v5, v10;
	v5 =	vld.idx.msk [tilespmem:v6+s24+$0x0], $0xffff;
	v6 =	vor.u32 $0x3C, v1  }
0x1ca: {  	v10 =	vld.idx.msk [tilespmem:v8+s23+$0x0], $0xffff  }
0x1cb: {  	v2 =	vadd.f32 v3, v2;
	v3 =	vmul.f32 v7, v11;
	v7 =	vld.idx.msk [tilespmem:v8+s24+$0x0], $0xffff;
	v8 =	vor.u32 $0x3D, v1  }
0x1cc: {  	v11 =	vld.idx.msk [tilespmem:v9+s23+$0x0], $0xffff  }
0x1cd: {  	v2 =	vadd.f32 v3, v2;
	v3 =	vmul.f32 v4, v12;
	v4 =	vld.idx.msk [tilespmem:v9+s24+$0x0], $0xffff;
	v9 =	vor.u32 $0x3E, v1  }
0x1ce: {  	v12 =	vld.idx.msk [tilespmem:v6+s23+$0x0], $0xffff  }
0x1cf: {  	v1 =	vor.u32 $0x3F, v1;
	v2 =	vadd.f32 v3, v2;
	v3 =	vmul.f32 v5, v13;
	v5 =	vld.idx.msk [tilespmem:v6+s24+$0x0], $0xffff  }
0x1d0: {  	v6 =	vld.idx.msk [tilespmem:v8+s23+$0x0], $0xffff  }
0x1d1: {  	v2 =	vadd.f32 v3, v2;
	v3 =	vmul.f32 v7, v10;
	v7 =	vld.idx.msk [tilespmem:v8+s24+$0x0], $0xffff  }
0x1d2: {  	v8 =	vld.idx.msk [tilespmem:v9+s23+$0x0], $0xffff  }
0x1d3: {  	v3 =	vadd.f32 v3, v2;
	v4 =	vmul.f32 v4, v11;
	v9 =	vld.idx.msk [tilespmem:v9+s24+$0x0], $0xffff  }
0x1d4: {  	v2 =	vld.idx.msk [tilespmem:v1+s23+$0x0], $0xffff  }
0x1d5: {  	v4 =	vadd.f32 v4, v3;
	v5 =	vmul.f32 v5, v12;
	v3 =	vld.idx.msk [tilespmem:v1+s24+$0x0], $0xffff  }
.Ltmp0:
0x1d6: {  	(pc) =	sbr.rel @p0 .LBB2_2-.Ltmp0, $3  }
0x1d7: {  	v1 =	vadd.f32 v5, v4;
	v4 =	vmul.f32 v7, v6;
	_ =	sdelay $0x1  }
0x1d8: {  	v6 =	vmov s1;
	v4 =	vadd.f32 v4, v1;
	v5 =	vmul.f32 v9, v8  }
0x1d9: {  	s1 =	sadd.s32 $0x10, s1;
	v1 =	vshll.u32 v6, $0x7  }
0x1da: {  	v1 =	vor.u32 v0, v1;
	v4 =	vadd.f32 v5, v4;
	v2 =	vmul.f32 v3, v2;
	_ =	sdelay $0x1  }
0x1db: {  	v3 =	vor.u32 $0x1, v1;
	v2 =	vadd.f32 v2, v4  }
0x1dc: {  	s0 =	sadd.s32 $0x10, s0  }
0x1dd: {  	v4 =	vor.u32 $0x2, v1;
	[tilespmem:s0+$0x0] =	vst v2  }
0x1de: {  	v2 =	vld.idx.msk [tilespmem:v1+s24+$0x0], $0xffff  }
0x1df: {  	v6 =	vor.u32 $0x3, v1;
	v5 =	vld.idx.msk [tilespmem:v1+s23+$0x0], $0xffff  }
0x1e0: {  	v7 =	vld.idx.msk [tilespmem:v3+s23+$0x0], $0xffff  }
0x1e1: {  	v8 =	vor.u32 $0x4, v1;
	v3 =	vld.idx.msk [tilespmem:v3+s24+$0x0], $0xffff  }
0x1e2: {  	v9 =	vld.idx.msk [tilespmem:v4+s23+$0x0], $0xffff  }
0x1e3: {  	v10 =	vor.u32 $0x5, v1;
	v4 =	vld.idx.msk [tilespmem:v4+s24+$0x0], $0xffff  }
0x1e4: {  	v11 =	vld.idx.msk [tilespmem:v6+s23+$0x0], $0xffff;
	v2 =	vmul.f32 v2, v5  }
0x1e5: {  	v5 =	vld.idx.msk [tilespmem:v6+s24+$0x0], $0xffff;
	v6 =	vor.u32 $0x6, v1  }
0x1e6: {  	v12 =	vld.idx.msk [tilespmem:v8+s23+$0x0], $0xffff;
	v3 =	vmul.f32 v3, v7;
	v2 =	vadd.f32 $0.0e+00, v2  }
0x1e7: {  	v61 =	vor.u32 $0x7, v1;
	v7 =	vld.idx.msk [tilespmem:v8+s24+$0x0], $0xffff  }
0x1e8: {  	v13 =	vld.idx.msk [tilespmem:v10+s23+$0x0], $0xffff;
	v2 =	vadd.f32 v3, v2;
	v3 =	vmul.f32 v4, v9  }
0x1e9: {  	v62 =	vor.u32 $0x8, v1;
	v4 =	vld.idx.msk [tilespmem:v10+s24+$0x0], $0xffff  }
0x1ea: {  	v63 =	vld.idx.msk [tilespmem:v6+s23+$0x0], $0xffff;
	v2 =	vadd.f32 v3, v2;
	v3 =	vmul.f32 v5, v11  }
0x1eb: {  	v5 =	vld.idx.msk [tilespmem:v6+s24+$0x0], $0xffff;
	v6 =	vor.u32 $0x9, v1  }
0x1ec: {  	v16 =	vld.idx.msk [tilespmem:v61+s23+$0x0], $0xffff;
	v2 =	vadd.f32 v3, v2;
	v3 =	vmul.f32 v7, v12  }
0x1ed: {  	v17 =	vor.u32 $0xA, v1;
	v7 =	vld.idx.msk [tilespmem:v61+s24+$0x0], $0xffff  }
0x1ee: {  	v18 =	vld.idx.msk [tilespmem:v62+s23+$0x0], $0xffff;
	v2 =	vadd.f32 v3, v2;
	v3 =	vmul.f32 v4, v13  }
0x1ef: {  	v19 =	vor.u32 $0xB, v1;
	v4 =	vld.idx.msk [tilespmem:v62+s24+$0x0], $0xffff  }
0x1f0: {  	v20 =	vld.idx.msk [tilespmem:v6+s23+$0x0], $0xffff;
	v2 =	vadd.f32 v3, v2;
	v3 =	vmul.f32 v5, v63  }
0x1f1: {  	v5 =	vld.idx.msk [tilespmem:v6+s24+$0x0], $0xffff;
	v6 =	vor.u32 $0xC, v1  }
0x1f2: {  	v21 =	vld.idx.msk [tilespmem:v17+s23+$0x0], $0xffff;
	v2 =	vadd.f32 v3, v2;
	v3 =	vmul.f32 v7, v16  }
0x1f3: {  	v22 =	vor.u32 $0xD, v1;
	v7 =	vld.idx.msk [tilespmem:v17+s24+$0x0], $0xffff  }
0x1f4: {  	v23 =	vld.idx.msk [tilespmem:v19+s23+$0x0], $0xffff;
	v2 =	vadd.f32 v3, v2;
	v3 =	vmul.f32 v4, v18  }
0x1f5: {  	v24 =	vor.u32 $0xE, v1;
	v4 =	vld.idx.msk [tilespmem:v19+s24+$0x0], $0xffff  }
0x1f6: {  	v25 =	vld.idx.msk [tilespmem:v6+s23+$0x0], $0xffff;
	v2 =	vadd.f32 v3, v2;
	v3 =	vmul.f32 v5, v20  }
0x1f7: {  	v5 =	vld.idx.msk [tilespmem:v6+s24+$0x0], $0xffff;
	v6 =	vor.u32 $0xF, v1  }
0x1f8: {  	v26 =	vld.idx.msk [tilespmem:v22+s23+$0x0], $0xffff;
	v2 =	vadd.f32 v3, v2;
	v3 =	vmul.f32 v7, v21  }
0x1f9: {  	v27 =	vor.u32 $0x10, v1;
	v7 =	vld.idx.msk [tilespmem:v22+s24+$0x0], $0xffff  }
0x1fa: {  	v28 =	vld.idx.msk [tilespmem:v24+s23+$0x0], $0xffff;
	v2 =	vadd.f32 v3, v2;
	v3 =	vmul.f32 v4, v23  }
0x1fb: {  	v29 =	vor.u32 $0x11, v1;
	v4 =	vld.idx.msk [tilespmem:v24+s24+$0x0], $0xffff  }
0x1fc: {  	v30 =	vld.idx.msk [tilespmem:v6+s23+$0x0], $0xffff;
	v2 =	vadd.f32 v3, v2;
	v3 =	vmul.f32 v5, v25  }
0x1fd: {  	v5 =	vld.idx.msk [tilespmem:v6+s24+$0x0], $0xffff;
	v6 =	vor.u32 $0x12, v1  }
0x1fe: {  	v31 =	vld.idx.msk [tilespmem:v27+s23+$0x0], $0xffff;
	v2 =	vadd.f32 v3, v2;
	v3 =	vmul.f32 v7, v26  }
0x1ff: {  	v32 =	vor.u32 $0x13, v1;
	v7 =	vld.idx.msk [tilespmem:v27+s24+$0x0], $0xffff  }
0x200: {  	v33 =	vld.idx.msk [tilespmem:v29+s23+$0x0], $0xffff;
	v2 =	vadd.f32 v3, v2;
	v3 =	vmul.f32 v4, v28  }
0x201: {  	v34 =	vor.u32 $0x14, v1;
	v4 =	vld.idx.msk [tilespmem:v29+s24+$0x0], $0xffff  }
0x202: {  	v35 =	vld.idx.msk [tilespmem:v6+s23+$0x0], $0xffff;
	v2 =	vadd.f32 v3, v2;
	v3 =	vmul.f32 v5, v30  }
0x203: {  	v5 =	vld.idx.msk [tilespmem:v6+s24+$0x0], $0xffff;
	v6 =	vor.u32 $0x15, v1  }
0x204: {  	v36 =	vld.idx.msk [tilespmem:v32+s23+$0x0], $0xffff;
	v2 =	vadd.f32 v3, v2;
	v3 =	vmul.f32 v7, v31  }
0x205: {  	v37 =	vor.u32 $0x16, v1;
	v7 =	vld.idx.msk [tilespmem:v32+s24+$0x0], $0xffff  }
0x206: {  	v38 =	vld.idx.msk [tilespmem:v34+s23+$0x0], $0xffff;
	v2 =	vadd.f32 v3, v2;
	v3 =	vmul.f32 v4, v33  }
0x207: {  	v39 =	vor.u32 $0x17, v1;
	v4 =	vld.idx.msk [tilespmem:v34+s24+$0x0], $0xffff  }
0x208: {  	v40 =	vld.idx.msk [tilespmem:v6+s23+$0x0], $0xffff;
	v2 =	vadd.f32 v3, v2;
	v3 =	vmul.f32 v5, v35  }
0x209: {  	v5 =	vld.idx.msk [tilespmem:v6+s24+$0x0], $0xffff;
	v6 =	vor.u32 $0x18, v1  }
0x20a: {  	v41 =	vld.idx.msk [tilespmem:v37+s23+$0x0], $0xffff;
	v2 =	vadd.f32 v3, v2;
	v3 =	vmul.f32 v7, v36  }
0x20b: {  	v42 =	vor.u32 $0x19, v1;
	v7 =	vld.idx.msk [tilespmem:v37+s24+$0x0], $0xffff  }
0x20c: {  	v43 =	vld.idx.msk [tilespmem:v39+s23+$0x0], $0xffff;
	v2 =	vadd.f32 v3, v2;
	v3 =	vmul.f32 v4, v38  }
0x20d: {  	v44 =	vor.u32 $0x1A, v1;
	v4 =	vld.idx.msk [tilespmem:v39+s24+$0x0], $0xffff  }
0x20e: {  	v45 =	vld.idx.msk [tilespmem:v6+s23+$0x0], $0xffff;
	v2 =	vadd.f32 v3, v2;
	v3 =	vmul.f32 v5, v40  }
0x20f: {  	v5 =	vld.idx.msk [tilespmem:v6+s24+$0x0], $0xffff;
	v6 =	vor.u32 $0x1B, v1  }
0x210: {  	v46 =	vld.idx.msk [tilespmem:v42+s23+$0x0], $0xffff;
	v2 =	vadd.f32 v3, v2;
	v3 =	vmul.f32 v7, v41  }
0x211: {  	v47 =	vor.u32 $0x1C, v1;
	v7 =	vld.idx.msk [tilespmem:v42+s24+$0x0], $0xffff  }
0x212: {  	v48 =	vld.idx.msk [tilespmem:v44+s23+$0x0], $0xffff;
	v2 =	vadd.f32 v3, v2;
	v3 =	vmul.f32 v4, v43  }
0x213: {  	v49 =	vor.u32 $0x1D, v1;
	v4 =	vld.idx.msk [tilespmem:v44+s24+$0x0], $0xffff  }
0x214: {  	v50 =	vld.idx.msk [tilespmem:v6+s23+$0x0], $0xffff;
	v2 =	vadd.f32 v3, v2;
	v3 =	vmul.f32 v5, v45  }
0x215: {  	v5 =	vld.idx.msk [tilespmem:v6+s24+$0x0], $0xffff;
	v6 =	vor.u32 $0x1E, v1  }
0x216: {  	v51 =	vld.idx.msk [tilespmem:v47+s23+$0x0], $0xffff;
	v2 =	vadd.f32 v3, v2;
	v3 =	vmul.f32 v7, v46  }
0x217: {  	v52 =	vor.u32 $0x1F, v1;
	v7 =	vld.idx.msk [tilespmem:v47+s24+$0x0], $0xffff  }
0x218: {  	v53 =	vld.idx.msk [tilespmem:v49+s23+$0x0], $0xffff;
	v2 =	vadd.f32 v3, v2;
	v3 =	vmul.f32 v4, v48  }
0x219: {  	v54 =	vor.u32 $0x20, v1;
	v4 =	vld.idx.msk [tilespmem:v49+s24+$0x0], $0xffff  }
0x21a: {  	v55 =	vld.idx.msk [tilespmem:v6+s23+$0x0], $0xffff;
	v2 =	vadd.f32 v3, v2;
	v3 =	vmul.f32 v5, v50  }
0x21b: {  	v5 =	vld.idx.msk [tilespmem:v6+s24+$0x0], $0xffff;
	v6 =	vor.u32 $0x21, v1  }
0x21c: {  	v56 =	vld.idx.msk [tilespmem:v52+s23+$0x0], $0xffff;
	v2 =	vadd.f32 v3, v2;
	v3 =	vmul.f32 v7, v51  }
0x21d: {  	v57 =	vor.u32 $0x22, v1;
	v7 =	vld.idx.msk [tilespmem:v52+s24+$0x0], $0xffff  }
0x21e: {  	v58 =	vld.idx.msk [tilespmem:v54+s23+$0x0], $0xffff;
	v2 =	vadd.f32 v3, v2;
	v3 =	vmul.f32 v4, v53  }
0x21f: {  	v59 =	vor.u32 $0x23, v1;
	v4 =	vld.idx.msk [tilespmem:v54+s24+$0x0], $0xffff  }
0x220: {  	v60 =	vld.idx.msk [tilespmem:v6+s23+$0x0], $0xffff;
	v2 =	vadd.f32 v3, v2;
	v3 =	vmul.f32 v5, v55  }
0x221: {  	v5 =	vld.idx.msk [tilespmem:v6+s24+$0x0], $0xffff;
	v6 =	vor.u32 $0x24, v1  }
0x222: {  	v61 =	vld.idx.msk [tilespmem:v57+s23+$0x0], $0xffff;
	v2 =	vadd.f32 v3, v2;
	v3 =	vmul.f32 v7, v56  }
0x223: {  	v62 =	vor.u32 $0x25, v1;
	v7 =	vld.idx.msk [tilespmem:v57+s24+$0x0], $0xffff  }
0x224: {  	v63 =	vld.idx.msk [tilespmem:v59+s23+$0x0], $0xffff;
	v2 =	vadd.f32 v3, v2;
	v3 =	vmul.f32 v4, v58  }
0x225: {  	v16 =	vor.u32 $0x26, v1;
	v4 =	vld.idx.msk [tilespmem:v59+s24+$0x0], $0xffff  }
0x226: {  	v17 =	vld.idx.msk [tilespmem:v6+s23+$0x0], $0xffff;
	v2 =	vadd.f32 v3, v2;
	v3 =	vmul.f32 v5, v60  }
0x227: {  	v5 =	vld.idx.msk [tilespmem:v6+s24+$0x0], $0xffff;
	v6 =	vor.u32 $0x27, v1  }
0x228: {  	v18 =	vld.idx.msk [tilespmem:v62+s23+$0x0], $0xffff;
	v2 =	vadd.f32 v3, v2;
	v3 =	vmul.f32 v7, v61  }
0x229: {  	v19 =	vor.u32 $0x28, v1;
	v7 =	vld.idx.msk [tilespmem:v62+s24+$0x0], $0xffff  }
0x22a: {  	v20 =	vld.idx.msk [tilespmem:v16+s23+$0x0], $0xffff;
	v2 =	vadd.f32 v3, v2;
	v3 =	vmul.f32 v4, v63  }
0x22b: {  	v21 =	vor.u32 $0x29, v1;
	v4 =	vld.idx.msk [tilespmem:v16+s24+$0x0], $0xffff  }
0x22c: {  	v22 =	vld.idx.msk [tilespmem:v6+s23+$0x0], $0xffff;
	v2 =	vadd.f32 v3, v2;
	v3 =	vmul.f32 v5, v17  }
0x22d: {  	v5 =	vld.idx.msk [tilespmem:v6+s24+$0x0], $0xffff;
	v6 =	vor.u32 $0x2A, v1  }
0x22e: {  	v23 =	vld.idx.msk [tilespmem:v19+s23+$0x0], $0xffff;
	v2 =	vadd.f32 v3, v2;
	v3 =	vmul.f32 v7, v18  }
0x22f: {  	v24 =	vor.u32 $0x2B, v1;
	v7 =	vld.idx.msk [tilespmem:v19+s24+$0x0], $0xffff  }
0x230: {  	v25 =	vld.idx.msk [tilespmem:v21+s23+$0x0], $0xffff;
	v2 =	vadd.f32 v3, v2;
	v3 =	vmul.f32 v4, v20  }
0x231: {  	v26 =	vor.u32 $0x2C, v1;
	v4 =	vld.idx.msk [tilespmem:v21+s24+$0x0], $0xffff  }
0x232: {  	v27 =	vld.idx.msk [tilespmem:v6+s23+$0x0], $0xffff;
	v2 =	vadd.f32 v3, v2;
	v3 =	vmul.f32 v5, v22  }
0x233: {  	v5 =	vld.idx.msk [tilespmem:v6+s24+$0x0], $0xffff;
	v6 =	vor.u32 $0x2D, v1  }
0x234: {  	v28 =	vld.idx.msk [tilespmem:v24+s23+$0x0], $0xffff;
	v2 =	vadd.f32 v3, v2;
	v3 =	vmul.f32 v7, v23  }
0x235: {  	v29 =	vor.u32 $0x2E, v1;
	v7 =	vld.idx.msk [tilespmem:v24+s24+$0x0], $0xffff  }
0x236: {  	v30 =	vld.idx.msk [tilespmem:v26+s23+$0x0], $0xffff;
	v2 =	vadd.f32 v3, v2;
	v3 =	vmul.f32 v4, v25  }
0x237: {  	v31 =	vor.u32 $0x2F, v1;
	v4 =	vld.idx.msk [tilespmem:v26+s24+$0x0], $0xffff  }
0x238: {  	v32 =	vld.idx.msk [tilespmem:v6+s23+$0x0], $0xffff;
	v2 =	vadd.f32 v3, v2;
	v3 =	vmul.f32 v5, v27  }
0x239: {  	v5 =	vld.idx.msk [tilespmem:v6+s24+$0x0], $0xffff;
	v6 =	vor.u32 $0x30, v1  }
0x23a: {  	v33 =	vld.idx.msk [tilespmem:v29+s23+$0x0], $0xffff;
	v2 =	vadd.f32 v3, v2;
	v3 =	vmul.f32 v7, v28  }
0x23b: {  	v34 =	vor.u32 $0x31, v1;
	v7 =	vld.idx.msk [tilespmem:v29+s24+$0x0], $0xffff  }
0x23c: {  	v35 =	vld.idx.msk [tilespmem:v31+s23+$0x0], $0xffff;
	v2 =	vadd.f32 v3, v2;
	v3 =	vmul.f32 v4, v30  }
0x23d: {  	v36 =	vor.u32 $0x32, v1;
	v4 =	vld.idx.msk [tilespmem:v31+s24+$0x0], $0xffff  }
0x23e: {  	v37 =	vld.idx.msk [tilespmem:v6+s23+$0x0], $0xffff;
	v2 =	vadd.f32 v3, v2;
	v3 =	vmul.f32 v5, v32  }
0x23f: {  	v5 =	vld.idx.msk [tilespmem:v6+s24+$0x0], $0xffff;
	v6 =	vor.u32 $0x33, v1  }
0x240: {  	v38 =	vld.idx.msk [tilespmem:v34+s23+$0x0], $0xffff;
	v2 =	vadd.f32 v3, v2;
	v3 =	vmul.f32 v7, v33  }
0x241: {  	v39 =	vor.u32 $0x34, v1;
	v7 =	vld.idx.msk [tilespmem:v34+s24+$0x0], $0xffff  }
0x242: {  	v40 =	vld.idx.msk [tilespmem:v36+s23+$0x0], $0xffff;
	v2 =	vadd.f32 v3, v2;
	v3 =	vmul.f32 v4, v35  }
0x243: {  	v41 =	vor.u32 $0x35, v1;
	v4 =	vld.idx.msk [tilespmem:v36+s24+$0x0], $0xffff  }
0x244: {  	v42 =	vld.idx.msk [tilespmem:v6+s23+$0x0], $0xffff;
	v2 =	vadd.f32 v3, v2;
	v3 =	vmul.f32 v5, v37  }
0x245: {  	v5 =	vld.idx.msk [tilespmem:v6+s24+$0x0], $0xffff;
	v6 =	vor.u32 $0x36, v1  }
0x246: {  	v43 =	vld.idx.msk [tilespmem:v39+s23+$0x0], $0xffff;
	v2 =	vadd.f32 v3, v2;
	v3 =	vmul.f32 v7, v38  }
0x247: {  	v44 =	vor.u32 $0x37, v1;
	v7 =	vld.idx.msk [tilespmem:v39+s24+$0x0], $0xffff  }
0x248: {  	v45 =	vld.idx.msk [tilespmem:v41+s23+$0x0], $0xffff;
	v2 =	vadd.f32 v3, v2;
	v3 =	vmul.f32 v4, v40  }
0x249: {  	v46 =	vor.u32 $0x38, v1;
	v4 =	vld.idx.msk [tilespmem:v41+s24+$0x0], $0xffff  }
0x24a: {  	v47 =	vld.idx.msk [tilespmem:v6+s23+$0x0], $0xffff;
	v2 =	vadd.f32 v3, v2;
	v3 =	vmul.f32 v5, v42  }
0x24b: {  	v5 =	vld.idx.msk [tilespmem:v6+s24+$0x0], $0xffff;
	v6 =	vor.u32 $0x39, v1  }
0x24c: {  	v48 =	vld.idx.msk [tilespmem:v44+s23+$0x0], $0xffff;
	v2 =	vadd.f32 v3, v2;
	v3 =	vmul.f32 v7, v43  }
0x24d: {  	v49 =	vor.u32 $0x3A, v1;
	v7 =	vld.idx.msk [tilespmem:v44+s24+$0x0], $0xffff  }
0x24e: {  	v50 =	vld.idx.msk [tilespmem:v46+s23+$0x0], $0xffff;
	v2 =	vadd.f32 v3, v2;
	v3 =	vmul.f32 v4, v45  }
0x24f: {  	v51 =	vor.u32 $0x3B, v1;
	v4 =	vld.idx.msk [tilespmem:v46+s24+$0x0], $0xffff  }
0x250: {  	v52 =	vld.idx.msk [tilespmem:v6+s23+$0x0], $0xffff;
	v2 =	vadd.f32 v3, v2;
	v3 =	vmul.f32 v5, v47  }
0x251: {  	v5 =	vld.idx.msk [tilespmem:v6+s24+$0x0], $0xffff;
	v6 =	vor.u32 $0x3C, v1  }
0x252: {  	v53 =	vld.idx.msk [tilespmem:v49+s23+$0x0], $0xffff;
	v2 =	vadd.f32 v3, v2;
	v3 =	vmul.f32 v7, v48  }
0x253: {  	v54 =	vor.u32 $0x3D, v1;
	v7 =	vld.idx.msk [tilespmem:v49+s24+$0x0], $0xffff  }
0x254: {  	v55 =	vld.idx.msk [tilespmem:v51+s23+$0x0], $0xffff;
	v2 =	vadd.f32 v3, v2;
	v3 =	vmul.f32 v4, v50  }
0x255: {  	v56 =	vor.u32 $0x3E, v1;
	v4 =	vld.idx.msk [tilespmem:v51+s24+$0x0], $0xffff  }
0x256: {  	v57 =	vld.idx.msk [tilespmem:v6+s23+$0x0], $0xffff;
	v2 =	vadd.f32 v3, v2;
	v3 =	vmul.f32 v5, v52  }
0x257: {  	v1 =	vor.u32 $0x3F, v1;
	v5 =	vld.idx.msk [tilespmem:v6+s24+$0x0], $0xffff  }
0x258: {  	v6 =	vld.idx.msk [tilespmem:v54+s23+$0x0], $0xffff;
	v2 =	vadd.f32 v3, v2;
	v3 =	vmul.f32 v7, v53  }
0x259: {  	v7 =	vld.idx.msk [tilespmem:v54+s24+$0x0], $0xffff  }
0x25a: {  	v58 =	vld.idx.msk [tilespmem:v56+s23+$0x0], $0xffff;
	v2 =	vadd.f32 v3, v2;
	v3 =	vmul.f32 v4, v55  }
0x25b: {  	v4 =	vld.idx.msk [tilespmem:v56+s24+$0x0], $0xffff  }
0x25c: {  	v59 =	vld.idx.msk [tilespmem:v1+s23+$0x0], $0xffff;
	v2 =	vadd.f32 v3, v2;
	v3 =	vmul.f32 v5, v57  }
0x25d: {  	v1 =	vld.idx.msk [tilespmem:v1+s24+$0x0], $0xffff  }
0x25e: {  	v2 =	vadd.f32 v3, v2;
	v3 =	vmul.f32 v7, v6;
	_ =	sdelay $0x1  }
0x25f: {  	v2 =	vadd.f32 v3, v2;
	v3 =	vmul.f32 v4, v58;
	_ =	sdelay $0x1  }
0x260: {  	v1 =	vmul.f32 v1, v59;
	v2 =	vadd.f32 v3, v2;
	_ =	sdelay $0x1  }
0x261: {  	v1 =	vadd.f32 v1, v2  }
0x262: {  	s0 =	sadd.s32 $0x10, s0  }
0x263: {  	[tilespmem:s0+$0x0] =	vst v1  }
0x264: {  	[tilespmem:s23], [sflag:$0x1] =	stream.indirect.gather [hbm4b:s3+s17], $0x80, s19, s17, $0xb8;
	[tilespmem:$0x10600] =	vst v63  }
0x265: {  	_ = 	snop  }
0x266: {  	[tilespmem:s24], [sflag:$0x1] =	stream.indirect.gather [hbm4b:s4+s17], $0x80, s20, s17, $0xb8;
	[tilespmem:$0x10600] =	vst v63  }
0x267: {  	_ = 	snop  }
0x268: {  	[tilespmem:s25], [sflag:$0x1] =	stream.indirect.gather [hbm4b:s3+s17], $0x80, s21, s17, $0xb8;
	[tilespmem:$0x10600] =	vst v63  }
0x269: {  	_ = 	snop  }
0x26a: {  	[tilespmem:s26], [sflag:$0x1] =	stream.indirect.gather [hbm4b:s4+s17], $0x80, s22, s17, $0xb8;
	[tilespmem:$0x10600] =	vst v63  }
0x26b: {  	_ =	swait.ge [sflag:s28], $0x4000  }
0x26c: {  	[sflag:s28] =	ssyncset.done $0x0  }
0x26d: {  	[sflag:s28] =	ssyncadd.s32 $0xFFFFC000  }
0x26e: {  	_ =	swait.ge [sflag:s28], $0x4000  }
0x26f: {  	s31 =	simm.s32 $0x0;
	[sflag:s28] =	ssyncset.done $0x0  }
0x270: {  	v1 =	vmov s31;
	[sflag:s28] =	ssyncadd.s32 $0xFFFFC000  }
0x271: {  	v1 =	vshll.u32 v1, $0x7;
	_ =	swait.ge [sflag:s28], $0x4000  }
0x272: {  	v1 =	vor.u32 v0, v1;
	[sflag:s28] =	ssyncset.done $0x0  }
0x273: {  	[sflag:s28] =	ssyncadd.s32 $0xFFFFC000  }
0x274: {  	v2 =	vor.u32 $0x1, v1;
	_ =	swait.ge [sflag:s28], $0x4000  }
0x275: {  	[sflag:s28] =	ssyncset.done $0x0  }
0x276: {  	v3 =	vor.u32 $0x2, v1;
	[sflag:s28] =	ssyncadd.s32 $0xFFFFC000  }
0x277: {  	v4 =	vld.idx.msk [tilespmem:v1+s24+$0x0], $0xffff  }
0x278: {  	v6 =	vor.u32 $0x3, v1;
	v5 =	vld.idx.msk [tilespmem:v1+s23+$0x0], $0xffff  }
0x279: {  	v7 =	vld.idx.msk [tilespmem:v2+s23+$0x0], $0xffff  }
0x27a: {  	v60 =	vor.u32 $0x4, v1;
	v2 =	vld.idx.msk [tilespmem:v2+s24+$0x0], $0xffff  }
0x27b: {  	v61 =	vld.idx.msk [tilespmem:v3+s23+$0x0], $0xffff  }
0x27c: {  	v62 =	vor.u32 $0x5, v1;
	v3 =	vld.idx.msk [tilespmem:v3+s24+$0x0], $0xffff  }
0x27d: {  	v63 =	vld.idx.msk [tilespmem:v6+s23+$0x0], $0xffff;
	v4 =	vmul.f32 v4, v5  }
0x27e: {  	v5 =	vld.idx.msk [tilespmem:v6+s24+$0x0], $0xffff;
	v6 =	vor.u32 $0x6, v1  }
0x27f: {  	v16 =	vld.idx.msk [tilespmem:v60+s23+$0x0], $0xffff;
	v2 =	vmul.f32 v2, v7;
	v4 =	vadd.f32 $0.0e+00, v4  }
0x280: {  	v17 =	vor.u32 $0x7, v1;
	v7 =	vld.idx.msk [tilespmem:v60+s24+$0x0], $0xffff  }
0x281: {  	v18 =	vld.idx.msk [tilespmem:v62+s23+$0x0], $0xffff;
	v3 =	vmul.f32 v3, v61;
	v2 =	vadd.f32 v2, v4  }
0x282: {  	v19 =	vor.u32 $0x8, v1;
	v4 =	vld.idx.msk [tilespmem:v62+s24+$0x0], $0xffff  }
0x283: {  	v20 =	vld.idx.msk [tilespmem:v6+s23+$0x0], $0xffff;
	v2 =	vadd.f32 v3, v2;
	v3 =	vmul.f32 v5, v63  }
0x284: {  	v5 =	vld.idx.msk [tilespmem:v6+s24+$0x0], $0xffff;
	v6 =	vor.u32 $0x9, v1  }
0x285: {  	v21 =	vld.idx.msk [tilespmem:v17+s23+$0x0], $0xffff;
	v2 =	vadd.f32 v3, v2;
	v3 =	vmul.f32 v7, v16  }
0x286: {  	v22 =	vor.u32 $0xA, v1;
	v7 =	vld.idx.msk [tilespmem:v17+s24+$0x0], $0xffff  }
0x287: {  	v23 =	vld.idx.msk [tilespmem:v19+s23+$0x0], $0xffff;
	v2 =	vadd.f32 v3, v2;
	v3 =	vmul.f32 v4, v18  }
0x288: {  	v24 =	vor.u32 $0xB, v1;
	v4 =	vld.idx.msk [tilespmem:v19+s24+$0x0], $0xffff  }
0x289: {  	v25 =	vld.idx.msk [tilespmem:v6+s23+$0x0], $0xffff;
	v2 =	vadd.f32 v3, v2;
	v3 =	vmul.f32 v5, v20  }
0x28a: {  	v5 =	vld.idx.msk [tilespmem:v6+s24+$0x0], $0xffff;
	v6 =	vor.u32 $0xC, v1  }
0x28b: {  	v26 =	vld.idx.msk [tilespmem:v22+s23+$0x0], $0xffff;
	v2 =	vadd.f32 v3, v2;
	v3 =	vmul.f32 v7, v21  }
0x28c: {  	v27 =	vor.u32 $0xD, v1;
	v7 =	vld.idx.msk [tilespmem:v22+s24+$0x0], $0xffff  }
0x28d: {  	v28 =	vld.idx.msk [tilespmem:v24+s23+$0x0], $0xffff;
	v2 =	vadd.f32 v3, v2;
	v3 =	vmul.f32 v4, v23  }
0x28e: {  	v29 =	vor.u32 $0xE, v1;
	v4 =	vld.idx.msk [tilespmem:v24+s24+$0x0], $0xffff  }
0x28f: {  	v30 =	vld.idx.msk [tilespmem:v6+s23+$0x0], $0xffff;
	v2 =	vadd.f32 v3, v2;
	v3 =	vmul.f32 v5, v25  }
0x290: {  	v5 =	vld.idx.msk [tilespmem:v6+s24+$0x0], $0xffff;
	v6 =	vor.u32 $0xF, v1  }
0x291: {  	v31 =	vld.idx.msk [tilespmem:v27+s23+$0x0], $0xffff;
	v2 =	vadd.f32 v3, v2;
	v3 =	vmul.f32 v7, v26  }
0x292: {  	v32 =	vor.u32 $0x10, v1;
	v7 =	vld.idx.msk [tilespmem:v27+s24+$0x0], $0xffff  }
0x293: {  	v33 =	vld.idx.msk [tilespmem:v29+s23+$0x0], $0xffff;
	v2 =	vadd.f32 v3, v2;
	v3 =	vmul.f32 v4, v28  }
0x294: {  	v34 =	vor.u32 $0x11, v1;
	v4 =	vld.idx.msk [tilespmem:v29+s24+$0x0], $0xffff  }
0x295: {  	v35 =	vld.idx.msk [tilespmem:v6+s23+$0x0], $0xffff;
	v2 =	vadd.f32 v3, v2;
	v3 =	vmul.f32 v5, v30  }
0x296: {  	v5 =	vld.idx.msk [tilespmem:v6+s24+$0x0], $0xffff;
	v6 =	vor.u32 $0x12, v1  }
0x297: {  	v36 =	vld.idx.msk [tilespmem:v32+s23+$0x0], $0xffff;
	v2 =	vadd.f32 v3, v2;
	v3 =	vmul.f32 v7, v31  }
0x298: {  	v37 =	vor.u32 $0x13, v1;
	v7 =	vld.idx.msk [tilespmem:v32+s24+$0x0], $0xffff  }
0x299: {  	v38 =	vld.idx.msk [tilespmem:v34+s23+$0x0], $0xffff;
	v2 =	vadd.f32 v3, v2;
	v3 =	vmul.f32 v4, v33  }
0x29a: {  	v39 =	vor.u32 $0x14, v1;
	v4 =	vld.idx.msk [tilespmem:v34+s24+$0x0], $0xffff  }
0x29b: {  	v40 =	vld.idx.msk [tilespmem:v6+s23+$0x0], $0xffff;
	v2 =	vadd.f32 v3, v2;
	v3 =	vmul.f32 v5, v35  }
0x29c: {  	v5 =	vld.idx.msk [tilespmem:v6+s24+$0x0], $0xffff;
	v6 =	vor.u32 $0x15, v1  }
0x29d: {  	v41 =	vld.idx.msk [tilespmem:v37+s23+$0x0], $0xffff;
	v2 =	vadd.f32 v3, v2;
	v3 =	vmul.f32 v7, v36  }
0x29e: {  	v42 =	vor.u32 $0x16, v1;
	v7 =	vld.idx.msk [tilespmem:v37+s24+$0x0], $0xffff  }
0x29f: {  	v43 =	vld.idx.msk [tilespmem:v39+s23+$0x0], $0xffff;
	v2 =	vadd.f32 v3, v2;
	v3 =	vmul.f32 v4, v38  }
0x2a0: {  	v44 =	vor.u32 $0x17, v1;
	v4 =	vld.idx.msk [tilespmem:v39+s24+$0x0], $0xffff  }
0x2a1: {  	v45 =	vld.idx.msk [tilespmem:v6+s23+$0x0], $0xffff;
	v2 =	vadd.f32 v3, v2;
	v3 =	vmul.f32 v5, v40  }
0x2a2: {  	v5 =	vld.idx.msk [tilespmem:v6+s24+$0x0], $0xffff;
	v6 =	vor.u32 $0x18, v1  }
0x2a3: {  	v46 =	vld.idx.msk [tilespmem:v42+s23+$0x0], $0xffff;
	v2 =	vadd.f32 v3, v2;
	v3 =	vmul.f32 v7, v41  }
0x2a4: {  	v47 =	vor.u32 $0x19, v1;
	v7 =	vld.idx.msk [tilespmem:v42+s24+$0x0], $0xffff  }
0x2a5: {  	v48 =	vld.idx.msk [tilespmem:v44+s23+$0x0], $0xffff;
	v2 =	vadd.f32 v3, v2;
	v3 =	vmul.f32 v4, v43  }
0x2a6: {  	v49 =	vor.u32 $0x1A, v1;
	v4 =	vld.idx.msk [tilespmem:v44+s24+$0x0], $0xffff  }
0x2a7: {  	v50 =	vld.idx.msk [tilespmem:v6+s23+$0x0], $0xffff;
	v2 =	vadd.f32 v3, v2;
	v3 =	vmul.f32 v5, v45  }
0x2a8: {  	v5 =	vld.idx.msk [tilespmem:v6+s24+$0x0], $0xffff;
	v6 =	vor.u32 $0x1B, v1  }
0x2a9: {  	v51 =	vld.idx.msk [tilespmem:v47+s23+$0x0], $0xffff;
	v2 =	vadd.f32 v3, v2;
	v3 =	vmul.f32 v7, v46  }
0x2aa: {  	v52 =	vor.u32 $0x1C, v1;
	v7 =	vld.idx.msk [tilespmem:v47+s24+$0x0], $0xffff  }
0x2ab: {  	v53 =	vld.idx.msk [tilespmem:v49+s23+$0x0], $0xffff;
	v2 =	vadd.f32 v3, v2;
	v3 =	vmul.f32 v4, v48  }
0x2ac: {  	v54 =	vor.u32 $0x1D, v1;
	v4 =	vld.idx.msk [tilespmem:v49+s24+$0x0], $0xffff  }
0x2ad: {  	v55 =	vld.idx.msk [tilespmem:v6+s23+$0x0], $0xffff;
	v2 =	vadd.f32 v3, v2;
	v3 =	vmul.f32 v5, v50  }
0x2ae: {  	v5 =	vld.idx.msk [tilespmem:v6+s24+$0x0], $0xffff;
	v6 =	vor.u32 $0x1E, v1  }
0x2af: {  	v56 =	vld.idx.msk [tilespmem:v52+s23+$0x0], $0xffff;
	v2 =	vadd.f32 v3, v2;
	v3 =	vmul.f32 v7, v51  }
0x2b0: {  	v57 =	vor.u32 $0x1F, v1;
	v7 =	vld.idx.msk [tilespmem:v52+s24+$0x0], $0xffff  }
0x2b1: {  	v58 =	vld.idx.msk [tilespmem:v54+s23+$0x0], $0xffff;
	v2 =	vadd.f32 v3, v2;
	v3 =	vmul.f32 v4, v53  }
0x2b2: {  	v59 =	vor.u32 $0x20, v1;
	v4 =	vld.idx.msk [tilespmem:v54+s24+$0x0], $0xffff  }
0x2b3: {  	v60 =	vld.idx.msk [tilespmem:v6+s23+$0x0], $0xffff;
	v2 =	vadd.f32 v3, v2;
	v3 =	vmul.f32 v5, v55  }
0x2b4: {  	v5 =	vld.idx.msk [tilespmem:v6+s24+$0x0], $0xffff;
	v6 =	vor.u32 $0x21, v1  }
0x2b5: {  	v61 =	vld.idx.msk [tilespmem:v57+s23+$0x0], $0xffff;
	v2 =	vadd.f32 v3, v2;
	v3 =	vmul.f32 v7, v56  }
0x2b6: {  	v62 =	vor.u32 $0x22, v1;
	v7 =	vld.idx.msk [tilespmem:v57+s24+$0x0], $0xffff  }
0x2b7: {  	v63 =	vld.idx.msk [tilespmem:v59+s23+$0x0], $0xffff;
	v2 =	vadd.f32 v3, v2;
	v3 =	vmul.f32 v4, v58  }
0x2b8: {  	v16 =	vor.u32 $0x23, v1;
	v4 =	vld.idx.msk [tilespmem:v59+s24+$0x0], $0xffff  }
0x2b9: {  	v17 =	vld.idx.msk [tilespmem:v6+s23+$0x0], $0xffff;
	v2 =	vadd.f32 v3, v2;
	v3 =	vmul.f32 v5, v60  }
0x2ba: {  	v5 =	vld.idx.msk [tilespmem:v6+s24+$0x0], $0xffff;
	v6 =	vor.u32 $0x24, v1  }
0x2bb: {  	v18 =	vld.idx.msk [tilespmem:v62+s23+$0x0], $0xffff;
	v2 =	vadd.f32 v3, v2;
	v3 =	vmul.f32 v7, v61  }
0x2bc: {  	v19 =	vor.u32 $0x25, v1;
	v7 =	vld.idx.msk [tilespmem:v62+s24+$0x0], $0xffff  }
0x2bd: {  	v20 =	vld.idx.msk [tilespmem:v16+s23+$0x0], $0xffff;
	v2 =	vadd.f32 v3, v2;
	v3 =	vmul.f32 v4, v63  }
0x2be: {  	v21 =	vor.u32 $0x26, v1;
	v4 =	vld.idx.msk [tilespmem:v16+s24+$0x0], $0xffff  }
0x2bf: {  	v22 =	vld.idx.msk [tilespmem:v6+s23+$0x0], $0xffff;
	v2 =	vadd.f32 v3, v2;
	v3 =	vmul.f32 v5, v17  }
0x2c0: {  	v5 =	vld.idx.msk [tilespmem:v6+s24+$0x0], $0xffff;
	v6 =	vor.u32 $0x27, v1  }
0x2c1: {  	v23 =	vld.idx.msk [tilespmem:v19+s23+$0x0], $0xffff;
	v2 =	vadd.f32 v3, v2;
	v3 =	vmul.f32 v7, v18  }
0x2c2: {  	v24 =	vor.u32 $0x28, v1;
	v7 =	vld.idx.msk [tilespmem:v19+s24+$0x0], $0xffff  }
0x2c3: {  	v25 =	vld.idx.msk [tilespmem:v21+s23+$0x0], $0xffff;
	v2 =	vadd.f32 v3, v2;
	v3 =	vmul.f32 v4, v20  }
0x2c4: {  	v26 =	vor.u32 $0x29, v1;
	v4 =	vld.idx.msk [tilespmem:v21+s24+$0x0], $0xffff  }
0x2c5: {  	v27 =	vld.idx.msk [tilespmem:v6+s23+$0x0], $0xffff;
	v2 =	vadd.f32 v3, v2;
	v3 =	vmul.f32 v5, v22  }
0x2c6: {  	v5 =	vld.idx.msk [tilespmem:v6+s24+$0x0], $0xffff;
	v6 =	vor.u32 $0x2A, v1  }
0x2c7: {  	v28 =	vld.idx.msk [tilespmem:v24+s23+$0x0], $0xffff;
	v2 =	vadd.f32 v3, v2;
	v3 =	vmul.f32 v7, v23  }
0x2c8: {  	v29 =	vor.u32 $0x2B, v1;
	v7 =	vld.idx.msk [tilespmem:v24+s24+$0x0], $0xffff  }
0x2c9: {  	v30 =	vld.idx.msk [tilespmem:v26+s23+$0x0], $0xffff;
	v2 =	vadd.f32 v3, v2;
	v3 =	vmul.f32 v4, v25  }
0x2ca: {  	v31 =	vor.u32 $0x2C, v1;
	v4 =	vld.idx.msk [tilespmem:v26+s24+$0x0], $0xffff  }
0x2cb: {  	v32 =	vld.idx.msk [tilespmem:v6+s23+$0x0], $0xffff;
	v2 =	vadd.f32 v3, v2;
	v3 =	vmul.f32 v5, v27  }
0x2cc: {  	v5 =	vld.idx.msk [tilespmem:v6+s24+$0x0], $0xffff;
	v6 =	vor.u32 $0x2D, v1  }
0x2cd: {  	v33 =	vld.idx.msk [tilespmem:v29+s23+$0x0], $0xffff;
	v2 =	vadd.f32 v3, v2;
	v3 =	vmul.f32 v7, v28  }
0x2ce: {  	v34 =	vor.u32 $0x2E, v1;
	v7 =	vld.idx.msk [tilespmem:v29+s24+$0x0], $0xffff  }
0x2cf: {  	v35 =	vld.idx.msk [tilespmem:v31+s23+$0x0], $0xffff;
	v2 =	vadd.f32 v3, v2;
	v3 =	vmul.f32 v4, v30  }
0x2d0: {  	v36 =	vor.u32 $0x2F, v1;
	v4 =	vld.idx.msk [tilespmem:v31+s24+$0x0], $0xffff  }
0x2d1: {  	v37 =	vld.idx.msk [tilespmem:v6+s23+$0x0], $0xffff;
	v2 =	vadd.f32 v3, v2;
	v3 =	vmul.f32 v5, v32  }
0x2d2: {  	v5 =	vld.idx.msk [tilespmem:v6+s24+$0x0], $0xffff;
	v6 =	vor.u32 $0x30, v1  }
0x2d3: {  	v38 =	vld.idx.msk [tilespmem:v34+s23+$0x0], $0xffff;
	v2 =	vadd.f32 v3, v2;
	v3 =	vmul.f32 v7, v33  }
0x2d4: {  	v39 =	vor.u32 $0x31, v1;
	v7 =	vld.idx.msk [tilespmem:v34+s24+$0x0], $0xffff  }
0x2d5: {  	v40 =	vld.idx.msk [tilespmem:v36+s23+$0x0], $0xffff;
	v2 =	vadd.f32 v3, v2;
	v3 =	vmul.f32 v4, v35  }
0x2d6: {  	v41 =	vor.u32 $0x32, v1;
	v4 =	vld.idx.msk [tilespmem:v36+s24+$0x0], $0xffff  }
0x2d7: {  	v42 =	vld.idx.msk [tilespmem:v6+s23+$0x0], $0xffff;
	v2 =	vadd.f32 v3, v2;
	v3 =	vmul.f32 v5, v37  }
0x2d8: {  	v5 =	vld.idx.msk [tilespmem:v6+s24+$0x0], $0xffff;
	v6 =	vor.u32 $0x33, v1  }
0x2d9: {  	v43 =	vld.idx.msk [tilespmem:v39+s23+$0x0], $0xffff;
	v2 =	vadd.f32 v3, v2;
	v3 =	vmul.f32 v7, v38  }
0x2da: {  	v44 =	vor.u32 $0x34, v1;
	v7 =	vld.idx.msk [tilespmem:v39+s24+$0x0], $0xffff  }
0x2db: {  	v45 =	vld.idx.msk [tilespmem:v41+s23+$0x0], $0xffff;
	v2 =	vadd.f32 v3, v2;
	v3 =	vmul.f32 v4, v40  }
0x2dc: {  	v46 =	vor.u32 $0x35, v1;
	v4 =	vld.idx.msk [tilespmem:v41+s24+$0x0], $0xffff  }
0x2dd: {  	v47 =	vld.idx.msk [tilespmem:v6+s23+$0x0], $0xffff;
	v2 =	vadd.f32 v3, v2;
	v3 =	vmul.f32 v5, v42  }
0x2de: {  	v5 =	vld.idx.msk [tilespmem:v6+s24+$0x0], $0xffff;
	v6 =	vor.u32 $0x36, v1  }
0x2df: {  	v48 =	vld.idx.msk [tilespmem:v44+s23+$0x0], $0xffff;
	v2 =	vadd.f32 v3, v2;
	v3 =	vmul.f32 v7, v43  }
0x2e0: {  	v49 =	vor.u32 $0x37, v1;
	v7 =	vld.idx.msk [tilespmem:v44+s24+$0x0], $0xffff  }
0x2e1: {  	v50 =	vld.idx.msk [tilespmem:v46+s23+$0x0], $0xffff;
	v2 =	vadd.f32 v3, v2;
	v3 =	vmul.f32 v4, v45  }
0x2e2: {  	v51 =	vor.u32 $0x38, v1;
	v4 =	vld.idx.msk [tilespmem:v46+s24+$0x0], $0xffff  }
0x2e3: {  	v52 =	vld.idx.msk [tilespmem:v6+s23+$0x0], $0xffff;
	v2 =	vadd.f32 v3, v2;
	v3 =	vmul.f32 v5, v47  }
0x2e4: {  	v5 =	vld.idx.msk [tilespmem:v6+s24+$0x0], $0xffff;
	v6 =	vor.u32 $0x39, v1  }
0x2e5: {  	v53 =	vld.idx.msk [tilespmem:v49+s23+$0x0], $0xffff;
	v2 =	vadd.f32 v3, v2;
	v3 =	vmul.f32 v7, v48  }
0x2e6: {  	v54 =	vor.u32 $0x3A, v1;
	v7 =	vld.idx.msk [tilespmem:v49+s24+$0x0], $0xffff  }
0x2e7: {  	v55 =	vld.idx.msk [tilespmem:v51+s23+$0x0], $0xffff;
	v2 =	vadd.f32 v3, v2;
	v3 =	vmul.f32 v4, v50  }
0x2e8: {  	v56 =	vor.u32 $0x3B, v1;
	v4 =	vld.idx.msk [tilespmem:v51+s24+$0x0], $0xffff  }
0x2e9: {  	v57 =	vld.idx.msk [tilespmem:v6+s23+$0x0], $0xffff;
	v2 =	vadd.f32 v3, v2;
	v3 =	vmul.f32 v5, v52  }
0x2ea: {  	v5 =	vld.idx.msk [tilespmem:v6+s24+$0x0], $0xffff;
	v6 =	vor.u32 $0x3C, v1  }
0x2eb: {  	v58 =	vld.idx.msk [tilespmem:v54+s23+$0x0], $0xffff;
	v2 =	vadd.f32 v3, v2;
	v3 =	vmul.f32 v7, v53  }
0x2ec: {  	v7 =	vld.idx.msk [tilespmem:v54+s24+$0x0], $0xffff  }
0x2ed: {  	v60 =	vld.idx.msk [tilespmem:v56+s23+$0x0], $0xffff;
	v2 =	vadd.f32 v3, v2;
	v3 =	vmul.f32 v4, v55  }
0x2ee: {  	v59 =	vor.u32 $0x3D, v1;
	v4 =	vld.idx.msk [tilespmem:v56+s24+$0x0], $0xffff  }
0x2ef: {  	v62 =	vld.idx.msk [tilespmem:v6+s23+$0x0], $0xffff;
	v2 =	vadd.f32 v3, v2;
	v3 =	vmul.f32 v5, v57  }
0x2f0: {  	v61 =	vor.u32 $0x3E, v1;
	v5 =	vld.idx.msk [tilespmem:v6+s24+$0x0], $0xffff  }
0x2f1: {  	v2 =	vadd.f32 v3, v2;
	v3 =	vmul.f32 v7, v58  }
0x2f2: {  	v1 =	vor.u32 $0x3F, v1  }
0x2f3: {  	v6 =	vld.idx.msk [tilespmem:v59+s23+$0x0], $0xffff;
	v2 =	vadd.f32 v3, v2;
	v3 =	vmul.f32 v4, v60  }
0x2f4: {  	v7 =	vld.idx.msk [tilespmem:v59+s24+$0x0], $0xffff  }
0x2f5: {  	v63 =	vld.idx.msk [tilespmem:v61+s23+$0x0], $0xffff;
	v2 =	vadd.f32 v3, v2;
	v3 =	vmul.f32 v5, v62  }
0x2f6: {  	v9 =	vld.idx.msk [tilespmem:v61+s24+$0x0], $0xffff  }
0x2f7: {  	v4 =	vadd.f32 v3, v2;
	v2 =	vld.idx.msk [tilespmem:v1+s23+$0x0], $0xffff  }
0x2f8: {  	v3 =	vld.idx.msk [tilespmem:v1+s24+$0x0], $0xffff  }
0x2f9: {  	v5 =	vmul.f32 v7, v6  }
0x2fa: {  	s0 =	simm.s32 $0x10  }
0x2fb: {  	v6 =	vmov s0;
	v4 =	vadd.f32 v5, v4;
	v5 =	vmul.f32 v9, v63  }
0x2fc: {  	s1 =	simm.s32 $0x20;
	v1 =	vshll.u32 v6, $0x7  }
.LBB2_4:
0x2fd: {  	p0 =	sne.s32 s1, $0xF0;
	v1 =	vor.u32 v0, v1;
	v4 =	vadd.f32 v5, v4;
	v2 =	vmul.f32 v3, v2;
	_ =	sdelay $0x1  }
0x2fe: {  	v3 =	vor.u32 $0x1, v1;
	v2 =	vadd.f32 v2, v4  }
0x2ff: {  	s16 =	sand.u32 $0xF0, s31;
	s31 =	smov.u32 s0;
	s0 =	smov.u32 s1  }
0x300: {  	v4 =	vor.u32 $0x2, v1;
	[tilespmem:s16+$0x10500] =	vst v2  }
0x301: {  	v2 =	vld.idx.msk [tilespmem:v1+s24+$0x0], $0xffff  }
0x302: {  	v6 =	vor.u32 $0x3, v1;
	v5 =	vld.idx.msk [tilespmem:v1+s23+$0x0], $0xffff  }
0x303: {  	v7 =	vld.idx.msk [tilespmem:v3+s23+$0x0], $0xffff  }
0x304: {  	v8 =	vor.u32 $0x4, v1;
	v3 =	vld.idx.msk [tilespmem:v3+s24+$0x0], $0xffff  }
0x305: {  	v9 =	vld.idx.msk [tilespmem:v4+s23+$0x0], $0xffff  }
0x306: {  	v10 =	vor.u32 $0x5, v1;
	v4 =	vld.idx.msk [tilespmem:v4+s24+$0x0], $0xffff  }
0x307: {  	v11 =	vld.idx.msk [tilespmem:v6+s23+$0x0], $0xffff  }
0x308: {  	v2 =	vmul.f32 v2, v5;
	v5 =	vld.idx.msk [tilespmem:v6+s24+$0x0], $0xffff;
	v6 =	vor.u32 $0x6, v1  }
0x309: {  	v12 =	vld.idx.msk [tilespmem:v8+s23+$0x0], $0xffff  }
0x30a: {  	v2 =	vadd.f32 $0.0e+00, v2;
	v3 =	vmul.f32 v3, v7;
	v7 =	vld.idx.msk [tilespmem:v8+s24+$0x0], $0xffff;
	v8 =	vor.u32 $0x7, v1  }
0x30b: {  	v13 =	vld.idx.msk [tilespmem:v10+s23+$0x0], $0xffff  }
0x30c: {  	v2 =	vadd.f32 v3, v2;
	v3 =	vmul.f32 v4, v9;
	v9 =	vor.u32 $0x8, v1;
	v4 =	vld.idx.msk [tilespmem:v10+s24+$0x0], $0xffff  }
0x30d: {  	v10 =	vld.idx.msk [tilespmem:v6+s23+$0x0], $0xffff  }
0x30e: {  	v2 =	vadd.f32 v3, v2;
	v3 =	vmul.f32 v5, v11;
	v5 =	vld.idx.msk [tilespmem:v6+s24+$0x0], $0xffff;
	v6 =	vor.u32 $0x9, v1  }
0x30f: {  	v11 =	vld.idx.msk [tilespmem:v8+s23+$0x0], $0xffff  }
0x310: {  	v2 =	vadd.f32 v3, v2;
	v3 =	vmul.f32 v7, v12;
	v7 =	vld.idx.msk [tilespmem:v8+s24+$0x0], $0xffff;
	v8 =	vor.u32 $0xA, v1  }
0x311: {  	v12 =	vld.idx.msk [tilespmem:v9+s23+$0x0], $0xffff  }
0x312: {  	v2 =	vadd.f32 v3, v2;
	v3 =	vmul.f32 v4, v13;
	v4 =	vld.idx.msk [tilespmem:v9+s24+$0x0], $0xffff;
	v9 =	vor.u32 $0xB, v1  }
0x313: {  	v13 =	vld.idx.msk [tilespmem:v6+s23+$0x0], $0xffff  }
0x314: {  	v2 =	vadd.f32 v3, v2;
	v3 =	vmul.f32 v5, v10;
	v5 =	vld.idx.msk [tilespmem:v6+s24+$0x0], $0xffff;
	v6 =	vor.u32 $0xC, v1  }
0x315: {  	v10 =	vld.idx.msk [tilespmem:v8+s23+$0x0], $0xffff  }
0x316: {  	v2 =	vadd.f32 v3, v2;
	v3 =	vmul.f32 v7, v11;
	v7 =	vld.idx.msk [tilespmem:v8+s24+$0x0], $0xffff;
	v8 =	vor.u32 $0xD, v1  }
0x317: {  	v11 =	vld.idx.msk [tilespmem:v9+s23+$0x0], $0xffff  }
0x318: {  	v2 =	vadd.f32 v3, v2;
	v3 =	vmul.f32 v4, v12;
	v4 =	vld.idx.msk [tilespmem:v9+s24+$0x0], $0xffff;
	v9 =	vor.u32 $0xE, v1  }
0x319: {  	v12 =	vld.idx.msk [tilespmem:v6+s23+$0x0], $0xffff  }
0x31a: {  	v2 =	vadd.f32 v3, v2;
	v3 =	vmul.f32 v5, v13;
	v5 =	vld.idx.msk [tilespmem:v6+s24+$0x0], $0xffff;
	v6 =	vor.u32 $0xF, v1  }
0x31b: {  	v13 =	vld.idx.msk [tilespmem:v8+s23+$0x0], $0xffff  }
0x31c: {  	v2 =	vadd.f32 v3, v2;
	v3 =	vmul.f32 v7, v10;
	v7 =	vld.idx.msk [tilespmem:v8+s24+$0x0], $0xffff;
	v8 =	vor.u32 $0x10, v1  }
0x31d: {  	v10 =	vld.idx.msk [tilespmem:v9+s23+$0x0], $0xffff  }
0x31e: {  	v2 =	vadd.f32 v3, v2;
	v3 =	vmul.f32 v4, v11;
	v4 =	vld.idx.msk [tilespmem:v9+s24+$0x0], $0xffff;
	v9 =	vor.u32 $0x11, v1  }
0x31f: {  	v11 =	vld.idx.msk [tilespmem:v6+s23+$0x0], $0xffff  }
0x320: {  	v2 =	vadd.f32 v3, v2;
	v3 =	vmul.f32 v5, v12;
	v5 =	vld.idx.msk [tilespmem:v6+s24+$0x0], $0xffff;
	v6 =	vor.u32 $0x12, v1  }
0x321: {  	v12 =	vld.idx.msk [tilespmem:v8+s23+$0x0], $0xffff  }
0x322: {  	v2 =	vadd.f32 v3, v2;
	v3 =	vmul.f32 v7, v13;
	v7 =	vld.idx.msk [tilespmem:v8+s24+$0x0], $0xffff;
	v8 =	vor.u32 $0x13, v1  }
0x323: {  	v13 =	vld.idx.msk [tilespmem:v9+s23+$0x0], $0xffff  }
0x324: {  	v2 =	vadd.f32 v3, v2;
	v3 =	vmul.f32 v4, v10;
	v4 =	vld.idx.msk [tilespmem:v9+s24+$0x0], $0xffff;
	v9 =	vor.u32 $0x14, v1  }
0x325: {  	v10 =	vld.idx.msk [tilespmem:v6+s23+$0x0], $0xffff  }
0x326: {  	v2 =	vadd.f32 v3, v2;
	v3 =	vmul.f32 v5, v11;
	v5 =	vld.idx.msk [tilespmem:v6+s24+$0x0], $0xffff;
	v6 =	vor.u32 $0x15, v1  }
0x327: {  	v11 =	vld.idx.msk [tilespmem:v8+s23+$0x0], $0xffff  }
0x328: {  	v2 =	vadd.f32 v3, v2;
	v3 =	vmul.f32 v7, v12;
	v7 =	vld.idx.msk [tilespmem:v8+s24+$0x0], $0xffff;
	v8 =	vor.u32 $0x16, v1  }
0x329: {  	v12 =	vld.idx.msk [tilespmem:v9+s23+$0x0], $0xffff  }
0x32a: {  	v2 =	vadd.f32 v3, v2;
	v3 =	vmul.f32 v4, v13;
	v4 =	vld.idx.msk [tilespmem:v9+s24+$0x0], $0xffff;
	v9 =	vor.u32 $0x17, v1  }
0x32b: {  	v13 =	vld.idx.msk [tilespmem:v6+s23+$0x0], $0xffff  }
0x32c: {  	v2 =	vadd.f32 v3, v2;
	v3 =	vmul.f32 v5, v10;
	v5 =	vld.idx.msk [tilespmem:v6+s24+$0x0], $0xffff;
	v6 =	vor.u32 $0x18, v1  }
0x32d: {  	v10 =	vld.idx.msk [tilespmem:v8+s23+$0x0], $0xffff  }
0x32e: {  	v2 =	vadd.f32 v3, v2;
	v3 =	vmul.f32 v7, v11;
	v7 =	vld.idx.msk [tilespmem:v8+s24+$0x0], $0xffff;
	v8 =	vor.u32 $0x19, v1  }
0x32f: {  	v11 =	vld.idx.msk [tilespmem:v9+s23+$0x0], $0xffff  }
0x330: {  	v2 =	vadd.f32 v3, v2;
	v3 =	vmul.f32 v4, v12;
	v4 =	vld.idx.msk [tilespmem:v9+s24+$0x0], $0xffff;
	v9 =	vor.u32 $0x1A, v1  }
0x331: {  	v12 =	vld.idx.msk [tilespmem:v6+s23+$0x0], $0xffff  }
0x332: {  	v2 =	vadd.f32 v3, v2;
	v3 =	vmul.f32 v5, v13;
	v5 =	vld.idx.msk [tilespmem:v6+s24+$0x0], $0xffff;
	v6 =	vor.u32 $0x1B, v1  }
0x333: {  	v13 =	vld.idx.msk [tilespmem:v8+s23+$0x0], $0xffff  }
0x334: {  	v2 =	vadd.f32 v3, v2;
	v3 =	vmul.f32 v7, v10;
	v7 =	vld.idx.msk [tilespmem:v8+s24+$0x0], $0xffff;
	v8 =	vor.u32 $0x1C, v1  }
0x335: {  	v10 =	vld.idx.msk [tilespmem:v9+s23+$0x0], $0xffff  }
0x336: {  	v2 =	vadd.f32 v3, v2;
	v3 =	vmul.f32 v4, v11;
	v4 =	vld.idx.msk [tilespmem:v9+s24+$0x0], $0xffff;
	v9 =	vor.u32 $0x1D, v1  }
0x337: {  	v11 =	vld.idx.msk [tilespmem:v6+s23+$0x0], $0xffff  }
0x338: {  	v2 =	vadd.f32 v3, v2;
	v3 =	vmul.f32 v5, v12;
	v5 =	vld.idx.msk [tilespmem:v6+s24+$0x0], $0xffff;
	v6 =	vor.u32 $0x1E, v1  }
0x339: {  	v12 =	vld.idx.msk [tilespmem:v8+s23+$0x0], $0xffff  }
0x33a: {  	v2 =	vadd.f32 v3, v2;
	v3 =	vmul.f32 v7, v13;
	v7 =	vld.idx.msk [tilespmem:v8+s24+$0x0], $0xffff;
	v8 =	vor.u32 $0x1F, v1  }
0x33b: {  	v13 =	vld.idx.msk [tilespmem:v9+s23+$0x0], $0xffff  }
0x33c: {  	v2 =	vadd.f32 v3, v2;
	v3 =	vmul.f32 v4, v10;
	v4 =	vld.idx.msk [tilespmem:v9+s24+$0x0], $0xffff;
	v9 =	vor.u32 $0x20, v1  }
0x33d: {  	v10 =	vld.idx.msk [tilespmem:v6+s23+$0x0], $0xffff  }
0x33e: {  	v2 =	vadd.f32 v3, v2;
	v3 =	vmul.f32 v5, v11;
	v5 =	vld.idx.msk [tilespmem:v6+s24+$0x0], $0xffff;
	v6 =	vor.u32 $0x21, v1  }
0x33f: {  	v11 =	vld.idx.msk [tilespmem:v8+s23+$0x0], $0xffff  }
0x340: {  	v2 =	vadd.f32 v3, v2;
	v3 =	vmul.f32 v7, v12;
	v7 =	vld.idx.msk [tilespmem:v8+s24+$0x0], $0xffff;
	v8 =	vor.u32 $0x22, v1  }
0x341: {  	v12 =	vld.idx.msk [tilespmem:v9+s23+$0x0], $0xffff  }
0x342: {  	v2 =	vadd.f32 v3, v2;
	v3 =	vmul.f32 v4, v13;
	v4 =	vld.idx.msk [tilespmem:v9+s24+$0x0], $0xffff;
	v9 =	vor.u32 $0x23, v1  }
0x343: {  	v13 =	vld.idx.msk [tilespmem:v6+s23+$0x0], $0xffff  }
0x344: {  	v2 =	vadd.f32 v3, v2;
	v3 =	vmul.f32 v5, v10;
	v5 =	vld.idx.msk [tilespmem:v6+s24+$0x0], $0xffff;
	v6 =	vor.u32 $0x24, v1  }
0x345: {  	v10 =	vld.idx.msk [tilespmem:v8+s23+$0x0], $0xffff  }
0x346: {  	v2 =	vadd.f32 v3, v2;
	v3 =	vmul.f32 v7, v11;
	v7 =	vld.idx.msk [tilespmem:v8+s24+$0x0], $0xffff;
	v8 =	vor.u32 $0x25, v1  }
0x347: {  	v11 =	vld.idx.msk [tilespmem:v9+s23+$0x0], $0xffff  }
0x348: {  	v2 =	vadd.f32 v3, v2;
	v3 =	vmul.f32 v4, v12;
	v4 =	vld.idx.msk [tilespmem:v9+s24+$0x0], $0xffff;
	v9 =	vor.u32 $0x26, v1  }
0x349: {  	v12 =	vld.idx.msk [tilespmem:v6+s23+$0x0], $0xffff  }
0x34a: {  	v2 =	vadd.f32 v3, v2;
	v3 =	vmul.f32 v5, v13;
	v5 =	vld.idx.msk [tilespmem:v6+s24+$0x0], $0xffff;
	v6 =	vor.u32 $0x27, v1  }
0x34b: {  	v13 =	vld.idx.msk [tilespmem:v8+s23+$0x0], $0xffff  }
0x34c: {  	v2 =	vadd.f32 v3, v2;
	v3 =	vmul.f32 v7, v10;
	v7 =	vld.idx.msk [tilespmem:v8+s24+$0x0], $0xffff;
	v8 =	vor.u32 $0x28, v1  }
0x34d: {  	v10 =	vld.idx.msk [tilespmem:v9+s23+$0x0], $0xffff  }
0x34e: {  	v2 =	vadd.f32 v3, v2;
	v3 =	vmul.f32 v4, v11;
	v4 =	vld.idx.msk [tilespmem:v9+s24+$0x0], $0xffff;
	v9 =	vor.u32 $0x29, v1  }
0x34f: {  	v11 =	vld.idx.msk [tilespmem:v6+s23+$0x0], $0xffff  }
0x350: {  	v2 =	vadd.f32 v3, v2;
	v3 =	vmul.f32 v5, v12;
	v5 =	vld.idx.msk [tilespmem:v6+s24+$0x0], $0xffff;
	v6 =	vor.u32 $0x2A, v1  }
0x351: {  	v12 =	vld.idx.msk [tilespmem:v8+s23+$0x0], $0xffff  }
0x352: {  	v2 =	vadd.f32 v3, v2;
	v3 =	vmul.f32 v7, v13;
	v7 =	vld.idx.msk [tilespmem:v8+s24+$0x0], $0xffff;
	v8 =	vor.u32 $0x2B, v1  }
0x353: {  	v13 =	vld.idx.msk [tilespmem:v9+s23+$0x0], $0xffff  }
0x354: {  	v2 =	vadd.f32 v3, v2;
	v3 =	vmul.f32 v4, v10;
	v4 =	vld.idx.msk [tilespmem:v9+s24+$0x0], $0xffff;
	v9 =	vor.u32 $0x2C, v1  }
0x355: {  	v10 =	vld.idx.msk [tilespmem:v6+s23+$0x0], $0xffff  }
0x356: {  	v2 =	vadd.f32 v3, v2;
	v3 =	vmul.f32 v5, v11;
	v5 =	vld.idx.msk [tilespmem:v6+s24+$0x0], $0xffff;
	v6 =	vor.u32 $0x2D, v1  }
0x357: {  	v11 =	vld.idx.msk [tilespmem:v8+s23+$0x0], $0xffff  }
0x358: {  	v2 =	vadd.f32 v3, v2;
	v3 =	vmul.f32 v7, v12;
	v7 =	vld.idx.msk [tilespmem:v8+s24+$0x0], $0xffff;
	v8 =	vor.u32 $0x2E, v1  }
0x359: {  	v12 =	vld.idx.msk [tilespmem:v9+s23+$0x0], $0xffff  }
0x35a: {  	v2 =	vadd.f32 v3, v2;
	v3 =	vmul.f32 v4, v13;
	v4 =	vld.idx.msk [tilespmem:v9+s24+$0x0], $0xffff;
	v9 =	vor.u32 $0x2F, v1  }
0x35b: {  	v13 =	vld.idx.msk [tilespmem:v6+s23+$0x0], $0xffff  }
0x35c: {  	v2 =	vadd.f32 v3, v2;
	v3 =	vmul.f32 v5, v10;
	v5 =	vld.idx.msk [tilespmem:v6+s24+$0x0], $0xffff;
	v6 =	vor.u32 $0x30, v1  }
0x35d: {  	v10 =	vld.idx.msk [tilespmem:v8+s23+$0x0], $0xffff  }
0x35e: {  	v2 =	vadd.f32 v3, v2;
	v3 =	vmul.f32 v7, v11;
	v7 =	vld.idx.msk [tilespmem:v8+s24+$0x0], $0xffff;
	v8 =	vor.u32 $0x31, v1  }
0x35f: {  	v11 =	vld.idx.msk [tilespmem:v9+s23+$0x0], $0xffff  }
0x360: {  	v2 =	vadd.f32 v3, v2;
	v3 =	vmul.f32 v4, v12;
	v4 =	vld.idx.msk [tilespmem:v9+s24+$0x0], $0xffff;
	v9 =	vor.u32 $0x32, v1  }
0x361: {  	v12 =	vld.idx.msk [tilespmem:v6+s23+$0x0], $0xffff  }
0x362: {  	v2 =	vadd.f32 v3, v2;
	v3 =	vmul.f32 v5, v13;
	v5 =	vld.idx.msk [tilespmem:v6+s24+$0x0], $0xffff;
	v6 =	vor.u32 $0x33, v1  }
0x363: {  	v13 =	vld.idx.msk [tilespmem:v8+s23+$0x0], $0xffff  }
0x364: {  	v2 =	vadd.f32 v3, v2;
	v3 =	vmul.f32 v7, v10;
	v7 =	vld.idx.msk [tilespmem:v8+s24+$0x0], $0xffff;
	v8 =	vor.u32 $0x34, v1  }
0x365: {  	v10 =	vld.idx.msk [tilespmem:v9+s23+$0x0], $0xffff  }
0x366: {  	v2 =	vadd.f32 v3, v2;
	v3 =	vmul.f32 v4, v11;
	v4 =	vld.idx.msk [tilespmem:v9+s24+$0x0], $0xffff;
	v9 =	vor.u32 $0x35, v1  }
0x367: {  	v11 =	vld.idx.msk [tilespmem:v6+s23+$0x0], $0xffff  }
0x368: {  	v2 =	vadd.f32 v3, v2;
	v3 =	vmul.f32 v5, v12;
	v5 =	vld.idx.msk [tilespmem:v6+s24+$0x0], $0xffff;
	v6 =	vor.u32 $0x36, v1  }
0x369: {  	v12 =	vld.idx.msk [tilespmem:v8+s23+$0x0], $0xffff  }
0x36a: {  	v2 =	vadd.f32 v3, v2;
	v3 =	vmul.f32 v7, v13;
	v7 =	vld.idx.msk [tilespmem:v8+s24+$0x0], $0xffff;
	v8 =	vor.u32 $0x37, v1  }
0x36b: {  	v13 =	vld.idx.msk [tilespmem:v9+s23+$0x0], $0xffff  }
0x36c: {  	v2 =	vadd.f32 v3, v2;
	v3 =	vmul.f32 v4, v10;
	v4 =	vld.idx.msk [tilespmem:v9+s24+$0x0], $0xffff;
	v9 =	vor.u32 $0x38, v1  }
0x36d: {  	v10 =	vld.idx.msk [tilespmem:v6+s23+$0x0], $0xffff  }
0x36e: {  	v2 =	vadd.f32 v3, v2;
	v3 =	vmul.f32 v5, v11;
	v5 =	vld.idx.msk [tilespmem:v6+s24+$0x0], $0xffff;
	v6 =	vor.u32 $0x39, v1  }
0x36f: {  	v11 =	vld.idx.msk [tilespmem:v8+s23+$0x0], $0xffff  }
0x370: {  	v2 =	vadd.f32 v3, v2;
	v3 =	vmul.f32 v7, v12;
	v7 =	vld.idx.msk [tilespmem:v8+s24+$0x0], $0xffff;
	v8 =	vor.u32 $0x3A, v1  }
0x371: {  	v12 =	vld.idx.msk [tilespmem:v9+s23+$0x0], $0xffff  }
0x372: {  	v2 =	vadd.f32 v3, v2;
	v3 =	vmul.f32 v4, v13;
	v4 =	vld.idx.msk [tilespmem:v9+s24+$0x0], $0xffff;
	v9 =	vor.u32 $0x3B, v1  }
0x373: {  	v13 =	vld.idx.msk [tilespmem:v6+s23+$0x0], $0xffff  }
0x374: {  	v2 =	vadd.f32 v3, v2;
	v3 =	vmul.f32 v5, v10;
	v5 =	vld.idx.msk [tilespmem:v6+s24+$0x0], $0xffff;
	v6 =	vor.u32 $0x3C, v1  }
0x375: {  	v10 =	vld.idx.msk [tilespmem:v8+s23+$0x0], $0xffff  }
0x376: {  	v2 =	vadd.f32 v3, v2;
	v3 =	vmul.f32 v7, v11;
	v7 =	vld.idx.msk [tilespmem:v8+s24+$0x0], $0xffff;
	v8 =	vor.u32 $0x3D, v1  }
0x377: {  	v11 =	vld.idx.msk [tilespmem:v9+s23+$0x0], $0xffff  }
0x378: {  	v2 =	vadd.f32 v3, v2;
	v3 =	vmul.f32 v4, v12;
	v4 =	vld.idx.msk [tilespmem:v9+s24+$0x0], $0xffff;
	v9 =	vor.u32 $0x3E, v1  }
0x379: {  	v12 =	vld.idx.msk [tilespmem:v6+s23+$0x0], $0xffff  }
0x37a: {  	v1 =	vor.u32 $0x3F, v1;
	v2 =	vadd.f32 v3, v2;
	v3 =	vmul.f32 v5, v13;
	v5 =	vld.idx.msk [tilespmem:v6+s24+$0x0], $0xffff  }
0x37b: {  	v6 =	vld.idx.msk [tilespmem:v8+s23+$0x0], $0xffff  }
0x37c: {  	v2 =	vadd.f32 v3, v2;
	v3 =	vmul.f32 v7, v10;
	v7 =	vld.idx.msk [tilespmem:v8+s24+$0x0], $0xffff  }
0x37d: {  	v8 =	vld.idx.msk [tilespmem:v9+s23+$0x0], $0xffff  }
0x37e: {  	v3 =	vadd.f32 v3, v2;
	v4 =	vmul.f32 v4, v11;
	v9 =	vld.idx.msk [tilespmem:v9+s24+$0x0], $0xffff  }
0x37f: {  	v2 =	vld.idx.msk [tilespmem:v1+s23+$0x0], $0xffff  }
0x380: {  	v4 =	vadd.f32 v4, v3;
	v5 =	vmul.f32 v5, v12;
	v3 =	vld.idx.msk [tilespmem:v1+s24+$0x0], $0xffff  }
.Ltmp1:
0x381: {  	(pc) =	sbr.rel @p0 .LBB2_4-.Ltmp1, $3  }
0x382: {  	v1 =	vadd.f32 v5, v4;
	v4 =	vmul.f32 v7, v6;
	_ =	sdelay $0x1  }
0x383: {  	v6 =	vmov s1;
	v4 =	vadd.f32 v4, v1;
	v5 =	vmul.f32 v9, v8  }
0x384: {  	s1 =	sadd.s32 $0x10, s1;
	v1 =	vshll.u32 v6, $0x7  }
0x385: {  	v1 =	vor.u32 v0, v1;
	v4 =	vadd.f32 v5, v4;
	v2 =	vmul.f32 v3, v2;
	_ =	sdelay $0x1  }
0x386: {  	v3 =	vor.u32 $0x1, v1;
	v2 =	vadd.f32 v2, v4  }
0x387: {  	s1 =	sand.u32 $0xF0, s31  }
0x388: {  	v31 =	vor.u32 $0x2, v1;
	[tilespmem:s1+$0x10500] =	vst v2  }
0x389: {  	v2 =	vld.idx.msk [tilespmem:v1+s24+$0x0], $0xffff  }
0x38a: {  	v6 =	vor.u32 $0x3, v1;
	v32 =	vld.idx.msk [tilespmem:v1+s23+$0x0], $0xffff  }
0x38b: {  	v7 =	vld.idx.msk [tilespmem:v3+s23+$0x0], $0xffff  }
0x38c: {  	v8 =	vor.u32 $0x4, v1;
	v3 =	vld.idx.msk [tilespmem:v3+s24+$0x0], $0xffff  }
0x38d: {  	v9 =	vld.idx.msk [tilespmem:v31+s23+$0x0], $0xffff  }
0x38e: {  	v10 =	vor.u32 $0x5, v1;
	v4 =	vld.idx.msk [tilespmem:v31+s24+$0x0], $0xffff  }
0x38f: {  	v11 =	vld.idx.msk [tilespmem:v6+s23+$0x0], $0xffff;
	v2 =	vmul.f32 v2, v32  }
0x390: {  	v34 =	vor.u32 $0x6, v1;
	v33 =	vld.idx.msk [tilespmem:v6+s24+$0x0], $0xffff  }
0x391: {  	v12 =	vld.idx.msk [tilespmem:v8+s23+$0x0], $0xffff;
	v3 =	vmul.f32 v3, v7;
	v2 =	vadd.f32 $0.0e+00, v2  }
0x392: {  	v36 =	vor.u32 $0x7, v1;
	v35 =	vld.idx.msk [tilespmem:v8+s24+$0x0], $0xffff  }
0x393: {  	v13 =	vld.idx.msk [tilespmem:v10+s23+$0x0], $0xffff;
	v2 =	vadd.f32 v3, v2;
	v3 =	vmul.f32 v4, v9  }
0x394: {  	v38 =	vor.u32 $0x8, v1;
	v37 =	vld.idx.msk [tilespmem:v10+s24+$0x0], $0xffff  }
0x395: {  	v39 =	vld.idx.msk [tilespmem:v34+s23+$0x0], $0xffff;
	v2 =	vadd.f32 v3, v2;
	v3 =	vmul.f32 v33, v11  }
0x396: {  	v41 =	vor.u32 $0x9, v1;
	v40 =	vld.idx.msk [tilespmem:v34+s24+$0x0], $0xffff  }
0x397: {  	v42 =	vld.idx.msk [tilespmem:v36+s23+$0x0], $0xffff;
	v2 =	vadd.f32 v3, v2;
	v3 =	vmul.f32 v35, v12  }
0x398: {  	v44 =	vor.u32 $0xA, v1;
	v43 =	vld.idx.msk [tilespmem:v36+s24+$0x0], $0xffff  }
0x399: {  	v45 =	vld.idx.msk [tilespmem:v38+s23+$0x0], $0xffff;
	v2 =	vadd.f32 v3, v2;
	v3 =	vmul.f32 v37, v13  }
0x39a: {  	v47 =	vor.u32 $0xB, v1;
	v46 =	vld.idx.msk [tilespmem:v38+s24+$0x0], $0xffff  }
0x39b: {  	v48 =	vld.idx.msk [tilespmem:v41+s23+$0x0], $0xffff;
	v2 =	vadd.f32 v3, v2;
	v3 =	vmul.f32 v40, v39  }
0x39c: {  	v50 =	vor.u32 $0xC, v1;
	v49 =	vld.idx.msk [tilespmem:v41+s24+$0x0], $0xffff  }
0x39d: {  	v51 =	vld.idx.msk [tilespmem:v44+s23+$0x0], $0xffff;
	v2 =	vadd.f32 v3, v2;
	v3 =	vmul.f32 v43, v42  }
0x39e: {  	v53 =	vor.u32 $0xD, v1;
	v52 =	vld.idx.msk [tilespmem:v44+s24+$0x0], $0xffff  }
0x39f: {  	v54 =	vld.idx.msk [tilespmem:v47+s23+$0x0], $0xffff;
	v2 =	vadd.f32 v3, v2;
	v3 =	vmul.f32 v46, v45  }
0x3a0: {  	v56 =	vor.u32 $0xE, v1;
	v55 =	vld.idx.msk [tilespmem:v47+s24+$0x0], $0xffff  }
0x3a1: {  	v57 =	vld.idx.msk [tilespmem:v50+s23+$0x0], $0xffff;
	v2 =	vadd.f32 v3, v2;
	v3 =	vmul.f32 v49, v48  }
0x3a2: {  	v59 =	vor.u32 $0xF, v1;
	v58 =	vld.idx.msk [tilespmem:v50+s24+$0x0], $0xffff  }
0x3a3: {  	v60 =	vld.idx.msk [tilespmem:v53+s23+$0x0], $0xffff;
	v2 =	vadd.f32 v3, v2;
	v3 =	vmul.f32 v52, v51  }
0x3a4: {  	v62 =	vor.u32 $0x10, v1;
	v61 =	vld.idx.msk [tilespmem:v53+s24+$0x0], $0xffff  }
0x3a5: {  	v63 =	vld.idx.msk [tilespmem:v56+s23+$0x0], $0xffff;
	v2 =	vadd.f32 v3, v2;
	v3 =	vmul.f32 v55, v54  }
0x3a6: {  	v17 =	vor.u32 $0x11, v1;
	v16 =	vld.idx.msk [tilespmem:v56+s24+$0x0], $0xffff  }
0x3a7: {  	v18 =	vld.idx.msk [tilespmem:v59+s23+$0x0], $0xffff;
	v2 =	vadd.f32 v3, v2;
	v3 =	vmul.f32 v58, v57  }
0x3a8: {  	v20 =	vor.u32 $0x12, v1;
	v19 =	vld.idx.msk [tilespmem:v59+s24+$0x0], $0xffff  }
0x3a9: {  	v21 =	vld.idx.msk [tilespmem:v62+s23+$0x0], $0xffff;
	v2 =	vadd.f32 v3, v2;
	v3 =	vmul.f32 v61, v60  }
0x3aa: {  	v23 =	vor.u32 $0x13, v1;
	v22 =	vld.idx.msk [tilespmem:v62+s24+$0x0], $0xffff  }
0x3ab: {  	v24 =	vld.idx.msk [tilespmem:v17+s23+$0x0], $0xffff;
	v2 =	vadd.f32 v3, v2;
	v3 =	vmul.f32 v16, v63  }
0x3ac: {  	v26 =	vor.u32 $0x14, v1;
	v25 =	vld.idx.msk [tilespmem:v17+s24+$0x0], $0xffff  }
0x3ad: {  	v27 =	vld.idx.msk [tilespmem:v20+s23+$0x0], $0xffff;
	v2 =	vadd.f32 v3, v2;
	v3 =	vmul.f32 v19, v18  }
0x3ae: {  	v29 =	vor.u32 $0x15, v1;
	v28 =	vld.idx.msk [tilespmem:v20+s24+$0x0], $0xffff  }
0x3af: {  	v30 =	vld.idx.msk [tilespmem:v23+s23+$0x0], $0xffff;
	v2 =	vadd.f32 v3, v2;
	v3 =	vmul.f32 v22, v21  }
0x3b0: {  	v31 =	vld.idx.msk [tilespmem:v23+s24+$0x0], $0xffff;
	v32 =	vor.u32 $0x16, v1  }
0x3b1: {  	v34 =	vld.idx.msk [tilespmem:v26+s24+$0x0], $0xffff;
	v2 =	vadd.f32 v3, v2;
	v3 =	vmul.f32 v25, v24  }
0x3b2: {  	v33 =	vld.idx.msk [tilespmem:v26+s23+$0x0], $0xffff;
	v35 =	vor.u32 $0x17, v1  }
0x3b3: {  	v36 =	vld.idx.msk [tilespmem:v29+s23+$0x0], $0xffff;
	v2 =	vadd.f32 v3, v2;
	v3 =	vmul.f32 v28, v27  }
0x3b4: {  	v38 =	vor.u32 $0x18, v1;
	v37 =	vld.idx.msk [tilespmem:v29+s24+$0x0], $0xffff  }
0x3b5: {  	v39 =	vld.idx.msk [tilespmem:v32+s23+$0x0], $0xffff;
	v2 =	vadd.f32 v3, v2;
	v3 =	vmul.f32 v31, v30  }
0x3b6: {  	v41 =	vor.u32 $0x19, v1;
	v40 =	vld.idx.msk [tilespmem:v32+s24+$0x0], $0xffff  }
0x3b7: {  	v42 =	vld.idx.msk [tilespmem:v35+s23+$0x0], $0xffff;
	v2 =	vadd.f32 v3, v2;
	v3 =	vmul.f32 v34, v33  }
0x3b8: {  	v44 =	vor.u32 $0x1A, v1;
	v43 =	vld.idx.msk [tilespmem:v35+s24+$0x0], $0xffff  }
0x3b9: {  	v45 =	vld.idx.msk [tilespmem:v38+s23+$0x0], $0xffff;
	v2 =	vadd.f32 v3, v2;
	v3 =	vmul.f32 v37, v36  }
0x3ba: {  	v47 =	vor.u32 $0x1B, v1;
	v46 =	vld.idx.msk [tilespmem:v38+s24+$0x0], $0xffff  }
0x3bb: {  	v48 =	vld.idx.msk [tilespmem:v41+s23+$0x0], $0xffff;
	v2 =	vadd.f32 v3, v2;
	v3 =	vmul.f32 v40, v39  }
0x3bc: {  	v50 =	vor.u32 $0x1C, v1;
	v49 =	vld.idx.msk [tilespmem:v41+s24+$0x0], $0xffff  }
0x3bd: {  	v51 =	vld.idx.msk [tilespmem:v44+s23+$0x0], $0xffff;
	v2 =	vadd.f32 v3, v2;
	v3 =	vmul.f32 v43, v42  }
0x3be: {  	v53 =	vor.u32 $0x1D, v1;
	v52 =	vld.idx.msk [tilespmem:v44+s24+$0x0], $0xffff  }
0x3bf: {  	v54 =	vld.idx.msk [tilespmem:v47+s23+$0x0], $0xffff;
	v2 =	vadd.f32 v3, v2;
	v3 =	vmul.f32 v46, v45  }
0x3c0: {  	v56 =	vor.u32 $0x1E, v1;
	v55 =	vld.idx.msk [tilespmem:v47+s24+$0x0], $0xffff  }
0x3c1: {  	v57 =	vld.idx.msk [tilespmem:v50+s23+$0x0], $0xffff;
	v2 =	vadd.f32 v3, v2;
	v3 =	vmul.f32 v49, v48  }
0x3c2: {  	v59 =	vor.u32 $0x1F, v1;
	v58 =	vld.idx.msk [tilespmem:v50+s24+$0x0], $0xffff  }
0x3c3: {  	v60 =	vld.idx.msk [tilespmem:v53+s23+$0x0], $0xffff;
	v2 =	vadd.f32 v3, v2;
	v3 =	vmul.f32 v52, v51  }
0x3c4: {  	v62 =	vor.u32 $0x20, v1;
	v61 =	vld.idx.msk [tilespmem:v53+s24+$0x0], $0xffff  }
0x3c5: {  	v63 =	vld.idx.msk [tilespmem:v56+s23+$0x0], $0xffff;
	v2 =	vadd.f32 v3, v2;
	v3 =	vmul.f32 v55, v54  }
0x3c6: {  	v17 =	vor.u32 $0x21, v1;
	v16 =	vld.idx.msk [tilespmem:v56+s24+$0x0], $0xffff  }
0x3c7: {  	v18 =	vld.idx.msk [tilespmem:v59+s23+$0x0], $0xffff;
	v2 =	vadd.f32 v3, v2;
	v3 =	vmul.f32 v58, v57  }
0x3c8: {  	v20 =	vor.u32 $0x22, v1;
	v19 =	vld.idx.msk [tilespmem:v59+s24+$0x0], $0xffff  }
0x3c9: {  	v21 =	vld.idx.msk [tilespmem:v62+s23+$0x0], $0xffff;
	v2 =	vadd.f32 v3, v2;
	v3 =	vmul.f32 v61, v60  }
0x3ca: {  	v23 =	vor.u32 $0x23, v1;
	v22 =	vld.idx.msk [tilespmem:v62+s24+$0x0], $0xffff  }
0x3cb: {  	v24 =	vld.idx.msk [tilespmem:v17+s23+$0x0], $0xffff;
	v2 =	vadd.f32 v3, v2;
	v3 =	vmul.f32 v16, v63  }
0x3cc: {  	v26 =	vor.u32 $0x24, v1;
	v25 =	vld.idx.msk [tilespmem:v17+s24+$0x0], $0xffff  }
0x3cd: {  	v27 =	vld.idx.msk [tilespmem:v20+s23+$0x0], $0xffff;
	v2 =	vadd.f32 v3, v2;
	v3 =	vmul.f32 v19, v18  }
0x3ce: {  	v29 =	vor.u32 $0x25, v1;
	v28 =	vld.idx.msk [tilespmem:v20+s24+$0x0], $0xffff  }
0x3cf: {  	v30 =	vld.idx.msk [tilespmem:v23+s23+$0x0], $0xffff;
	v2 =	vadd.f32 v3, v2;
	v3 =	vmul.f32 v22, v21  }
0x3d0: {  	v32 =	vor.u32 $0x26, v1;
	v31 =	vld.idx.msk [tilespmem:v23+s24+$0x0], $0xffff  }
0x3d1: {  	v33 =	vld.idx.msk [tilespmem:v26+s23+$0x0], $0xffff;
	v2 =	vadd.f32 v3, v2;
	v3 =	vmul.f32 v25, v24  }
0x3d2: {  	v35 =	vor.u32 $0x27, v1;
	v34 =	vld.idx.msk [tilespmem:v26+s24+$0x0], $0xffff  }
0x3d3: {  	v36 =	vld.idx.msk [tilespmem:v29+s23+$0x0], $0xffff;
	v2 =	vadd.f32 v3, v2;
	v3 =	vmul.f32 v28, v27  }
0x3d4: {  	v38 =	vor.u32 $0x28, v1;
	v37 =	vld.idx.msk [tilespmem:v29+s24+$0x0], $0xffff  }
0x3d5: {  	v39 =	vld.idx.msk [tilespmem:v32+s23+$0x0], $0xffff;
	v2 =	vadd.f32 v3, v2;
	v3 =	vmul.f32 v31, v30  }
0x3d6: {  	v41 =	vor.u32 $0x29, v1;
	v40 =	vld.idx.msk [tilespmem:v32+s24+$0x0], $0xffff  }
0x3d7: {  	v42 =	vld.idx.msk [tilespmem:v35+s23+$0x0], $0xffff;
	v2 =	vadd.f32 v3, v2;
	v3 =	vmul.f32 v34, v33  }
0x3d8: {  	v44 =	vor.u32 $0x2A, v1;
	v43 =	vld.idx.msk [tilespmem:v35+s24+$0x0], $0xffff  }
0x3d9: {  	v45 =	vld.idx.msk [tilespmem:v38+s23+$0x0], $0xffff;
	v2 =	vadd.f32 v3, v2;
	v3 =	vmul.f32 v37, v36  }
0x3da: {  	v47 =	vor.u32 $0x2B, v1;
	v46 =	vld.idx.msk [tilespmem:v38+s24+$0x0], $0xffff  }
0x3db: {  	v48 =	vld.idx.msk [tilespmem:v41+s23+$0x0], $0xffff;
	v2 =	vadd.f32 v3, v2;
	v3 =	vmul.f32 v40, v39  }
0x3dc: {  	v50 =	vor.u32 $0x2C, v1;
	v49 =	vld.idx.msk [tilespmem:v41+s24+$0x0], $0xffff  }
0x3dd: {  	v51 =	vld.idx.msk [tilespmem:v44+s23+$0x0], $0xffff;
	v2 =	vadd.f32 v3, v2;
	v3 =	vmul.f32 v43, v42  }
0x3de: {  	v53 =	vor.u32 $0x2D, v1;
	v52 =	vld.idx.msk [tilespmem:v44+s24+$0x0], $0xffff  }
0x3df: {  	v54 =	vld.idx.msk [tilespmem:v47+s23+$0x0], $0xffff;
	v2 =	vadd.f32 v3, v2;
	v3 =	vmul.f32 v46, v45  }
0x3e0: {  	v56 =	vor.u32 $0x2E, v1;
	v55 =	vld.idx.msk [tilespmem:v47+s24+$0x0], $0xffff  }
0x3e1: {  	v57 =	vld.idx.msk [tilespmem:v50+s23+$0x0], $0xffff;
	v2 =	vadd.f32 v3, v2;
	v3 =	vmul.f32 v49, v48  }
0x3e2: {  	v59 =	vor.u32 $0x2F, v1;
	v58 =	vld.idx.msk [tilespmem:v50+s24+$0x0], $0xffff  }
0x3e3: {  	v60 =	vld.idx.msk [tilespmem:v53+s23+$0x0], $0xffff;
	v2 =	vadd.f32 v3, v2;
	v3 =	vmul.f32 v52, v51  }
0x3e4: {  	v62 =	vor.u32 $0x30, v1;
	v61 =	vld.idx.msk [tilespmem:v53+s24+$0x0], $0xffff  }
0x3e5: {  	v63 =	vld.idx.msk [tilespmem:v56+s23+$0x0], $0xffff;
	v2 =	vadd.f32 v3, v2;
	v3 =	vmul.f32 v55, v54  }
0x3e6: {  	v17 =	vor.u32 $0x31, v1;
	v16 =	vld.idx.msk [tilespmem:v56+s24+$0x0], $0xffff  }
0x3e7: {  	v18 =	vld.idx.msk [tilespmem:v59+s23+$0x0], $0xffff;
	v2 =	vadd.f32 v3, v2;
	v3 =	vmul.f32 v58, v57  }
0x3e8: {  	v20 =	vor.u32 $0x32, v1;
	v19 =	vld.idx.msk [tilespmem:v59+s24+$0x0], $0xffff  }
0x3e9: {  	v21 =	vld.idx.msk [tilespmem:v62+s23+$0x0], $0xffff;
	v2 =	vadd.f32 v3, v2;
	v3 =	vmul.f32 v61, v60  }
0x3ea: {  	v23 =	vor.u32 $0x33, v1;
	v22 =	vld.idx.msk [tilespmem:v62+s24+$0x0], $0xffff  }
0x3eb: {  	v24 =	vld.idx.msk [tilespmem:v17+s23+$0x0], $0xffff;
	v2 =	vadd.f32 v3, v2;
	v3 =	vmul.f32 v16, v63  }
0x3ec: {  	v26 =	vor.u32 $0x34, v1;
	v25 =	vld.idx.msk [tilespmem:v17+s24+$0x0], $0xffff  }
0x3ed: {  	v27 =	vld.idx.msk [tilespmem:v20+s23+$0x0], $0xffff;
	v2 =	vadd.f32 v3, v2;
	v3 =	vmul.f32 v19, v18  }
0x3ee: {  	v29 =	vor.u32 $0x35, v1;
	v28 =	vld.idx.msk [tilespmem:v20+s24+$0x0], $0xffff  }
0x3ef: {  	v30 =	vld.idx.msk [tilespmem:v23+s23+$0x0], $0xffff;
	v2 =	vadd.f32 v3, v2;
	v3 =	vmul.f32 v22, v21  }
0x3f0: {  	v32 =	vor.u32 $0x36, v1;
	v31 =	vld.idx.msk [tilespmem:v23+s24+$0x0], $0xffff  }
0x3f1: {  	v33 =	vld.idx.msk [tilespmem:v26+s23+$0x0], $0xffff;
	v2 =	vadd.f32 v3, v2;
	v3 =	vmul.f32 v25, v24  }
0x3f2: {  	v35 =	vor.u32 $0x37, v1;
	v34 =	vld.idx.msk [tilespmem:v26+s24+$0x0], $0xffff  }
0x3f3: {  	v36 =	vld.idx.msk [tilespmem:v29+s23+$0x0], $0xffff;
	v2 =	vadd.f32 v3, v2;
	v3 =	vmul.f32 v28, v27  }
0x3f4: {  	v38 =	vor.u32 $0x38, v1;
	v37 =	vld.idx.msk [tilespmem:v29+s24+$0x0], $0xffff  }
0x3f5: {  	v39 =	vld.idx.msk [tilespmem:v32+s23+$0x0], $0xffff;
	v2 =	vadd.f32 v3, v2;
	v3 =	vmul.f32 v31, v30  }
0x3f6: {  	v41 =	vor.u32 $0x39, v1;
	v40 =	vld.idx.msk [tilespmem:v32+s24+$0x0], $0xffff  }
0x3f7: {  	v42 =	vld.idx.msk [tilespmem:v35+s23+$0x0], $0xffff;
	v2 =	vadd.f32 v3, v2;
	v3 =	vmul.f32 v34, v33  }
0x3f8: {  	v44 =	vor.u32 $0x3A, v1;
	v43 =	vld.idx.msk [tilespmem:v35+s24+$0x0], $0xffff  }
0x3f9: {  	v45 =	vld.idx.msk [tilespmem:v38+s23+$0x0], $0xffff;
	v2 =	vadd.f32 v3, v2;
	v3 =	vmul.f32 v37, v36  }
0x3fa: {  	v47 =	vor.u32 $0x3B, v1;
	v46 =	vld.idx.msk [tilespmem:v38+s24+$0x0], $0xffff  }
0x3fb: {  	v48 =	vld.idx.msk [tilespmem:v41+s23+$0x0], $0xffff;
	v2 =	vadd.f32 v3, v2;
	v3 =	vmul.f32 v40, v39  }
0x3fc: {  	v50 =	vor.u32 $0x3C, v1;
	v49 =	vld.idx.msk [tilespmem:v41+s24+$0x0], $0xffff  }
0x3fd: {  	v51 =	vld.idx.msk [tilespmem:v44+s23+$0x0], $0xffff;
	v2 =	vadd.f32 v3, v2;
	v3 =	vmul.f32 v43, v42  }
0x3fe: {  	v53 =	vor.u32 $0x3D, v1;
	v52 =	vld.idx.msk [tilespmem:v44+s24+$0x0], $0xffff  }
0x3ff: {  	v54 =	vld.idx.msk [tilespmem:v47+s23+$0x0], $0xffff;
	v2 =	vadd.f32 v3, v2;
	v3 =	vmul.f32 v46, v45  }
0x400: {  	v56 =	vor.u32 $0x3E, v1;
	v55 =	vld.idx.msk [tilespmem:v47+s24+$0x0], $0xffff  }
0x401: {  	v57 =	vld.idx.msk [tilespmem:v50+s23+$0x0], $0xffff;
	v2 =	vadd.f32 v3, v2;
	v3 =	vmul.f32 v49, v48  }
0x402: {  	v1 =	vor.u32 $0x3F, v1;
	v58 =	vld.idx.msk [tilespmem:v50+s24+$0x0], $0xffff  }
0x403: {  	v59 =	vld.idx.msk [tilespmem:v53+s23+$0x0], $0xffff;
	v2 =	vadd.f32 v3, v2;
	v3 =	vmul.f32 v52, v51  }
0x404: {  	v60 =	vld.idx.msk [tilespmem:v53+s24+$0x0], $0xffff  }
0x405: {  	v62 =	vld.idx.msk [tilespmem:v56+s24+$0x0], $0xffff;
	v2 =	vadd.f32 v3, v2;
	v3 =	vmul.f32 v55, v54  }
0x406: {  	v61 =	vld.idx.msk [tilespmem:v56+s23+$0x0], $0xffff  }
0x407: {  	v63 =	vld.idx.msk [tilespmem:v1+s23+$0x0], $0xffff;
	v2 =	vadd.f32 v3, v2;
	v3 =	vmul.f32 v58, v57  }
0x408: {  	v1 =	vld.idx.msk [tilespmem:v1+s24+$0x0], $0xffff  }
0x409: {  	v2 =	vadd.f32 v3, v2;
	v3 =	vmul.f32 v60, v59;
	_ =	sdelay $0x1  }
0x40a: {  	v2 =	vadd.f32 v3, v2;
	v3 =	vmul.f32 v62, v61;
	_ =	sdelay $0x1  }
0x40b: {  	v1 =	vmul.f32 v1, v63;
	v2 =	vadd.f32 v3, v2;
	_ =	sdelay $0x1  }
0x40c: {  	s30 =	sadd.s32 $0x1, s30;
	v1 =	vadd.f32 v1, v2  }
0x40d: {  	s0 =	sand.u32 $0xF0, s0;
	p0 =	sne.s32 s30, s14  }
.Ltmp2:
0x40e: {  	[tilespmem:s0+$0x10500] =	vst v1;
	(pc) =	sbr.rel @p0 .LBB2_1-.Ltmp2, $4  }
0x40f: {  	[hbm4b:s13+s2] =	stream.linear.scatter [tilespmem:s29], [sflag:$0x2], $0x200, $0x38;
	[tilespmem:$0x10600] =	vst v63  }
0x410: {  	_ =	swait.ge [sflag:s15], $0x200  }
0x411: {  	[sflag:s15] =	ssyncset.done $0x0  }
0x412: {  	[sflag:s15] =	ssyncadd.s32 $0xFFFFFE00  }
0x413: {  	_ =	sfence.sel $0x180000  }
0x414: {  	[bflag:$0x0] =	sbarrier.arrive $0xFFFF  }
0x415: {  	_ =	strace $0x90000047  }
0x416: {  	s0 =	stileid.u32;
	[bflag:$0x2] =	sbarrier.arrive $0xFFFF  }
0x417: {  	p0 =	sne.s32 s0, $0x0;
	s0 =	rddreg [dreg:$0x4]  }
0x418: {  	s0 =	sadd.s32 @!p0 $0x100000, s0  }
0x419: {  	[sflag:s0] =	ssyncadd.tile.s32 @!p0 $0x1;
	_ =	shalt  }
.Lfunc_end2:
_tile_overlayer_lowered:
.L_overlay_start_2:
0x41a: {  	(tag) =	ssettag $0x2  }
0x41b: {  	s0 =	rddreg [dreg:$0x0];
	s2 =	stileid.u32  }
0x41c: {  	s1 =	rddreg [dreg:$0x1];
	p0 =	sne.s32 s2, $0x0  }
0x41d: {  	s3 =	rddreg [dreg:$0x2];
	[bflag:$0x3] =	sbarrier.arrive $0xFFFF;
	s2 =	simm.s32 @!p0 $0x1C02  }
0x41e: {  	[timem:s3], [sflag:s2] =	dma.local @!p0 [hbm:s0], s1  }
0x41f: {  	s0 =	simm.s32 @!p0 $0x2  }
0x420: {  	_ =	swait.ge @!p0 [sflag:s0], s1  }
0x421: {  	s1 =	ssub.s32 @!p0 $0x0, s1;
	[sflag:s0] =	ssyncset.done @!p0 $0x0  }
0x422: {  	[sflag:s0] =	ssyncadd.s32 @!p0 s1  }
0x423: {  	[bflag:$0x3] =	sbarrier.arrive $0xFFFF  }
0x424: {  	_ =	shalt  }

</sc_bundles>
